<compile_context>
chip_gen: v7x
topology: tpu7x:2x2x1
jax: 0.10.2.dev20260603
libtpu: 0.0.44.dev20260713+nightly
codegen_flags: <defaults>
</compile_context>

<pallas_src>
import jax
import jax.numpy as jnp
from jax import lax
from jax.experimental import pallas as pl
from jax.experimental.pallas import tpu as pltpu
from jax.experimental.pallas import tpu_sc as plsc

_ANCHORS = (1.3221, 1.73145, 3.19275, 4.00944, 5.05587, 8.09892, 9.47112,
            4.84053, 11.2364, 10.0071)
_AW = _ANCHORS[0::2]
_AH = _ANCHORS[1::2]
_NA = 5
_NACT = 21
_NOBJ = 45
_C = 5 + _NACT + _NOBJ
_BS = 256
_G = 13
_S = _G * _G
_SIL = 0.6
_OBJ_SCALE = 5.0

_BB = 64
_SPW = 16
_NIDX = _SPW * _C
_NROW = 9
_NPAD = _NROW * 128


def _sig(x):
    return 1.0 / (1.0 + jnp.exp(-x))



def _sc_gather_body(pred_hbm, bbt_hbm, out_hbm, bb_v, idx_v, gath_v, sem):
    nc = 2
    wid = lax.axis_index("s") * nc + lax.axis_index("c")

    @pl.when(wid < _BS // _SPW)
    def _work():
        base = wid * _SPW
        for c in range(4):
            pltpu.sync_copy(bbt_hbm.at[c, pl.ds(base, _SPW)], bb_v.at[c])
        gx = bb_v[0] * float(_G)
        gy = bb_v[1] * float(_G)
        gw = bb_v[2] * float(_G)
        gh = bb_v[3] * float(_G)
        gi = jnp.clip(gx.astype(jnp.int32), 0, _G - 1)
        gj = jnp.clip(gy.astype(jnp.int32), 0, _G - 1)
        zero_i = jnp.zeros((_SPW,), jnp.int32)
        best = zero_i
        best_iou = jnp.zeros((_SPW,), jnp.float32) - 1.0
        for a in range(_NA):
            inter = jnp.minimum(gw, _AW[a]) * jnp.minimum(gh, _AH[a])
            union = gw * gh + _AW[a] * _AH[a] - inter
            iou = inter / jnp.maximum(union, 1e-10)
            upd = iou > best_iou
            best = jnp.where(upd, zero_i + a, best)
            best_iou = jnp.where(upd, iou, best_iou)
        lane = lax.broadcasted_iota(jnp.int32, (_SPW,), 0)
        fi0 = (base + lane) * (_NA * _C * _S) + best * (_C * _S) + gj * _G + gi
        for c in range(_C):
            pos = lane * _C + c
            plsc.store_scatter(idx_v,
                               [lax.div(pos, 128), lax.rem(pos, 128)],
                               fi0 + c * _S)
        ppos = _NIDX + lane
        plsc.store_scatter(idx_v,
                           [lax.div(ppos, 128), lax.rem(ppos, 128)], zero_i)
        copies = [
            pltpu.make_async_copy(pred_hbm.at[idx_v.at[j]],
                                  gath_v.at[pl.ds(j * 128, 128)], sem)
            for j in range(_NROW)
        ]
        for cp in copies:
            cp.start()
        for cp in copies:
            cp.wait()
        pltpu.sync_copy(gath_v.at[pl.ds(0, _NIDX)],
                        out_hbm.at[pl.ds(wid * _NIDX, _NIDX)])


def _make_sc_gather():
    return pl.kernel(
        _sc_gather_body,
        out_type=jax.ShapeDtypeStruct((_BS * _C,), jnp.float32),
        mesh=plsc.VectorSubcoreMesh(core_axis_name="c", subcore_axis_name="s"),
        scratch_types=[
            pltpu.VMEM((4, _SPW), jnp.float32),
            pltpu.VMEM((_NROW, 128), jnp.int32),
            pltpu.VMEM((_NPAD,), jnp.float32),
            pltpu.SemaphoreType.DMA,
        ],
        compiler_params=pltpu.CompilerParams(needs_layout_passes=False),
    )



def _dense_body(p5_ref, bb_ref, out_ref):
    @pl.when(pl.program_id(0) == 0)
    def _init():
        out_ref[...] = jnp.zeros_like(out_ref)

    x = p5_ref[...]
    bb = bb_ref[...]
    s = lax.broadcasted_iota(jnp.int32, (1, _S), 1)
    xi = (s % _G).astype(jnp.float32)
    yj = (s // _G).astype(jnp.float32)
    gx = bb[:, 0:1] * float(_G)
    gy = bb[:, 1:2] * float(_G)
    gw = bb[:, 2:3] * float(_G)
    gh = bb[:, 3:4] * float(_G)
    gx1 = gx - gw * 0.5
    gx2 = gx + gw * 0.5
    gy1 = gy - gh * 0.5
    gy2 = gy + gh * 0.5
    garea = gw * gh
    acc = jnp.zeros((), jnp.float32)
    for a in range(_NA):
        tx = _sig(x[:, 5 * a + 0, :])
        ty = _sig(x[:, 5 * a + 1, :])
        tw = x[:, 5 * a + 2, :]
        th = x[:, 5 * a + 3, :]
        pc = _sig(x[:, 5 * a + 4, :])
        px = tx + xi
        py = ty + yj
        pw = jnp.exp(tw) * _AW[a]
        ph = jnp.exp(th) * _AH[a]
        iw = jnp.maximum(jnp.minimum(px + pw * 0.5, gx2)
                         - jnp.maximum(px - pw * 0.5, gx1), 0.0)
        ih = jnp.maximum(jnp.minimum(py + ph * 0.5, gy2)
                         - jnp.maximum(py - ph * 0.5, gy1), 0.0)
        inter = iw * ih
        union = pw * ph + garea - inter
        iou = inter / jnp.maximum(union, 1e-10)
        mask = jnp.where(iou > _SIL, 0.0, 1.0)
        cell = ((tx - 0.5) ** 2 + (ty - 0.5) ** 2 + tw * tw + th * th
                + mask * pc * pc)
        acc = acc + jnp.sum(cell)
    out_ref[...] = out_ref[...] + (0.5 * acc).reshape(1, 1)



def _corr_body(g_ref, bb_ref, act_ref, obj_ref, out_ref):
    g = g_ref[...]
    bb = bb_ref[...]
    act = act_ref[...]
    obj = obj_ref[...]
    gx = bb[:, 0:1] * float(_G)
    gy = bb[:, 1:2] * float(_G)
    gw = bb[:, 2:3] * float(_G)
    gh = bb[:, 3:4] * float(_G)
    gi = jnp.clip(gx.astype(jnp.int32), 0, _G - 1)
    gj = jnp.clip(gy.astype(jnp.int32), 0, _G - 1)
    gif = gi.astype(jnp.float32)
    gjf = gj.astype(jnp.float32)
    best_iou = jnp.full_like(gx, -1.0)
    abw = jnp.zeros_like(gx)
    abh = jnp.zeros_like(gx)
    for a in range(_NA):
        inter = jnp.minimum(gw, _AW[a]) * jnp.minimum(gh, _AH[a])
        union = gw * gh + _AW[a] * _AH[a] - inter
        iou = inter / jnp.maximum(union, 1e-10)
        upd = iou > best_iou
        best_iou = jnp.where(upd, iou, best_iou)
        abw = jnp.where(upd, _AW[a], abw)
        abh = jnp.where(upd, _AH[a], abh)
    x0 = g[:, 0:1]
    x1 = g[:, 1:2]
    x2 = g[:, 2:3]
    x3 = g[:, 3:4]
    x4 = g[:, 4:5]
    tx = _sig(x0)
    ty = _sig(x1)
    pc = _sig(x4)
    coord_new = ((tx - (gx - gif)) ** 2 + (ty - (gy - gjf)) ** 2
                 + (x2 - jnp.log(gw / abw)) ** 2
                 + (x3 - jnp.log(gh / abh)) ** 2)
    coord_old = (tx - 0.5) ** 2 + (ty - 0.5) ** 2 + x2 * x2 + x3 * x3
    px = tx + gif
    py = ty + gjf
    pw = jnp.exp(x2) * abw
    ph = jnp.exp(x3) * abh
    iw = jnp.maximum(jnp.minimum(px + pw * 0.5, gx + gw * 0.5)
                     - jnp.maximum(px - pw * 0.5, gx - gw * 0.5), 0.0)
    ih = jnp.maximum(jnp.minimum(py + ph * 0.5, gy + gh * 0.5)
                     - jnp.maximum(py - ph * 0.5, gy - gh * 0.5), 0.0)
    inter = iw * ih
    union = pw * ph + gw * gh - inter
    iou_t = inter / jnp.maximum(union, 1e-10)
    conf_corr = (_OBJ_SCALE * (pc - iou_t) ** 2
                 - jnp.where(iou_t > _SIL, 0.0, 1.0) * pc * pc)
    la = g[:, 5:5 + _NACT]
    lo = g[:, 5 + _NACT:]
    ma = jnp.max(la, axis=1, keepdims=True)
    lse_a = ma + jnp.log(jnp.sum(jnp.exp(la - ma), axis=1, keepdims=True))
    sel_a = jnp.sum(jnp.where(
        lax.broadcasted_iota(jnp.int32, (_BS, _NACT), 1) == act, la, 0.0),
        axis=1, keepdims=True)
    mo = jnp.max(lo, axis=1, keepdims=True)
    lse_o = mo + jnp.log(jnp.sum(jnp.exp(lo - mo), axis=1, keepdims=True))
    sel_o = jnp.sum(jnp.where(
        lax.broadcasted_iota(jnp.int32, (_BS, _NOBJ), 1) == obj, lo, 0.0),
        axis=1, keepdims=True)
    total = jnp.sum(0.5 * (coord_new - coord_old + conf_corr)
                    - (sel_a - lse_a) - (sel_o - lse_o))
    out_ref[...] = total.reshape(1, 1)



def kernel(pred, bbox_gt, action_gt, obj_gt):
    pred = pred.astype(jnp.float32)
    pred_flat = pred.reshape(-1)
    bbt = bbox_gt.T
    gathered = _make_sc_gather()(pred_flat, bbt).reshape(_BS, _C)
    p5 = pred.reshape(_BS, _NA, _C, _S)[:, :, :5, :].reshape(_BS, _NA * 5, _S)
    dense = pl.pallas_call(
        _dense_body,
        grid=(_BS // _BB,),
        in_specs=[
            pl.BlockSpec((_BB, _NA * 5, _S), lambda i: (i, 0, 0)),
            pl.BlockSpec((_BB, 4), lambda i: (i, 0)),
        ],
        out_specs=pl.BlockSpec((1, 1), lambda i: (0, 0)),
        out_shape=jax.ShapeDtypeStruct((1, 1), jnp.float32),
    )(p5, bbox_gt)
    corr = pl.pallas_call(
        _corr_body,
        in_specs=[
            pl.BlockSpec((_BS, _C), lambda: (0, 0)),
            pl.BlockSpec((_BS, 4), lambda: (0, 0)),
            pl.BlockSpec((_BS, 1), lambda: (0, 0)),
            pl.BlockSpec((_BS, 1), lambda: (0, 0)),
        ],
        out_specs=pl.BlockSpec((1, 1), lambda: (0, 0)),
        out_shape=jax.ShapeDtypeStruct((1, 1), jnp.float32),
    )(gathered, bbox_gt,
      action_gt.reshape(_BS, 1).astype(jnp.int32),
      obj_gt.reshape(_BS, 1).astype(jnp.int32))
    return dense[0, 0] + corr[0, 0]

# --- scband reference (transcript-rebuilt; emitter-appended) ---
"""Pipeline reference for scband-hpo-bbox-ar-loss-85074712199850 (READ-ONLY COPY).

The authoritative reference and input builder live on the scoring server;
editing this copy changes nothing except your own understanding.
"""

import jax, jax.numpy as jnp
import numpy as np

OBJECT_SCALE = 5.0
NO_OBJECT_SCALE = 1.0
COORD_SCALE = 1.0
SIL_THRESH = 0.6
ANCHORS = [1.3221, 1.73145, 3.19275, 4.00944, 5.05587, 8.09892, 9.47112, 4.84053, 11.2364, 10.0071]
NA = 5
NUM_ACTION = 21
NUM_OBJ = 45
BS = 256
GRID = 13


def bbox_iou(a, b):
    # boxes in (cx, cy, w, h) format, last dim = 4, broadcastable
    ax1 = a[..., 0] - a[..., 2] / 2.0
    ax2 = a[..., 0] + a[..., 2] / 2.0
    ay1 = a[..., 1] - a[..., 3] / 2.0
    ay2 = a[..., 1] + a[..., 3] / 2.0
    bx1 = b[..., 0] - b[..., 2] / 2.0
    bx2 = b[..., 0] + b[..., 2] / 2.0
    by1 = b[..., 1] - b[..., 3] / 2.0
    by2 = b[..., 1] + b[..., 3] / 2.0
    iw = jnp.clip(jnp.minimum(ax2, bx2) - jnp.maximum(ax1, bx1), 0.0)
    ih = jnp.clip(jnp.minimum(ay2, by2) - jnp.maximum(ay1, by1), 0.0)
    inter = iw * ih
    union = a[..., 2] * a[..., 3] + b[..., 2] * b[..., 3] - inter
    return inter / jnp.maximum(union, 1e-10)


def setup_inputs(seed: int = 0):
    key = jax.random.key(seed)
    k1, k2, k3, k4 = jax.random.split(key, 4)
    pred = jax.random.normal(k1, (BS, NA * (5 + NUM_ACTION + NUM_OBJ), GRID, GRID), dtype=jnp.float32)
    # normalized gt boxes in (0,1); keep w,h away from 0 so log(gw/anchor) is finite
    bbox_gt = jax.random.uniform(k2, (BS, 4), dtype=jnp.float32, minval=0.05, maxval=0.95)
    action_gt = jax.random.randint(k3, (BS,), 0, NUM_ACTION)
    obj_gt = jax.random.randint(k4, (BS,), 0, NUM_OBJ)
    return {"pred": pred, "bbox_gt": bbox_gt, "action_gt": action_gt, "obj_gt": obj_gt}


def _forward(pred, bbox_gt, action_gt, obj_gt):
    sg = jax.lax.stop_gradient
    bs = pred.shape[0]
    W = pred.shape[2]
    H = pred.shape[3]
    p = pred.reshape(bs, NA, 5 + NUM_ACTION + NUM_OBJ, H, W)
    tx = jax.nn.sigmoid(p[:, :, 0])
    ty = jax.nn.sigmoid(p[:, :, 1])
    tw = p[:, :, 2]
    th = p[:, :, 3]
    pred_conf = jax.nn.sigmoid(p[:, :, 4])
    pred_action = p[:, :, 5:5 + NUM_ACTION]
    pred_obj = p[:, :, 5 + NUM_ACTION:]
    yv, xv = jnp.meshgrid(jnp.arange(H, dtype=jnp.float32), jnp.arange(W, dtype=jnp.float32), indexing='ij')
    anc = jnp.array(ANCHORS, dtype=jnp.float32).reshape(NA, 2)
    aw = anc[:, 0].reshape(1, NA, 1, 1)
    ah = anc[:, 1].reshape(1, NA, 1, 1)
    # detached predicted boxes with grid offsets
    px = sg(tx) + xv
    py = sg(ty) + yv
    pw = jnp.exp(sg(tw)) * aw
    ph = jnp.exp(sg(th)) * ah
    pred_boxes_ofs = jnp.stack([px, py, pw, ph], axis=2)  # (bs, na, 4, H, W)
    # scale targets to grid
    t = sg(bbox_gt) * jnp.array([W, H, W, H], dtype=jnp.float32)
    gx, gy, gw, gh = t[:, 0], t[:, 1], t[:, 2], t[:, 3]
    gi = jnp.clip(gx.astype(jnp.int32), 0, W - 1)
    gj = jnp.clip(gy.astype(jnp.int32), 0, H - 1)
    # conf mask: iou of gt box against every predicted box of same batch
    pb_flat = pred_boxes_ofs.transpose(0, 1, 3, 4, 2).reshape(bs, -1, 4)
    iou_all = bbox_iou(t[:, None, :], pb_flat)
    iou_all = jnp.maximum(iou_all, 0.0).reshape(bs, NA, H, W)
    conf_mask = jnp.where(iou_all > SIL_THRESH, 0.0, NO_OBJECT_SCALE)
    # best anchor by wh iou at origin
    inter = jnp.minimum(gw[:, None], anc[None, :, 0]) * jnp.minimum(gh[:, None], anc[None, :, 1])
    union = gw[:, None] * gh[:, None] + anc[None, :, 0] * anc[None, :, 1] - inter
    iou_anc = inter / jnp.maximum(union, 1e-10)
    best = jnp.argmax(iou_anc, axis=1)
    b_idx = jnp.arange(bs)
    pred_box_at = pred_boxes_ofs[b_idx, best, :, gj, gi]  # (bs, 4)
    iou_t = bbox_iou(t, pred_box_at)
    # epoch < 1 warmup: coord mask all 1, target xy centered at 0.5
    coord_mask = jnp.ones((bs, NA, H, W), dtype=jnp.float32)
    target_box = jnp.zeros((bs, NA, 4, H, W), dtype=jnp.float32)
    target_box = target_box.at[:, :, 0].set(0.5).at[:, :, 1].set(0.5)
    abw = anc[best, 0]
    abh = anc[best, 1]
    target_box = target_box.at[b_idx, best, 0, gj, gi].set(gx - gi.astype(jnp.float32))
    target_box = target_box.at[b_idx, best, 1, gj, gi].set(gy - gj.astype(jnp.float32))
    target_box = target_box.at[b_idx, best, 2, gj, gi].set(jnp.log(gw / abw))
    target_box = target_box.at[b_idx, best, 3, gj, gi].set(jnp.log(gh / abh))
    coord_mask = coord_mask.at[b_idx, best, gj, gi].set(1.0)
    conf_mask = conf_mask.at[b_idx, best, gj, gi].set(OBJECT_SCALE)
    target_conf = jnp.zeros((bs, NA, H, W), dtype=jnp.float32).at[b_idx, best, gj, gi].set(iou_t)
    # losses
    pred_xywh = jnp.stack([tx, ty, tw, th], axis=2)  # (bs, na, 4, H, W)
    loss_coord = COORD_SCALE * jnp.sum(coord_mask[:, :, None] * (pred_xywh - sg(target_box)) ** 2) / 2.0
    loss_conf = jnp.sum(conf_mask * (pred_conf - sg(target_conf)) ** 2) / 2.0
    logp_a = jax.nn.log_softmax(pred_action, axis=2)
    loss_action = -jnp.sum(logp_a[b_idx, best, action_gt, gj, gi])
    logp_o = jax.nn.log_softmax(pred_obj, axis=2)
    loss_obj = -jnp.sum(logp_o[b_idx, best, obj_gt, gj, gi])
    return loss_coord + loss_conf + loss_action + loss_obj


def reference(pred, bbox_gt, action_gt, obj_gt):
    return _forward(pred, bbox_gt, action_gt, obj_gt)

if __name__ == "__main__":
    import jax
    _d = setup_inputs()
    print(jax.jit(kernel)(*tuple(_d.values())))

</pallas_src>

<mosaic_0001>
#map = affine_map<(d0, d1) -> (0)>
#map1 = affine_map<(d0, d1) -> (0, 0)>
module attributes {stable_mosaic.version = 14 : i64} {
  func.func @_sc_gather_body(%arg0: i32, %arg1: i32, %arg2: memref<15358720xf32, #tpu.memory_space<hbm>>, %arg3: memref<4x256xf32, #tpu.memory_space<hbm>>, %arg4: memref<18176xf32, #tpu.memory_space<hbm>>, %arg5: memref<4x16xf32, #tpu.memory_space<vmem>>, %arg6: memref<9x128xi32, #tpu.memory_space<vmem>>, %arg7: memref<1152xf32, #tpu.memory_space<vmem>>, %arg8: memref<!tpu.dma_semaphore, #tpu.memory_space<semaphore_mem>>) attributes {dimension_semantics = [#tpu.dimension_semantics<core_parallel>, #tpu.dimension_semantics<subcore_parallel>], iteration_bounds = array<i64: 2, 16>, scalar_prefetch = 0 : i64, scratch_operands = 4 : i64, tpu.core_type = #tpu.core_type<sc_vector_subcore>, window_params = [{transform_indices = #map}, {transform_indices = #map1}, {transform_indices = #map}]} {
    %mul3A = arith.constant 2 : i32
    %mul3A_0 = arith.muli %arg1, %mul3A : i32
    %add3A = arith.addi %mul3A_0, %arg0 : i32
    %lt3A = arith.constant 16 : i32
    %lt3A_1 = arith.cmpi slt, %add3A, %lt3A : i32
    %convert_element_type3A = arith.extui %lt3A_1 : i1 to i32
    %cond3A = arith.constant 0 : i32
    %cond3A_2 = arith.cmpi ne, %convert_element_type3A, %cond3A : i32
    scf.if %cond3A_2 {
      %mul3A_3 = arith.constant 16 : i32
      %mul3A_4 = arith.muli %add3A, %mul3A_3 : i32
      %run_scoped3A = arith.constant 0 : i32
      %run_scoped3A_5 = arith.constant 0 : i32
      "tpu.region"() ({
        %run_scoped3A_1393 = tpu.sem_alloc : memref<!tpu.dma_semaphore, #tpu.memory_space<semaphore_mem>>
        %dma_start3A_1394 = arith.constant 0 : i32
        %dma_start3A_1395 = tpu.memref_slice %arg5[%run_scoped3A_5, %dma_start3A_1394] : memref<4x16xf32, #tpu.memory_space<vmem>> -> memref<1x16xf32, #tpu.memory_space<vmem>>
        %dma_start3A_1396 = tpu.memref_squeeze %dma_start3A_1395 : memref<1x16xf32, #tpu.memory_space<vmem>> -> memref<16xf32, #tpu.memory_space<vmem>>
        %dma_start3A_1397 = tpu.memref_slice %arg3[%run_scoped3A, %mul3A_4] : memref<4x256xf32, #tpu.memory_space<hbm>> -> memref<1x16xf32, #tpu.memory_space<hbm>>
        %dma_start3A_1398 = tpu.memref_squeeze %dma_start3A_1397 : memref<1x16xf32, #tpu.memory_space<hbm>> -> memref<16xf32, #tpu.memory_space<hbm>>
        %dma_start3A_1399 = arith.constant 0 : i32
        %dma_start3A_1400 = tpu.memref_slice %arg5[%run_scoped3A_5, %dma_start3A_1399] : memref<4x16xf32, #tpu.memory_space<vmem>> -> memref<1x16xf32, #tpu.memory_space<vmem>>
        %dma_start3A_1401 = tpu.memref_squeeze %dma_start3A_1400 : memref<1x16xf32, #tpu.memory_space<vmem>> -> memref<16xf32, #tpu.memory_space<vmem>>
        %dma_start3A_1402 = tpu.memref_slice %arg3[%run_scoped3A, %mul3A_4] : memref<4x256xf32, #tpu.memory_space<hbm>> -> memref<1x16xf32, #tpu.memory_space<hbm>>
        %dma_start3A_1403 = tpu.memref_squeeze %dma_start3A_1402 : memref<1x16xf32, #tpu.memory_space<hbm>> -> memref<16xf32, #tpu.memory_space<hbm>>
        tpu.enqueue_dma source(%dma_start3A_1403 : memref<16xf32, #tpu.memory_space<hbm>>) target(%dma_start3A_1401 : memref<16xf32, #tpu.memory_space<vmem>>) target_semaphore(%run_scoped3A_1393 : memref<!tpu.dma_semaphore, #tpu.memory_space<semaphore_mem>>)
        %dma_wait3A_1404 = arith.constant 0 : i32
        %dma_wait3A_1405 = tpu.memref_slice %arg5[%run_scoped3A_5, %dma_wait3A_1404] : memref<4x16xf32, #tpu.memory_space<vmem>> -> memref<1x16xf32, #tpu.memory_space<vmem>>
        %dma_wait3A_1406 = tpu.memref_squeeze %dma_wait3A_1405 : memref<1x16xf32, #tpu.memory_space<vmem>> -> memref<16xf32, #tpu.memory_space<vmem>>
        %dma_wait3A_1407 = tpu.memref_slice %arg3[%run_scoped3A, %mul3A_4] : memref<4x256xf32, #tpu.memory_space<hbm>> -> memref<1x16xf32, #tpu.memory_space<hbm>>
        %dma_wait3A_1408 = tpu.memref_squeeze %dma_wait3A_1407 : memref<1x16xf32, #tpu.memory_space<hbm>> -> memref<16xf32, #tpu.memory_space<hbm>>
        %dma_wait3A_1409 = arith.constant 0 : i32
        %dma_wait3A_1410 = tpu.memref_slice %arg5[%run_scoped3A_5, %dma_wait3A_1409] : memref<4x16xf32, #tpu.memory_space<vmem>> -> memref<1x16xf32, #tpu.memory_space<vmem>>
        %dma_wait3A_1411 = tpu.memref_squeeze %dma_wait3A_1410 : memref<1x16xf32, #tpu.memory_space<vmem>> -> memref<16xf32, #tpu.memory_space<vmem>>
        %dma_wait3A_1412 = tpu.memref_slice %arg3[%run_scoped3A, %mul3A_4] : memref<4x256xf32, #tpu.memory_space<hbm>> -> memref<1x16xf32, #tpu.memory_space<hbm>>
        %dma_wait3A_1413 = tpu.memref_squeeze %dma_wait3A_1412 : memref<1x16xf32, #tpu.memory_space<hbm>> -> memref<16xf32, #tpu.memory_space<hbm>>
        tpu.wait_dma2 semaphore(%run_scoped3A_1393 : memref<!tpu.dma_semaphore, #tpu.memory_space<semaphore_mem>>) src(%dma_wait3A_1413 : memref<16xf32, #tpu.memory_space<hbm>>) dst(%dma_wait3A_1411 : memref<16xf32, #tpu.memory_space<vmem>>)
        tpu.yield
      }) : () -> ()
      %run_scoped3A_6 = arith.constant 1 : i32
      %run_scoped3A_7 = arith.constant 1 : i32
      "tpu.region"() ({
        %run_scoped3A_1393 = tpu.sem_alloc : memref<!tpu.dma_semaphore, #tpu.memory_space<semaphore_mem>>
        %dma_start3A_1394 = arith.constant 0 : i32
        %dma_start3A_1395 = tpu.memref_slice %arg5[%run_scoped3A_7, %dma_start3A_1394] : memref<4x16xf32, #tpu.memory_space<vmem>> -> memref<1x16xf32, #tpu.memory_space<vmem>>
        %dma_start3A_1396 = tpu.memref_squeeze %dma_start3A_1395 : memref<1x16xf32, #tpu.memory_space<vmem>> -> memref<16xf32, #tpu.memory_space<vmem>>
        %dma_start3A_1397 = tpu.memref_slice %arg3[%run_scoped3A_6, %mul3A_4] : memref<4x256xf32, #tpu.memory_space<hbm>> -> memref<1x16xf32, #tpu.memory_space<hbm>>
        %dma_start3A_1398 = tpu.memref_squeeze %dma_start3A_1397 : memref<1x16xf32, #tpu.memory_space<hbm>> -> memref<16xf32, #tpu.memory_space<hbm>>
        %dma_start3A_1399 = arith.constant 0 : i32
        %dma_start3A_1400 = tpu.memref_slice %arg5[%run_scoped3A_7, %dma_start3A_1399] : memref<4x16xf32, #tpu.memory_space<vmem>> -> memref<1x16xf32, #tpu.memory_space<vmem>>
        %dma_start3A_1401 = tpu.memref_squeeze %dma_start3A_1400 : memref<1x16xf32, #tpu.memory_space<vmem>> -> memref<16xf32, #tpu.memory_space<vmem>>
        %dma_start3A_1402 = tpu.memref_slice %arg3[%run_scoped3A_6, %mul3A_4] : memref<4x256xf32, #tpu.memory_space<hbm>> -> memref<1x16xf32, #tpu.memory_space<hbm>>
        %dma_start3A_1403 = tpu.memref_squeeze %dma_start3A_1402 : memref<1x16xf32, #tpu.memory_space<hbm>> -> memref<16xf32, #tpu.memory_space<hbm>>
        tpu.enqueue_dma source(%dma_start3A_1403 : memref<16xf32, #tpu.memory_space<hbm>>) target(%dma_start3A_1401 : memref<16xf32, #tpu.memory_space<vmem>>) target_semaphore(%run_scoped3A_1393 : memref<!tpu.dma_semaphore, #tpu.memory_space<semaphore_mem>>)
        %dma_wait3A_1404 = arith.constant 0 : i32
        %dma_wait3A_1405 = tpu.memref_slice %arg5[%run_scoped3A_7, %dma_wait3A_1404] : memref<4x16xf32, #tpu.memory_space<vmem>> -> memref<1x16xf32, #tpu.memory_space<vmem>>
        %dma_wait3A_1406 = tpu.memref_squeeze %dma_wait3A_1405 : memref<1x16xf32, #tpu.memory_space<vmem>> -> memref<16xf32, #tpu.memory_space<vmem>>
        %dma_wait3A_1407 = tpu.memref_slice %arg3[%run_scoped3A_6, %mul3A_4] : memref<4x256xf32, #tpu.memory_space<hbm>> -> memref<1x16xf32, #tpu.memory_space<hbm>>
        %dma_wait3A_1408 = tpu.memref_squeeze %dma_wait3A_1407 : memref<1x16xf32, #tpu.memory_space<hbm>> -> memref<16xf32, #tpu.memory_space<hbm>>
        %dma_wait3A_1409 = arith.constant 0 : i32
        %dma_wait3A_1410 = tpu.memref_slice %arg5[%run_scoped3A_7, %dma_wait3A_1409] : memref<4x16xf32, #tpu.memory_space<vmem>> -> memref<1x16xf32, #tpu.memory_space<vmem>>
        %dma_wait3A_1411 = tpu.memref_squeeze %dma_wait3A_1410 : memref<1x16xf32, #tpu.memory_space<vmem>> -> memref<16xf32, #tpu.memory_space<vmem>>
        %dma_wait3A_1412 = tpu.memref_slice %arg3[%run_scoped3A_6, %mul3A_4] : memref<4x256xf32, #tpu.memory_space<hbm>> -> memref<1x16xf32, #tpu.memory_space<hbm>>
        %dma_wait3A_1413 = tpu.memref_squeeze %dma_wait3A_1412 : memref<1x16xf32, #tpu.memory_space<hbm>> -> memref<16xf32, #tpu.memory_space<hbm>>
        tpu.wait_dma2 semaphore(%run_scoped3A_1393 : memref<!tpu.dma_semaphore, #tpu.memory_space<semaphore_mem>>) src(%dma_wait3A_1413 : memref<16xf32, #tpu.memory_space<hbm>>) dst(%dma_wait3A_1411 : memref<16xf32, #tpu.memory_space<vmem>>)
        tpu.yield
      }) : () -> ()
      %run_scoped3A_8 = arith.constant 2 : i32
      %run_scoped3A_9 = arith.constant 2 : i32
      "tpu.region"() ({
        %run_scoped3A_1393 = tpu.sem_alloc : memref<!tpu.dma_semaphore, #tpu.memory_space<semaphore_mem>>
        %dma_start3A_1394 = arith.constant 0 : i32
        %dma_start3A_1395 = tpu.memref_slice %arg5[%run_scoped3A_9, %dma_start3A_1394] : memref<4x16xf32, #tpu.memory_space<vmem>> -> memref<1x16xf32, #tpu.memory_space<vmem>>
        %dma_start3A_1396 = tpu.memref_squeeze %dma_start3A_1395 : memref<1x16xf32, #tpu.memory_space<vmem>> -> memref<16xf32, #tpu.memory_space<vmem>>
        %dma_start3A_1397 = tpu.memref_slice %arg3[%run_scoped3A_8, %mul3A_4] : memref<4x256xf32, #tpu.memory_space<hbm>> -> memref<1x16xf32, #tpu.memory_space<hbm>>
        %dma_start3A_1398 = tpu.memref_squeeze %dma_start3A_1397 : memref<1x16xf32, #tpu.memory_space<hbm>> -> memref<16xf32, #tpu.memory_space<hbm>>
        %dma_start3A_1399 = arith.constant 0 : i32
        %dma_start3A_1400 = tpu.memref_slice %arg5[%run_scoped3A_9, %dma_start3A_1399] : memref<4x16xf32, #tpu.memory_space<vmem>> -> memref<1x16xf32, #tpu.memory_space<vmem>>
        %dma_start3A_1401 = tpu.memref_squeeze %dma_start3A_1400 : memref<1x16xf32, #tpu.memory_space<vmem>> -> memref<16xf32, #tpu.memory_space<vmem>>
        %dma_start3A_1402 = tpu.memref_slice %arg3[%run_scoped3A_8, %mul3A_4] : memref<4x256xf32, #tpu.memory_space<hbm>> -> memref<1x16xf32, #tpu.memory_space<hbm>>
        %dma_start3A_1403 = tpu.memref_squeeze %dma_start3A_1402 : memref<1x16xf32, #tpu.memory_space<hbm>> -> memref<16xf32, #tpu.memory_space<hbm>>
        tpu.enqueue_dma source(%dma_start3A_1403 : memref<16xf32, #tpu.memory_space<hbm>>) target(%dma_start3A_1401 : memref<16xf32, #tpu.memory_space<vmem>>) target_semaphore(%run_scoped3A_1393 : memref<!tpu.dma_semaphore, #tpu.memory_space<semaphore_mem>>)
        %dma_wait3A_1404 = arith.constant 0 : i32
        %dma_wait3A_1405 = tpu.memref_slice %arg5[%run_scoped3A_9, %dma_wait3A_1404] : memref<4x16xf32, #tpu.memory_space<vmem>> -> memref<1x16xf32, #tpu.memory_space<vmem>>
        %dma_wait3A_1406 = tpu.memref_squeeze %dma_wait3A_1405 : memref<1x16xf32, #tpu.memory_space<vmem>> -> memref<16xf32, #tpu.memory_space<vmem>>
        %dma_wait3A_1407 = tpu.memref_slice %arg3[%run_scoped3A_8, %mul3A_4] : memref<4x256xf32, #tpu.memory_space<hbm>> -> memref<1x16xf32, #tpu.memory_space<hbm>>
        %dma_wait3A_1408 = tpu.memref_squeeze %dma_wait3A_1407 : memref<1x16xf32, #tpu.memory_space<hbm>> -> memref<16xf32, #tpu.memory_space<hbm>>
        %dma_wait3A_1409 = arith.constant 0 : i32
        %dma_wait3A_1410 = tpu.memref_slice %arg5[%run_scoped3A_9, %dma_wait3A_1409] : memref<4x16xf32, #tpu.memory_space<vmem>> -> memref<1x16xf32, #tpu.memory_space<vmem>>
        %dma_wait3A_1411 = tpu.memref_squeeze %dma_wait3A_1410 : memref<1x16xf32, #tpu.memory_space<vmem>> -> memref<16xf32, #tpu.memory_space<vmem>>
        %dma_wait3A_1412 = tpu.memref_slice %arg3[%run_scoped3A_8, %mul3A_4] : memref<4x256xf32, #tpu.memory_space<hbm>> -> memref<1x16xf32, #tpu.memory_space<hbm>>
        %dma_wait3A_1413 = tpu.memref_squeeze %dma_wait3A_1412 : memref<1x16xf32, #tpu.memory_space<hbm>> -> memref<16xf32, #tpu.memory_space<hbm>>
        tpu.wait_dma2 semaphore(%run_scoped3A_1393 : memref<!tpu.dma_semaphore, #tpu.memory_space<semaphore_mem>>) src(%dma_wait3A_1413 : memref<16xf32, #tpu.memory_space<hbm>>) dst(%dma_wait3A_1411 : memref<16xf32, #tpu.memory_space<vmem>>)
        tpu.yield
      }) : () -> ()
      %run_scoped3A_10 = arith.constant 3 : i32
      %run_scoped3A_11 = arith.constant 3 : i32
      "tpu.region"() ({
        %run_scoped3A_1393 = tpu.sem_alloc : memref<!tpu.dma_semaphore, #tpu.memory_space<semaphore_mem>>
        %dma_start3A_1394 = arith.constant 0 : i32
        %dma_start3A_1395 = tpu.memref_slice %arg5[%run_scoped3A_11, %dma_start3A_1394] : memref<4x16xf32, #tpu.memory_space<vmem>> -> memref<1x16xf32, #tpu.memory_space<vmem>>
        %dma_start3A_1396 = tpu.memref_squeeze %dma_start3A_1395 : memref<1x16xf32, #tpu.memory_space<vmem>> -> memref<16xf32, #tpu.memory_space<vmem>>
        %dma_start3A_1397 = tpu.memref_slice %arg3[%run_scoped3A_10, %mul3A_4] : memref<4x256xf32, #tpu.memory_space<hbm>> -> memref<1x16xf32, #tpu.memory_space<hbm>>
        %dma_start3A_1398 = tpu.memref_squeeze %dma_start3A_1397 : memref<1x16xf32, #tpu.memory_space<hbm>> -> memref<16xf32, #tpu.memory_space<hbm>>
        %dma_start3A_1399 = arith.constant 0 : i32
        %dma_start3A_1400 = tpu.memref_slice %arg5[%run_scoped3A_11, %dma_start3A_1399] : memref<4x16xf32, #tpu.memory_space<vmem>> -> memref<1x16xf32, #tpu.memory_space<vmem>>
        %dma_start3A_1401 = tpu.memref_squeeze %dma_start3A_1400 : memref<1x16xf32, #tpu.memory_space<vmem>> -> memref<16xf32, #tpu.memory_space<vmem>>
        %dma_start3A_1402 = tpu.memref_slice %arg3[%run_scoped3A_10, %mul3A_4] : memref<4x256xf32, #tpu.memory_space<hbm>> -> memref<1x16xf32, #tpu.memory_space<hbm>>
        %dma_start3A_1403 = tpu.memref_squeeze %dma_start3A_1402 : memref<1x16xf32, #tpu.memory_space<hbm>> -> memref<16xf32, #tpu.memory_space<hbm>>
        tpu.enqueue_dma source(%dma_start3A_1403 : memref<16xf32, #tpu.memory_space<hbm>>) target(%dma_start3A_1401 : memref<16xf32, #tpu.memory_space<vmem>>) target_semaphore(%run_scoped3A_1393 : memref<!tpu.dma_semaphore, #tpu.memory_space<semaphore_mem>>)
        %dma_wait3A_1404 = arith.constant 0 : i32
        %dma_wait3A_1405 = tpu.memref_slice %arg5[%run_scoped3A_11, %dma_wait3A_1404] : memref<4x16xf32, #tpu.memory_space<vmem>> -> memref<1x16xf32, #tpu.memory_space<vmem>>
        %dma_wait3A_1406 = tpu.memref_squeeze %dma_wait3A_1405 : memref<1x16xf32, #tpu.memory_space<vmem>> -> memref<16xf32, #tpu.memory_space<vmem>>
        %dma_wait3A_1407 = tpu.memref_slice %arg3[%run_scoped3A_10, %mul3A_4] : memref<4x256xf32, #tpu.memory_space<hbm>> -> memref<1x16xf32, #tpu.memory_space<hbm>>
        %dma_wait3A_1408 = tpu.memref_squeeze %dma_wait3A_1407 : memref<1x16xf32, #tpu.memory_space<hbm>> -> memref<16xf32, #tpu.memory_space<hbm>>
        %dma_wait3A_1409 = arith.constant 0 : i32
        %dma_wait3A_1410 = tpu.memref_slice %arg5[%run_scoped3A_11, %dma_wait3A_1409] : memref<4x16xf32, #tpu.memory_space<vmem>> -> memref<1x16xf32, #tpu.memory_space<vmem>>
        %dma_wait3A_1411 = tpu.memref_squeeze %dma_wait3A_1410 : memref<1x16xf32, #tpu.memory_space<vmem>> -> memref<16xf32, #tpu.memory_space<vmem>>
        %dma_wait3A_1412 = tpu.memref_slice %arg3[%run_scoped3A_10, %mul3A_4] : memref<4x256xf32, #tpu.memory_space<hbm>> -> memref<1x16xf32, #tpu.memory_space<hbm>>
        %dma_wait3A_1413 = tpu.memref_squeeze %dma_wait3A_1412 : memref<1x16xf32, #tpu.memory_space<hbm>> -> memref<16xf32, #tpu.memory_space<hbm>>
        tpu.wait_dma2 semaphore(%run_scoped3A_1393 : memref<!tpu.dma_semaphore, #tpu.memory_space<semaphore_mem>>) src(%dma_wait3A_1413 : memref<16xf32, #tpu.memory_space<hbm>>) dst(%dma_wait3A_1411 : memref<16xf32, #tpu.memory_space<vmem>>)
        tpu.yield
      }) : () -> ()
      %get3A = arith.constant 0 : i32
      %get3A_12 = arith.index_cast %get3A : i32 to index
      %get3A_13 = arith.constant 0 : index
      %get3A_14 = tpu.vector_load %arg5[%get3A_12, %get3A_13] {strides = array<i32>} : memref<4x16xf32, #tpu.memory_space<vmem>>, vector<16xf32>,
      %mul3A_15 = arith.constant 1.300000e+01 : f32
      %mul3A_16 = vector.broadcast %mul3A_15 : f32 to vector<16xf32>
      %mul3A_17 = arith.mulf %get3A_14, %mul3A_16 : vector<16xf32>
      %get3A_18 = arith.constant 1 : i32
      %get3A_19 = arith.index_cast %get3A_18 : i32 to index
      %get3A_20 = arith.constant 0 : index
      %get3A_21 = tpu.vector_load %arg5[%get3A_19, %get3A_20] {strides = array<i32>} : memref<4x16xf32, #tpu.memory_space<vmem>>, vector<16xf32>,
      %mul3A_22 = arith.constant 1.300000e+01 : f32
      %mul3A_23 = vector.broadcast %mul3A_22 : f32 to vector<16xf32>
      %mul3A_24 = arith.mulf %get3A_21, %mul3A_23 : vector<16xf32>
      %get3A_25 = arith.constant 2 : i32
      %get3A_26 = arith.index_cast %get3A_25 : i32 to index
      %get3A_27 = arith.constant 0 : index
      %get3A_28 = tpu.vector_load %arg5[%get3A_26, %get3A_27] {strides = array<i32>} : memref<4x16xf32, #tpu.memory_space<vmem>>, vector<16xf32>,
      %mul3A_29 = arith.constant 1.300000e+01 : f32
      %mul3A_30 = vector.broadcast %mul3A_29 : f32 to vector<16xf32>
      %mul3A_31 = arith.mulf %get3A_28, %mul3A_30 : vector<16xf32>
      %get3A_32 = arith.constant 3 : i32
      %get3A_33 = arith.index_cast %get3A_32 : i32 to index
      %get3A_34 = arith.constant 0 : index
      %get3A_35 = tpu.vector_load %arg5[%get3A_33, %get3A_34] {strides = array<i32>} : memref<4x16xf32, #tpu.memory_space<vmem>>, vector<16xf32>,
      %mul3A_36 = arith.constant 1.300000e+01 : f32
      %mul3A_37 = vector.broadcast %mul3A_36 : f32 to vector<16xf32>
      %mul3A_38 = arith.mulf %get3A_35, %mul3A_37 : vector<16xf32>
      %convert_element_type3A_39 = arith.fptosi %mul3A_17 : vector<16xf32> to vector<16xi32>
      %jit3A = arith.constant 0 : i32
      %jit3A_40 = arith.constant 12 : i32
      %max3A = vector.broadcast %jit3A : i32 to vector<16xi32>
      %max3A_41 = arith.maxsi %max3A, %convert_element_type3A_39 : vector<16xi32>
      %min3A = vector.broadcast %jit3A_40 : i32 to vector<16xi32>
      %min3A_42 = arith.minsi %min3A, %max3A_41 : vector<16xi32>
      %convert_element_type3A_43 = arith.fptosi %mul3A_24 : vector<16xf32> to vector<16xi32>
      %jit3A_44 = arith.constant 0 : i32
      %jit3A_45 = arith.constant 12 : i32
      %max3A_46 = vector.broadcast %jit3A_44 : i32 to vector<16xi32>
      %max3A_47 = arith.maxsi %max3A_46, %convert_element_type3A_43 : vector<16xi32>
      %min3A_48 = vector.broadcast %jit3A_45 : i32 to vector<16xi32>
      %min3A_49 = arith.minsi %min3A_48, %max3A_47 : vector<16xi32>
      %broadcast_in_dim3A = arith.constant 0 : i32
      %broadcast_in_dim3A_50 = vector.broadcast %broadcast_in_dim3A : i32 to vector<16xi32>
      %broadcast_in_dim3A_51 = arith.constant 0.000000e+00 : f32
      %broadcast_in_dim3A_52 = vector.broadcast %broadcast_in_dim3A_51 : f32 to vector<16xf32>
      %sub3A = arith.constant 1.000000e+00 : f32
      %sub3A_53 = vector.broadcast %sub3A : f32 to vector<16xf32>
      %sub3A_54 = arith.subf %broadcast_in_dim3A_52, %sub3A_53 : vector<16xf32>
      %min3A_55 = arith.constant 1.322100e+00 : f32
      %min3A_56 = vector.broadcast %min3A_55 : f32 to vector<16xf32>
      %min3A_57 = arith.minimumf %mul3A_31, %min3A_56 : vector<16xf32>
      %min3A_58 = arith.constant 1.731450e+00 : f32
      %min3A_59 = vector.broadcast %min3A_58 : f32 to vector<16xf32>
      %min3A_60 = arith.minimumf %mul3A_38, %min3A_59 : vector<16xf32>
      %mul3A_61 = arith.mulf %min3A_57, %min3A_60 : vector<16xf32>
      %mul3A_62 = arith.mulf %mul3A_31, %mul3A_38 : vector<16xf32>
      %add3A_63 = arith.constant 2.289150e+00 : f32
      %add3A_64 = vector.broadcast %add3A_63 : f32 to vector<16xf32>
      %add3A_65 = arith.addf %mul3A_62, %add3A_64 : vector<16xf32>
      %sub3A_66 = arith.subf %add3A_65, %mul3A_61 : vector<16xf32>
      %max3A_67 = arith.constant 1.000000e-10 : f32
      %max3A_68 = vector.broadcast %max3A_67 : f32 to vector<16xf32>
      %max3A_69 = arith.maximumf %sub3A_66, %max3A_68 : vector<16xf32>
      %div3A = arith.divf %mul3A_61, %max3A_69 : vector<16xf32>
      %gt3A = arith.cmpf ogt, %div3A, %sub3A_54 : vector<16xf32>
      %add3A_70 = arith.constant 0 : i32
      %add3A_71 = vector.broadcast %add3A_70 : i32 to vector<16xi32>
      %add3A_72 = arith.addi %broadcast_in_dim3A_50, %add3A_71 : vector<16xi32>
      %select_n3A = arith.select %gt3A, %add3A_72, %broadcast_in_dim3A_50 : vector<16xi1>, vector<16xi32>
      %select_n3A_73 = arith.select %gt3A, %div3A, %sub3A_54 : vector<16xi1>, vector<16xf32>
      %min3A_74 = arith.constant 3.192750e+00 : f32
      %min3A_75 = vector.broadcast %min3A_74 : f32 to vector<16xf32>
      %min3A_76 = arith.minimumf %mul3A_31, %min3A_75 : vector<16xf32>
      %min3A_77 = arith.constant 4.009440e+00 : f32
      %min3A_78 = vector.broadcast %min3A_77 : f32 to vector<16xf32>
      %min3A_79 = arith.minimumf %mul3A_38, %min3A_78 : vector<16xf32>
      %mul3A_80 = arith.mulf %min3A_76, %min3A_79 : vector<16xf32>
      %mul3A_81 = arith.mulf %mul3A_31, %mul3A_38 : vector<16xf32>
      %add3A_82 = arith.constant 12.8011398 : f32
      %add3A_83 = vector.broadcast %add3A_82 : f32 to vector<16xf32>
      %add3A_84 = arith.addf %mul3A_81, %add3A_83 : vector<16xf32>
      %sub3A_85 = arith.subf %add3A_84, %mul3A_80 : vector<16xf32>
      %max3A_86 = arith.constant 1.000000e-10 : f32
      %max3A_87 = vector.broadcast %max3A_86 : f32 to vector<16xf32>
      %max3A_88 = arith.maximumf %sub3A_85, %max3A_87 : vector<16xf32>
      %div3A_89 = arith.divf %mul3A_80, %max3A_88 : vector<16xf32>
      %gt3A_90 = arith.cmpf ogt, %div3A_89, %select_n3A_73 : vector<16xf32>
      %add3A_91 = arith.constant 1 : i32
      %add3A_92 = vector.broadcast %add3A_91 : i32 to vector<16xi32>
      %add3A_93 = arith.addi %broadcast_in_dim3A_50, %add3A_92 : vector<16xi32>
      %select_n3A_94 = arith.select %gt3A_90, %add3A_93, %select_n3A : vector<16xi1>, vector<16xi32>
      %select_n3A_95 = arith.select %gt3A_90, %div3A_89, %select_n3A_73 : vector<16xi1>, vector<16xf32>
      %min3A_96 = arith.constant 5.055870e+00 : f32
      %min3A_97 = vector.broadcast %min3A_96 : f32 to vector<16xf32>
      %min3A_98 = arith.minimumf %mul3A_31, %min3A_97 : vector<16xf32>
      %min3A_99 = arith.constant 8.09891986 : f32
      %min3A_100 = vector.broadcast %min3A_99 : f32 to vector<16xf32>
      %min3A_101 = arith.minimumf %mul3A_38, %min3A_100 : vector<16xf32>
      %mul3A_102 = arith.mulf %min3A_98, %min3A_101 : vector<16xf32>
      %mul3A_103 = arith.mulf %mul3A_31, %mul3A_38 : vector<16xf32>
      %add3A_104 = arith.constant 40.9470863 : f32
      %add3A_105 = vector.broadcast %add3A_104 : f32 to vector<16xf32>
      %add3A_106 = arith.addf %mul3A_103, %add3A_105 : vector<16xf32>
      %sub3A_107 = arith.subf %add3A_106, %mul3A_102 : vector<16xf32>
      %max3A_108 = arith.constant 1.000000e-10 : f32
      %max3A_109 = vector.broadcast %max3A_108 : f32 to vector<16xf32>
      %max3A_110 = arith.maximumf %sub3A_107, %max3A_109 : vector<16xf32>
      %div3A_111 = arith.divf %mul3A_102, %max3A_110 : vector<16xf32>
      %gt3A_112 = arith.cmpf ogt, %div3A_111, %select_n3A_95 : vector<16xf32>
      %add3A_113 = arith.constant 2 : i32
      %add3A_114 = vector.broadcast %add3A_113 : i32 to vector<16xi32>
      %add3A_115 = arith.addi %broadcast_in_dim3A_50, %add3A_114 : vector<16xi32>
      %select_n3A_116 = arith.select %gt3A_112, %add3A_115, %select_n3A_94 : vector<16xi1>, vector<16xi32>
      %select_n3A_117 = arith.select %gt3A_112, %div3A_111, %select_n3A_95 : vector<16xi1>, vector<16xf32>
      %min3A_118 = arith.constant 9.47111988 : f32
      %min3A_119 = vector.broadcast %min3A_118 : f32 to vector<16xf32>
      %min3A_120 = arith.minimumf %mul3A_31, %min3A_119 : vector<16xf32>
      %min3A_121 = arith.constant 4.840530e+00 : f32
      %min3A_122 = vector.broadcast %min3A_121 : f32 to vector<16xf32>
      %min3A_123 = arith.minimumf %mul3A_38, %min3A_122 : vector<16xf32>
      %mul3A_124 = arith.mulf %min3A_120, %min3A_123 : vector<16xf32>
      %mul3A_125 = arith.mulf %mul3A_31, %mul3A_38 : vector<16xf32>
      %add3A_126 = arith.constant 45.8452415 : f32
      %add3A_127 = vector.broadcast %add3A_126 : f32 to vector<16xf32>
      %add3A_128 = arith.addf %mul3A_125, %add3A_127 : vector<16xf32>
      %sub3A_129 = arith.subf %add3A_128, %mul3A_124 : vector<16xf32>
      %max3A_130 = arith.constant 1.000000e-10 : f32
      %max3A_131 = vector.broadcast %max3A_130 : f32 to vector<16xf32>
      %max3A_132 = arith.maximumf %sub3A_129, %max3A_131 : vector<16xf32>
      %div3A_133 = arith.divf %mul3A_124, %max3A_132 : vector<16xf32>
      %gt3A_134 = arith.cmpf ogt, %div3A_133, %select_n3A_117 : vector<16xf32>
      %add3A_135 = arith.constant 3 : i32
      %add3A_136 = vector.broadcast %add3A_135 : i32 to vector<16xi32>
      %add3A_137 = arith.addi %broadcast_in_dim3A_50, %add3A_136 : vector<16xi32>
      %select_n3A_138 = arith.select %gt3A_134, %add3A_137, %select_n3A_116 : vector<16xi1>, vector<16xi32>
      %select_n3A_139 = arith.select %gt3A_134, %div3A_133, %select_n3A_117 : vector<16xi1>, vector<16xf32>
      %min3A_140 = arith.constant 1.123640e+01 : f32
      %min3A_141 = vector.broadcast %min3A_140 : f32 to vector<16xf32>
      %min3A_142 = arith.minimumf %mul3A_31, %min3A_141 : vector<16xf32>
      %min3A_143 = arith.constant 1.000710e+01 : f32
      %min3A_144 = vector.broadcast %min3A_143 : f32 to vector<16xf32>
      %min3A_145 = arith.minimumf %mul3A_38, %min3A_144 : vector<16xf32>
      %mul3A_146 = arith.mulf %min3A_142, %min3A_145 : vector<16xf32>
      %mul3A_147 = arith.mulf %mul3A_31, %mul3A_38 : vector<16xf32>
      %add3A_148 = arith.constant 112.443779 : f32
      %add3A_149 = vector.broadcast %add3A_148 : f32 to vector<16xf32>
      %add3A_150 = arith.addf %mul3A_147, %add3A_149 : vector<16xf32>
      %sub3A_151 = arith.subf %add3A_150, %mul3A_146 : vector<16xf32>
      %max3A_152 = arith.constant 1.000000e-10 : f32
      %max3A_153 = vector.broadcast %max3A_152 : f32 to vector<16xf32>
      %max3A_154 = arith.maximumf %sub3A_151, %max3A_153 : vector<16xf32>
      %div3A_155 = arith.divf %mul3A_146, %max3A_154 : vector<16xf32>
      %gt3A_156 = arith.cmpf ogt, %div3A_155, %select_n3A_139 : vector<16xf32>
      %add3A_157 = arith.constant 4 : i32
      %add3A_158 = vector.broadcast %add3A_157 : i32 to vector<16xi32>
      %add3A_159 = arith.addi %broadcast_in_dim3A_50, %add3A_158 : vector<16xi32>
      %select_n3A_160 = arith.select %gt3A_156, %add3A_159, %select_n3A_138 : vector<16xi1>, vector<16xi32>
      %select_n3A_161 = arith.select %gt3A_156, %div3A_155, %select_n3A_139 : vector<16xi1>, vector<16xf32>
      %iota3A = tpu.iota {dimensions = array<i32: 0>} : vector<16xi32>
      %add3A_162 = vector.broadcast %mul3A_4 : i32 to vector<16xi32>
      %add3A_163 = arith.addi %add3A_162, %iota3A : vector<16xi32>
      %mul3A_164 = arith.constant 59995 : i32
      %mul3A_165 = vector.broadcast %mul3A_164 : i32 to vector<16xi32>
      %mul3A_166 = arith.muli %add3A_163, %mul3A_165 : vector<16xi32>
      %mul3A_167 = arith.constant 11999 : i32
      %mul3A_168 = vector.broadcast %mul3A_167 : i32 to vector<16xi32>
      %mul3A_169 = arith.muli %select_n3A_160, %mul3A_168 : vector<16xi32>
      %add3A_170 = arith.addi %mul3A_166, %mul3A_169 : vector<16xi32>
      %mul3A_171 = arith.constant 13 : i32
      %mul3A_172 = vector.broadcast %mul3A_171 : i32 to vector<16xi32>
      %mul3A_173 = arith.muli %min3A_49, %mul3A_172 : vector<16xi32>
      %add3A_174 = arith.addi %add3A_170, %mul3A_173 : vector<16xi32>
      %add3A_175 = arith.addi %add3A_174, %min3A_42 : vector<16xi32>
      %mul3A_176 = arith.constant 71 : i32
      %mul3A_177 = vector.broadcast %mul3A_176 : i32 to vector<16xi32>
      %mul3A_178 = arith.muli %iota3A, %mul3A_177 : vector<16xi32>
      %add3A_179 = arith.constant 0 : i32
      %add3A_180 = vector.broadcast %add3A_179 : i32 to vector<16xi32>
      %add3A_181 = arith.addi %mul3A_178, %add3A_180 : vector<16xi32>
      %div3A_182 = arith.constant 128 : i32
      %div3A_183 = vector.broadcast %div3A_182 : i32 to vector<16xi32>
      %div3A_184 = arith.divsi %add3A_181, %div3A_183 : vector<16xi32>
      %rem3A = arith.constant 128 : i32
      %rem3A_185 = vector.broadcast %rem3A : i32 to vector<16xi32>
      %rem3A_186 = arith.remsi %add3A_181, %rem3A_185 : vector<16xi32>
      %add3A_187 = arith.constant 0 : i32
      %add3A_188 = vector.broadcast %add3A_187 : i32 to vector<16xi32>
      %add3A_189 = arith.addi %add3A_175, %add3A_188 : vector<16xi32>
      tpu.vector_store_idx %arg6[%div3A_184, %rem3A_186], %add3A_189 : memref<9x128xi32, #tpu.memory_space<vmem>>[vector<16xi32>, vector<16xi32>], vector<16xi32>,
      %mul3A_190 = arith.constant 71 : i32
      %mul3A_191 = vector.broadcast %mul3A_190 : i32 to vector<16xi32>
      %mul3A_192 = arith.muli %iota3A, %mul3A_191 : vector<16xi32>
      %add3A_193 = arith.constant 1 : i32
      %add3A_194 = vector.broadcast %add3A_193 : i32 to vector<16xi32>
      %add3A_195 = arith.addi %mul3A_192, %add3A_194 : vector<16xi32>
      %div3A_196 = arith.constant 128 : i32
      %div3A_197 = vector.broadcast %div3A_196 : i32 to vector<16xi32>
      %div3A_198 = arith.divsi %add3A_195, %div3A_197 : vector<16xi32>
      %rem3A_199 = arith.constant 128 : i32
      %rem3A_200 = vector.broadcast %rem3A_199 : i32 to vector<16xi32>
      %rem3A_201 = arith.remsi %add3A_195, %rem3A_200 : vector<16xi32>
      %add3A_202 = arith.constant 169 : i32
      %add3A_203 = vector.broadcast %add3A_202 : i32 to vector<16xi32>
      %add3A_204 = arith.addi %add3A_175, %add3A_203 : vector<16xi32>
      tpu.vector_store_idx %arg6[%div3A_198, %rem3A_201], %add3A_204 : memref<9x128xi32, #tpu.memory_space<vmem>>[vector<16xi32>, vector<16xi32>], vector<16xi32>,
      %mul3A_205 = arith.constant 71 : i32
      %mul3A_206 = vector.broadcast %mul3A_205 : i32 to vector<16xi32>
      %mul3A_207 = arith.muli %iota3A, %mul3A_206 : vector<16xi32>
      %add3A_208 = arith.constant 2 : i32
      %add3A_209 = vector.broadcast %add3A_208 : i32 to vector<16xi32>
      %add3A_210 = arith.addi %mul3A_207, %add3A_209 : vector<16xi32>
      %div3A_211 = arith.constant 128 : i32
      %div3A_212 = vector.broadcast %div3A_211 : i32 to vector<16xi32>
      %div3A_213 = arith.divsi %add3A_210, %div3A_212 : vector<16xi32>
      %rem3A_214 = arith.constant 128 : i32
      %rem3A_215 = vector.broadcast %rem3A_214 : i32 to vector<16xi32>
      %rem3A_216 = arith.remsi %add3A_210, %rem3A_215 : vector<16xi32>
      %add3A_217 = arith.constant 338 : i32
      %add3A_218 = vector.broadcast %add3A_217 : i32 to vector<16xi32>
      %add3A_219 = arith.addi %add3A_175, %add3A_218 : vector<16xi32>
      tpu.vector_store_idx %arg6[%div3A_213, %rem3A_216], %add3A_219 : memref<9x128xi32, #tpu.memory_space<vmem>>[vector<16xi32>, vector<16xi32>], vector<16xi32>,
      %mul3A_220 = arith.constant 71 : i32
      %mul3A_221 = vector.broadcast %mul3A_220 : i32 to vector<16xi32>
      %mul3A_222 = arith.muli %iota3A, %mul3A_221 : vector<16xi32>
      %add3A_223 = arith.constant 3 : i32
      %add3A_224 = vector.broadcast %add3A_223 : i32 to vector<16xi32>
      %add3A_225 = arith.addi %mul3A_222, %add3A_224 : vector<16xi32>
      %div3A_226 = arith.constant 128 : i32
      %div3A_227 = vector.broadcast %div3A_226 : i32 to vector<16xi32>
      %div3A_228 = arith.divsi %add3A_225, %div3A_227 : vector<16xi32>
      %rem3A_229 = arith.constant 128 : i32
      %rem3A_230 = vector.broadcast %rem3A_229 : i32 to vector<16xi32>
      %rem3A_231 = arith.remsi %add3A_225, %rem3A_230 : vector<16xi32>
      %add3A_232 = arith.constant 507 : i32
      %add3A_233 = vector.broadcast %add3A_232 : i32 to vector<16xi32>
      %add3A_234 = arith.addi %add3A_175, %add3A_233 : vector<16xi32>
      tpu.vector_store_idx %arg6[%div3A_228, %rem3A_231], %add3A_234 : memref<9x128xi32, #tpu.memory_space<vmem>>[vector<16xi32>, vector<16xi32>], vector<16xi32>,
      %mul3A_235 = arith.constant 71 : i32
      %mul3A_236 = vector.broadcast %mul3A_235 : i32 to vector<16xi32>
      %mul3A_237 = arith.muli %iota3A, %mul3A_236 : vector<16xi32>
      %add3A_238 = arith.constant 4 : i32
      %add3A_239 = vector.broadcast %add3A_238 : i32 to vector<16xi32>
      %add3A_240 = arith.addi %mul3A_237, %add3A_239 : vector<16xi32>
      %div3A_241 = arith.constant 128 : i32
      %div3A_242 = vector.broadcast %div3A_241 : i32 to vector<16xi32>
      %div3A_243 = arith.divsi %add3A_240, %div3A_242 : vector<16xi32>
      %rem3A_244 = arith.constant 128 : i32
      %rem3A_245 = vector.broadcast %rem3A_244 : i32 to vector<16xi32>
      %rem3A_246 = arith.remsi %add3A_240, %rem3A_245 : vector<16xi32>
      %add3A_247 = arith.constant 676 : i32
      %add3A_248 = vector.broadcast %add3A_247 : i32 to vector<16xi32>
      %add3A_249 = arith.addi %add3A_175, %add3A_248 : vector<16xi32>
      tpu.vector_store_idx %arg6[%div3A_243, %rem3A_246], %add3A_249 : memref<9x128xi32, #tpu.memory_space<vmem>>[vector<16xi32>, vector<16xi32>], vector<16xi32>,
      %mul3A_250 = arith.constant 71 : i32
      %mul3A_251 = vector.broadcast %mul3A_250 : i32 to vector<16xi32>
      %mul3A_252 = arith.muli %iota3A, %mul3A_251 : vector<16xi32>
      %add3A_253 = arith.constant 5 : i32
      %add3A_254 = vector.broadcast %add3A_253 : i32 to vector<16xi32>
      %add3A_255 = arith.addi %mul3A_252, %add3A_254 : vector<16xi32>
      %div3A_256 = arith.constant 128 : i32
      %div3A_257 = vector.broadcast %div3A_256 : i32 to vector<16xi32>
      %div3A_258 = arith.divsi %add3A_255, %div3A_257 : vector<16xi32>
      %rem3A_259 = arith.constant 128 : i32
      %rem3A_260 = vector.broadcast %rem3A_259 : i32 to vector<16xi32>
      %rem3A_261 = arith.remsi %add3A_255, %rem3A_260 : vector<16xi32>
      %add3A_262 = arith.constant 845 : i32
      %add3A_263 = vector.broadcast %add3A_262 : i32 to vector<16xi32>
      %add3A_264 = arith.addi %add3A_175, %add3A_263 : vector<16xi32>
      tpu.vector_store_idx %arg6[%div3A_258, %rem3A_261], %add3A_264 : memref<9x128xi32, #tpu.memory_space<vmem>>[vector<16xi32>, vector<16xi32>], vector<16xi32>,
      %mul3A_265 = arith.constant 71 : i32
      %mul3A_266 = vector.broadcast %mul3A_265 : i32 to vector<16xi32>
      %mul3A_267 = arith.muli %iota3A, %mul3A_266 : vector<16xi32>
      %add3A_268 = arith.constant 6 : i32
      %add3A_269 = vector.broadcast %add3A_268 : i32 to vector<16xi32>
      %add3A_270 = arith.addi %mul3A_267, %add3A_269 : vector<16xi32>
      %div3A_271 = arith.constant 128 : i32
      %div3A_272 = vector.broadcast %div3A_271 : i32 to vector<16xi32>
      %div3A_273 = arith.divsi %add3A_270, %div3A_272 : vector<16xi32>
      %rem3A_274 = arith.constant 128 : i32
      %rem3A_275 = vector.broadcast %rem3A_274 : i32 to vector<16xi32>
      %rem3A_276 = arith.remsi %add3A_270, %rem3A_275 : vector<16xi32>
      %add3A_277 = arith.constant 1014 : i32
      %add3A_278 = vector.broadcast %add3A_277 : i32 to vector<16xi32>
      %add3A_279 = arith.addi %add3A_175, %add3A_278 : vector<16xi32>
      tpu.vector_store_idx %arg6[%div3A_273, %rem3A_276], %add3A_279 : memref<9x128xi32, #tpu.memory_space<vmem>>[vector<16xi32>, vector<16xi32>], vector<16xi32>,
      %mul3A_280 = arith.constant 71 : i32
      %mul3A_281 = vector.broadcast %mul3A_280 : i32 to vector<16xi32>
      %mul3A_282 = arith.muli %iota3A, %mul3A_281 : vector<16xi32>
      %add3A_283 = arith.constant 7 : i32
      %add3A_284 = vector.broadcast %add3A_283 : i32 to vector<16xi32>
      %add3A_285 = arith.addi %mul3A_282, %add3A_284 : vector<16xi32>
      %div3A_286 = arith.constant 128 : i32
      %div3A_287 = vector.broadcast %div3A_286 : i32 to vector<16xi32>
      %div3A_288 = arith.divsi %add3A_285, %div3A_287 : vector<16xi32>
      %rem3A_289 = arith.constant 128 : i32
      %rem3A_290 = vector.broadcast %rem3A_289 : i32 to vector<16xi32>
      %rem3A_291 = arith.remsi %add3A_285, %rem3A_290 : vector<16xi32>
      %add3A_292 = arith.constant 1183 : i32
      %add3A_293 = vector.broadcast %add3A_292 : i32 to vector<16xi32>
      %add3A_294 = arith.addi %add3A_175, %add3A_293 : vector<16xi32>
      tpu.vector_store_idx %arg6[%div3A_288, %rem3A_291], %add3A_294 : memref<9x128xi32, #tpu.memory_space<vmem>>[vector<16xi32>, vector<16xi32>], vector<16xi32>,
      %mul3A_295 = arith.constant 71 : i32
      %mul3A_296 = vector.broadcast %mul3A_295 : i32 to vector<16xi32>
      %mul3A_297 = arith.muli %iota3A, %mul3A_296 : vector<16xi32>
      %add3A_298 = arith.constant 8 : i32
      %add3A_299 = vector.broadcast %add3A_298 : i32 to vector<16xi32>
      %add3A_300 = arith.addi %mul3A_297, %add3A_299 : vector<16xi32>
      %div3A_301 = arith.constant 128 : i32
      %div3A_302 = vector.broadcast %div3A_301 : i32 to vector<16xi32>
      %div3A_303 = arith.divsi %add3A_300, %div3A_302 : vector<16xi32>
      %rem3A_304 = arith.constant 128 : i32
      %rem3A_305 = vector.broadcast %rem3A_304 : i32 to vector<16xi32>
      %rem3A_306 = arith.remsi %add3A_300, %rem3A_305 : vector<16xi32>
      %add3A_307 = arith.constant 1352 : i32
      %add3A_308 = vector.broadcast %add3A_307 : i32 to vector<16xi32>
      %add3A_309 = arith.addi %add3A_175, %add3A_308 : vector<16xi32>
      tpu.vector_store_idx %arg6[%div3A_303, %rem3A_306], %add3A_309 : memref<9x128xi32, #tpu.memory_space<vmem>>[vector<16xi32>, vector<16xi32>], vector<16xi32>,
      %mul3A_310 = arith.constant 71 : i32
      %mul3A_311 = vector.broadcast %mul3A_310 : i32 to vector<16xi32>
      %mul3A_312 = arith.muli %iota3A, %mul3A_311 : vector<16xi32>
      %add3A_313 = arith.constant 9 : i32
      %add3A_314 = vector.broadcast %add3A_313 : i32 to vector<16xi32>
      %add3A_315 = arith.addi %mul3A_312, %add3A_314 : vector<16xi32>
      %div3A_316 = arith.constant 128 : i32
      %div3A_317 = vector.broadcast %div3A_316 : i32 to vector<16xi32>
      %div3A_318 = arith.divsi %add3A_315, %div3A_317 : vector<16xi32>
      %rem3A_319 = arith.constant 128 : i32
      %rem3A_320 = vector.broadcast %rem3A_319 : i32 to vector<16xi32>
      %rem3A_321 = arith.remsi %add3A_315, %rem3A_320 : vector<16xi32>
      %add3A_322 = arith.constant 1521 : i32
      %add3A_323 = vector.broadcast %add3A_322 : i32 to vector<16xi32>
      %add3A_324 = arith.addi %add3A_175, %add3A_323 : vector<16xi32>
      tpu.vector_store_idx %arg6[%div3A_318, %rem3A_321], %add3A_324 : memref<9x128xi32, #tpu.memory_space<vmem>>[vector<16xi32>, vector<16xi32>], vector<16xi32>,
      %mul3A_325 = arith.constant 71 : i32
      %mul3A_326 = vector.broadcast %mul3A_325 : i32 to vector<16xi32>
      %mul3A_327 = arith.muli %iota3A, %mul3A_326 : vector<16xi32>
      %add3A_328 = arith.constant 10 : i32
      %add3A_329 = vector.broadcast %add3A_328 : i32 to vector<16xi32>
      %add3A_330 = arith.addi %mul3A_327, %add3A_329 : vector<16xi32>
      %div3A_331 = arith.constant 128 : i32
      %div3A_332 = vector.broadcast %div3A_331 : i32 to vector<16xi32>
      %div3A_333 = arith.divsi %add3A_330, %div3A_332 : vector<16xi32>
      %rem3A_334 = arith.constant 128 : i32
      %rem3A_335 = vector.broadcast %rem3A_334 : i32 to vector<16xi32>
      %rem3A_336 = arith.remsi %add3A_330, %rem3A_335 : vector<16xi32>
      %add3A_337 = arith.constant 1690 : i32
      %add3A_338 = vector.broadcast %add3A_337 : i32 to vector<16xi32>
      %add3A_339 = arith.addi %add3A_175, %add3A_338 : vector<16xi32>
      tpu.vector_store_idx %arg6[%div3A_333, %rem3A_336], %add3A_339 : memref<9x128xi32, #tpu.memory_space<vmem>>[vector<16xi32>, vector<16xi32>], vector<16xi32>,
      %mul3A_340 = arith.constant 71 : i32
      %mul3A_341 = vector.broadcast %mul3A_340 : i32 to vector<16xi32>
      %mul3A_342 = arith.muli %iota3A, %mul3A_341 : vector<16xi32>
      %add3A_343 = arith.constant 11 : i32
      %add3A_344 = vector.broadcast %add3A_343 : i32 to vector<16xi32>
      %add3A_345 = arith.addi %mul3A_342, %add3A_344 : vector<16xi32>
      %div3A_346 = arith.constant 128 : i32
      %div3A_347 = vector.broadcast %div3A_346 : i32 to vector<16xi32>
      %div3A_348 = arith.divsi %add3A_345, %div3A_347 : vector<16xi32>
      %rem3A_349 = arith.constant 128 : i32
      %rem3A_350 = vector.broadcast %rem3A_349 : i32 to vector<16xi32>
      %rem3A_351 = arith.remsi %add3A_345, %rem3A_350 : vector<16xi32>
      %add3A_352 = arith.constant 1859 : i32
      %add3A_353 = vector.broadcast %add3A_352 : i32 to vector<16xi32>
      %add3A_354 = arith.addi %add3A_175, %add3A_353 : vector<16xi32>
      tpu.vector_store_idx %arg6[%div3A_348, %rem3A_351], %add3A_354 : memref<9x128xi32, #tpu.memory_space<vmem>>[vector<16xi32>, vector<16xi32>], vector<16xi32>,
      %mul3A_355 = arith.constant 71 : i32
      %mul3A_356 = vector.broadcast %mul3A_355 : i32 to vector<16xi32>
      %mul3A_357 = arith.muli %iota3A, %mul3A_356 : vector<16xi32>
      %add3A_358 = arith.constant 12 : i32
      %add3A_359 = vector.broadcast %add3A_358 : i32 to vector<16xi32>
      %add3A_360 = arith.addi %mul3A_357, %add3A_359 : vector<16xi32>
      %div3A_361 = arith.constant 128 : i32
      %div3A_362 = vector.broadcast %div3A_361 : i32 to vector<16xi32>
      %div3A_363 = arith.divsi %add3A_360, %div3A_362 : vector<16xi32>
      %rem3A_364 = arith.constant 128 : i32
      %rem3A_365 = vector.broadcast %rem3A_364 : i32 to vector<16xi32>
      %rem3A_366 = arith.remsi %add3A_360, %rem3A_365 : vector<16xi32>
      %add3A_367 = arith.constant 2028 : i32
      %add3A_368 = vector.broadcast %add3A_367 : i32 to vector<16xi32>
      %add3A_369 = arith.addi %add3A_175, %add3A_368 : vector<16xi32>
      tpu.vector_store_idx %arg6[%div3A_363, %rem3A_366], %add3A_369 : memref<9x128xi32, #tpu.memory_space<vmem>>[vector<16xi32>, vector<16xi32>], vector<16xi32>,
      %mul3A_370 = arith.constant 71 : i32
      %mul3A_371 = vector.broadcast %mul3A_370 : i32 to vector<16xi32>
      %mul3A_372 = arith.muli %iota3A, %mul3A_371 : vector<16xi32>
      %add3A_373 = arith.constant 13 : i32
      %add3A_374 = vector.broadcast %add3A_373 : i32 to vector<16xi32>
      %add3A_375 = arith.addi %mul3A_372, %add3A_374 : vector<16xi32>
      %div3A_376 = arith.constant 128 : i32
      %div3A_377 = vector.broadcast %div3A_376 : i32 to vector<16xi32>
      %div3A_378 = arith.divsi %add3A_375, %div3A_377 : vector<16xi32>
      %rem3A_379 = arith.constant 128 : i32
      %rem3A_380 = vector.broadcast %rem3A_379 : i32 to vector<16xi32>
      %rem3A_381 = arith.remsi %add3A_375, %rem3A_380 : vector<16xi32>
      %add3A_382 = arith.constant 2197 : i32
      %add3A_383 = vector.broadcast %add3A_382 : i32 to vector<16xi32>
      %add3A_384 = arith.addi %add3A_175, %add3A_383 : vector<16xi32>
      tpu.vector_store_idx %arg6[%div3A_378, %rem3A_381], %add3A_384 : memref<9x128xi32, #tpu.memory_space<vmem>>[vector<16xi32>, vector<16xi32>], vector<16xi32>,
      %mul3A_385 = arith.constant 71 : i32
      %mul3A_386 = vector.broadcast %mul3A_385 : i32 to vector<16xi32>
      %mul3A_387 = arith.muli %iota3A, %mul3A_386 : vector<16xi32>
      %add3A_388 = arith.constant 14 : i32
      %add3A_389 = vector.broadcast %add3A_388 : i32 to vector<16xi32>
      %add3A_390 = arith.addi %mul3A_387, %add3A_389 : vector<16xi32>
      %div3A_391 = arith.constant 128 : i32
      %div3A_392 = vector.broadcast %div3A_391 : i32 to vector<16xi32>
      %div3A_393 = arith.divsi %add3A_390, %div3A_392 : vector<16xi32>
      %rem3A_394 = arith.constant 128 : i32
      %rem3A_395 = vector.broadcast %rem3A_394 : i32 to vector<16xi32>
      %rem3A_396 = arith.remsi %add3A_390, %rem3A_395 : vector<16xi32>
      %add3A_397 = arith.constant 2366 : i32
      %add3A_398 = vector.broadcast %add3A_397 : i32 to vector<16xi32>
      %add3A_399 = arith.addi %add3A_175, %add3A_398 : vector<16xi32>
      tpu.vector_store_idx %arg6[%div3A_393, %rem3A_396], %add3A_399 : memref<9x128xi32, #tpu.memory_space<vmem>>[vector<16xi32>, vector<16xi32>], vector<16xi32>,
      %mul3A_400 = arith.constant 71 : i32
      %mul3A_401 = vector.broadcast %mul3A_400 : i32 to vector<16xi32>
      %mul3A_402 = arith.muli %iota3A, %mul3A_401 : vector<16xi32>
      %add3A_403 = arith.constant 15 : i32
      %add3A_404 = vector.broadcast %add3A_403 : i32 to vector<16xi32>
      %add3A_405 = arith.addi %mul3A_402, %add3A_404 : vector<16xi32>
      %div3A_406 = arith.constant 128 : i32
      %div3A_407 = vector.broadcast %div3A_406 : i32 to vector<16xi32>
      %div3A_408 = arith.divsi %add3A_405, %div3A_407 : vector<16xi32>
      %rem3A_409 = arith.constant 128 : i32
      %rem3A_410 = vector.broadcast %rem3A_409 : i32 to vector<16xi32>
      %rem3A_411 = arith.remsi %add3A_405, %rem3A_410 : vector<16xi32>
      %add3A_412 = arith.constant 2535 : i32
      %add3A_413 = vector.broadcast %add3A_412 : i32 to vector<16xi32>
      %add3A_414 = arith.addi %add3A_175, %add3A_413 : vector<16xi32>
      tpu.vector_store_idx %arg6[%div3A_408, %rem3A_411], %add3A_414 : memref<9x128xi32, #tpu.memory_space<vmem>>[vector<16xi32>, vector<16xi32>], vector<16xi32>,
      %mul3A_415 = arith.constant 71 : i32
      %mul3A_416 = vector.broadcast %mul3A_415 : i32 to vector<16xi32>
      %mul3A_417 = arith.muli %iota3A, %mul3A_416 : vector<16xi32>
      %add3A_418 = arith.constant 16 : i32
      %add3A_419 = vector.broadcast %add3A_418 : i32 to vector<16xi32>
      %add3A_420 = arith.addi %mul3A_417, %add3A_419 : vector<16xi32>
      %div3A_421 = arith.constant 128 : i32
      %div3A_422 = vector.broadcast %div3A_421 : i32 to vector<16xi32>
      %div3A_423 = arith.divsi %add3A_420, %div3A_422 : vector<16xi32>
      %rem3A_424 = arith.constant 128 : i32
      %rem3A_425 = vector.broadcast %rem3A_424 : i32 to vector<16xi32>
      %rem3A_426 = arith.remsi %add3A_420, %rem3A_425 : vector<16xi32>
      %add3A_427 = arith.constant 2704 : i32
      %add3A_428 = vector.broadcast %add3A_427 : i32 to vector<16xi32>
      %add3A_429 = arith.addi %add3A_175, %add3A_428 : vector<16xi32>
      tpu.vector_store_idx %arg6[%div3A_423, %rem3A_426], %add3A_429 : memref<9x128xi32, #tpu.memory_space<vmem>>[vector<16xi32>, vector<16xi32>], vector<16xi32>,
      %mul3A_430 = arith.constant 71 : i32
      %mul3A_431 = vector.broadcast %mul3A_430 : i32 to vector<16xi32>
      %mul3A_432 = arith.muli %iota3A, %mul3A_431 : vector<16xi32>
      %add3A_433 = arith.constant 17 : i32
      %add3A_434 = vector.broadcast %add3A_433 : i32 to vector<16xi32>
      %add3A_435 = arith.addi %mul3A_432, %add3A_434 : vector<16xi32>
      %div3A_436 = arith.constant 128 : i32
      %div3A_437 = vector.broadcast %div3A_436 : i32 to vector<16xi32>
      %div3A_438 = arith.divsi %add3A_435, %div3A_437 : vector<16xi32>
      %rem3A_439 = arith.constant 128 : i32
      %rem3A_440 = vector.broadcast %rem3A_439 : i32 to vector<16xi32>
      %rem3A_441 = arith.remsi %add3A_435, %rem3A_440 : vector<16xi32>
      %add3A_442 = arith.constant 2873 : i32
      %add3A_443 = vector.broadcast %add3A_442 : i32 to vector<16xi32>
      %add3A_444 = arith.addi %add3A_175, %add3A_443 : vector<16xi32>
      tpu.vector_store_idx %arg6[%div3A_438, %rem3A_441], %add3A_444 : memref<9x128xi32, #tpu.memory_space<vmem>>[vector<16xi32>, vector<16xi32>], vector<16xi32>,
      %mul3A_445 = arith.constant 71 : i32
      %mul3A_446 = vector.broadcast %mul3A_445 : i32 to vector<16xi32>
      %mul3A_447 = arith.muli %iota3A, %mul3A_446 : vector<16xi32>
      %add3A_448 = arith.constant 18 : i32
      %add3A_449 = vector.broadcast %add3A_448 : i32 to vector<16xi32>
      %add3A_450 = arith.addi %mul3A_447, %add3A_449 : vector<16xi32>
      %div3A_451 = arith.constant 128 : i32
      %div3A_452 = vector.broadcast %div3A_451 : i32 to vector<16xi32>
      %div3A_453 = arith.divsi %add3A_450, %div3A_452 : vector<16xi32>
      %rem3A_454 = arith.constant 128 : i32
      %rem3A_455 = vector.broadcast %rem3A_454 : i32 to vector<16xi32>
      %rem3A_456 = arith.remsi %add3A_450, %rem3A_455 : vector<16xi32>
      %add3A_457 = arith.constant 3042 : i32
      %add3A_458 = vector.broadcast %add3A_457 : i32 to vector<16xi32>
      %add3A_459 = arith.addi %add3A_175, %add3A_458 : vector<16xi32>
      tpu.vector_store_idx %arg6[%div3A_453, %rem3A_456], %add3A_459 : memref<9x128xi32, #tpu.memory_space<vmem>>[vector<16xi32>, vector<16xi32>], vector<16xi32>,
      %mul3A_460 = arith.constant 71 : i32
      %mul3A_461 = vector.broadcast %mul3A_460 : i32 to vector<16xi32>
      %mul3A_462 = arith.muli %iota3A, %mul3A_461 : vector<16xi32>
      %add3A_463 = arith.constant 19 : i32
      %add3A_464 = vector.broadcast %add3A_463 : i32 to vector<16xi32>
      %add3A_465 = arith.addi %mul3A_462, %add3A_464 : vector<16xi32>
      %div3A_466 = arith.constant 128 : i32
      %div3A_467 = vector.broadcast %div3A_466 : i32 to vector<16xi32>
      %div3A_468 = arith.divsi %add3A_465, %div3A_467 : vector<16xi32>
      %rem3A_469 = arith.constant 128 : i32
      %rem3A_470 = vector.broadcast %rem3A_469 : i32 to vector<16xi32>
      %rem3A_471 = arith.remsi %add3A_465, %rem3A_470 : vector<16xi32>
      %add3A_472 = arith.constant 3211 : i32
      %add3A_473 = vector.broadcast %add3A_472 : i32 to vector<16xi32>
      %add3A_474 = arith.addi %add3A_175, %add3A_473 : vector<16xi32>
      tpu.vector_store_idx %arg6[%div3A_468, %rem3A_471], %add3A_474 : memref<9x128xi32, #tpu.memory_space<vmem>>[vector<16xi32>, vector<16xi32>], vector<16xi32>,
      %mul3A_475 = arith.constant 71 : i32
      %mul3A_476 = vector.broadcast %mul3A_475 : i32 to vector<16xi32>
      %mul3A_477 = arith.muli %iota3A, %mul3A_476 : vector<16xi32>
      %add3A_478 = arith.constant 20 : i32
      %add3A_479 = vector.broadcast %add3A_478 : i32 to vector<16xi32>
      %add3A_480 = arith.addi %mul3A_477, %add3A_479 : vector<16xi32>
      %div3A_481 = arith.constant 128 : i32
      %div3A_482 = vector.broadcast %div3A_481 : i32 to vector<16xi32>
      %div3A_483 = arith.divsi %add3A_480, %div3A_482 : vector<16xi32>
      %rem3A_484 = arith.constant 128 : i32
      %rem3A_485 = vector.broadcast %rem3A_484 : i32 to vector<16xi32>
      %rem3A_486 = arith.remsi %add3A_480, %rem3A_485 : vector<16xi32>
      %add3A_487 = arith.constant 3380 : i32
      %add3A_488 = vector.broadcast %add3A_487 : i32 to vector<16xi32>
      %add3A_489 = arith.addi %add3A_175, %add3A_488 : vector<16xi32>
      tpu.vector_store_idx %arg6[%div3A_483, %rem3A_486], %add3A_489 : memref<9x128xi32, #tpu.memory_space<vmem>>[vector<16xi32>, vector<16xi32>], vector<16xi32>,
      %mul3A_490 = arith.constant 71 : i32
      %mul3A_491 = vector.broadcast %mul3A_490 : i32 to vector<16xi32>
      %mul3A_492 = arith.muli %iota3A, %mul3A_491 : vector<16xi32>
      %add3A_493 = arith.constant 21 : i32
      %add3A_494 = vector.broadcast %add3A_493 : i32 to vector<16xi32>
      %add3A_495 = arith.addi %mul3A_492, %add3A_494 : vector<16xi32>
      %div3A_496 = arith.constant 128 : i32
      %div3A_497 = vector.broadcast %div3A_496 : i32 to vector<16xi32>
      %div3A_498 = arith.divsi %add3A_495, %div3A_497 : vector<16xi32>
      %rem3A_499 = arith.constant 128 : i32
      %rem3A_500 = vector.broadcast %rem3A_499 : i32 to vector<16xi32>
      %rem3A_501 = arith.remsi %add3A_495, %rem3A_500 : vector<16xi32>
      %add3A_502 = arith.constant 3549 : i32
      %add3A_503 = vector.broadcast %add3A_502 : i32 to vector<16xi32>
      %add3A_504 = arith.addi %add3A_175, %add3A_503 : vector<16xi32>
      tpu.vector_store_idx %arg6[%div3A_498, %rem3A_501], %add3A_504 : memref<9x128xi32, #tpu.memory_space<vmem>>[vector<16xi32>, vector<16xi32>], vector<16xi32>,
      %mul3A_505 = arith.constant 71 : i32
      %mul3A_506 = vector.broadcast %mul3A_505 : i32 to vector<16xi32>
      %mul3A_507 = arith.muli %iota3A, %mul3A_506 : vector<16xi32>
      %add3A_508 = arith.constant 22 : i32
      %add3A_509 = vector.broadcast %add3A_508 : i32 to vector<16xi32>
      %add3A_510 = arith.addi %mul3A_507, %add3A_509 : vector<16xi32>
      %div3A_511 = arith.constant 128 : i32
      %div3A_512 = vector.broadcast %div3A_511 : i32 to vector<16xi32>
      %div3A_513 = arith.divsi %add3A_510, %div3A_512 : vector<16xi32>
      %rem3A_514 = arith.constant 128 : i32
      %rem3A_515 = vector.broadcast %rem3A_514 : i32 to vector<16xi32>
      %rem3A_516 = arith.remsi %add3A_510, %rem3A_515 : vector<16xi32>
      %add3A_517 = arith.constant 3718 : i32
      %add3A_518 = vector.broadcast %add3A_517 : i32 to vector<16xi32>
      %add3A_519 = arith.addi %add3A_175, %add3A_518 : vector<16xi32>
      tpu.vector_store_idx %arg6[%div3A_513, %rem3A_516], %add3A_519 : memref<9x128xi32, #tpu.memory_space<vmem>>[vector<16xi32>, vector<16xi32>], vector<16xi32>,
      %mul3A_520 = arith.constant 71 : i32
      %mul3A_521 = vector.broadcast %mul3A_520 : i32 to vector<16xi32>
      %mul3A_522 = arith.muli %iota3A, %mul3A_521 : vector<16xi32>
      %add3A_523 = arith.constant 23 : i32
      %add3A_524 = vector.broadcast %add3A_523 : i32 to vector<16xi32>
      %add3A_525 = arith.addi %mul3A_522, %add3A_524 : vector<16xi32>
      %div3A_526 = arith.constant 128 : i32
      %div3A_527 = vector.broadcast %div3A_526 : i32 to vector<16xi32>
      %div3A_528 = arith.divsi %add3A_525, %div3A_527 : vector<16xi32>
      %rem3A_529 = arith.constant 128 : i32
      %rem3A_530 = vector.broadcast %rem3A_529 : i32 to vector<16xi32>
      %rem3A_531 = arith.remsi %add3A_525, %rem3A_530 : vector<16xi32>
      %add3A_532 = arith.constant 3887 : i32
      %add3A_533 = vector.broadcast %add3A_532 : i32 to vector<16xi32>
      %add3A_534 = arith.addi %add3A_175, %add3A_533 : vector<16xi32>
      tpu.vector_store_idx %arg6[%div3A_528, %rem3A_531], %add3A_534 : memref<9x128xi32, #tpu.memory_space<vmem>>[vector<16xi32>, vector<16xi32>], vector<16xi32>,
      %mul3A_535 = arith.constant 71 : i32
      %mul3A_536 = vector.broadcast %mul3A_535 : i32 to vector<16xi32>
      %mul3A_537 = arith.muli %iota3A, %mul3A_536 : vector<16xi32>
      %add3A_538 = arith.constant 24 : i32
      %add3A_539 = vector.broadcast %add3A_538 : i32 to vector<16xi32>
      %add3A_540 = arith.addi %mul3A_537, %add3A_539 : vector<16xi32>
      %div3A_541 = arith.constant 128 : i32
      %div3A_542 = vector.broadcast %div3A_541 : i32 to vector<16xi32>
      %div3A_543 = arith.divsi %add3A_540, %div3A_542 : vector<16xi32>
      %rem3A_544 = arith.constant 128 : i32
      %rem3A_545 = vector.broadcast %rem3A_544 : i32 to vector<16xi32>
      %rem3A_546 = arith.remsi %add3A_540, %rem3A_545 : vector<16xi32>
      %add3A_547 = arith.constant 4056 : i32
      %add3A_548 = vector.broadcast %add3A_547 : i32 to vector<16xi32>
      %add3A_549 = arith.addi %add3A_175, %add3A_548 : vector<16xi32>
      tpu.vector_store_idx %arg6[%div3A_543, %rem3A_546], %add3A_549 : memref<9x128xi32, #tpu.memory_space<vmem>>[vector<16xi32>, vector<16xi32>], vector<16xi32>,
      %mul3A_550 = arith.constant 71 : i32
      %mul3A_551 = vector.broadcast %mul3A_550 : i32 to vector<16xi32>
      %mul3A_552 = arith.muli %iota3A, %mul3A_551 : vector<16xi32>
      %add3A_553 = arith.constant 25 : i32
      %add3A_554 = vector.broadcast %add3A_553 : i32 to vector<16xi32>
      %add3A_555 = arith.addi %mul3A_552, %add3A_554 : vector<16xi32>
      %div3A_556 = arith.constant 128 : i32
      %div3A_557 = vector.broadcast %div3A_556 : i32 to vector<16xi32>
      %div3A_558 = arith.divsi %add3A_555, %div3A_557 : vector<16xi32>
      %rem3A_559 = arith.constant 128 : i32
      %rem3A_560 = vector.broadcast %rem3A_559 : i32 to vector<16xi32>
      %rem3A_561 = arith.remsi %add3A_555, %rem3A_560 : vector<16xi32>
      %add3A_562 = arith.constant 4225 : i32
      %add3A_563 = vector.broadcast %add3A_562 : i32 to vector<16xi32>
      %add3A_564 = arith.addi %add3A_175, %add3A_563 : vector<16xi32>
      tpu.vector_store_idx %arg6[%div3A_558, %rem3A_561], %add3A_564 : memref<9x128xi32, #tpu.memory_space<vmem>>[vector<16xi32>, vector<16xi32>], vector<16xi32>,
      %mul3A_565 = arith.constant 71 : i32
      %mul3A_566 = vector.broadcast %mul3A_565 : i32 to vector<16xi32>
      %mul3A_567 = arith.muli %iota3A, %mul3A_566 : vector<16xi32>
      %add3A_568 = arith.constant 26 : i32
      %add3A_569 = vector.broadcast %add3A_568 : i32 to vector<16xi32>
      %add3A_570 = arith.addi %mul3A_567, %add3A_569 : vector<16xi32>
      %div3A_571 = arith.constant 128 : i32
      %div3A_572 = vector.broadcast %div3A_571 : i32 to vector<16xi32>
      %div3A_573 = arith.divsi %add3A_570, %div3A_572 : vector<16xi32>
      %rem3A_574 = arith.constant 128 : i32
      %rem3A_575 = vector.broadcast %rem3A_574 : i32 to vector<16xi32>
      %rem3A_576 = arith.remsi %add3A_570, %rem3A_575 : vector<16xi32>
      %add3A_577 = arith.constant 4394 : i32
      %add3A_578 = vector.broadcast %add3A_577 : i32 to vector<16xi32>
      %add3A_579 = arith.addi %add3A_175, %add3A_578 : vector<16xi32>
      tpu.vector_store_idx %arg6[%div3A_573, %rem3A_576], %add3A_579 : memref<9x128xi32, #tpu.memory_space<vmem>>[vector<16xi32>, vector<16xi32>], vector<16xi32>,
      %mul3A_580 = arith.constant 71 : i32
      %mul3A_581 = vector.broadcast %mul3A_580 : i32 to vector<16xi32>
      %mul3A_582 = arith.muli %iota3A, %mul3A_581 : vector<16xi32>
      %add3A_583 = arith.constant 27 : i32
      %add3A_584 = vector.broadcast %add3A_583 : i32 to vector<16xi32>
      %add3A_585 = arith.addi %mul3A_582, %add3A_584 : vector<16xi32>
      %div3A_586 = arith.constant 128 : i32
      %div3A_587 = vector.broadcast %div3A_586 : i32 to vector<16xi32>
      %div3A_588 = arith.divsi %add3A_585, %div3A_587 : vector<16xi32>
      %rem3A_589 = arith.constant 128 : i32
      %rem3A_590 = vector.broadcast %rem3A_589 : i32 to vector<16xi32>
      %rem3A_591 = arith.remsi %add3A_585, %rem3A_590 : vector<16xi32>
      %add3A_592 = arith.constant 4563 : i32
      %add3A_593 = vector.broadcast %add3A_592 : i32 to vector<16xi32>
      %add3A_594 = arith.addi %add3A_175, %add3A_593 : vector<16xi32>
      tpu.vector_store_idx %arg6[%div3A_588, %rem3A_591], %add3A_594 : memref<9x128xi32, #tpu.memory_space<vmem>>[vector<16xi32>, vector<16xi32>], vector<16xi32>,
      %mul3A_595 = arith.constant 71 : i32
      %mul3A_596 = vector.broadcast %mul3A_595 : i32 to vector<16xi32>
      %mul3A_597 = arith.muli %iota3A, %mul3A_596 : vector<16xi32>
      %add3A_598 = arith.constant 28 : i32
      %add3A_599 = vector.broadcast %add3A_598 : i32 to vector<16xi32>
      %add3A_600 = arith.addi %mul3A_597, %add3A_599 : vector<16xi32>
      %div3A_601 = arith.constant 128 : i32
      %div3A_602 = vector.broadcast %div3A_601 : i32 to vector<16xi32>
      %div3A_603 = arith.divsi %add3A_600, %div3A_602 : vector<16xi32>
      %rem3A_604 = arith.constant 128 : i32
      %rem3A_605 = vector.broadcast %rem3A_604 : i32 to vector<16xi32>
      %rem3A_606 = arith.remsi %add3A_600, %rem3A_605 : vector<16xi32>
      %add3A_607 = arith.constant 4732 : i32
      %add3A_608 = vector.broadcast %add3A_607 : i32 to vector<16xi32>
      %add3A_609 = arith.addi %add3A_175, %add3A_608 : vector<16xi32>
      tpu.vector_store_idx %arg6[%div3A_603, %rem3A_606], %add3A_609 : memref<9x128xi32, #tpu.memory_space<vmem>>[vector<16xi32>, vector<16xi32>], vector<16xi32>,
      %mul3A_610 = arith.constant 71 : i32
      %mul3A_611 = vector.broadcast %mul3A_610 : i32 to vector<16xi32>
      %mul3A_612 = arith.muli %iota3A, %mul3A_611 : vector<16xi32>
      %add3A_613 = arith.constant 29 : i32
      %add3A_614 = vector.broadcast %add3A_613 : i32 to vector<16xi32>
      %add3A_615 = arith.addi %mul3A_612, %add3A_614 : vector<16xi32>
      %div3A_616 = arith.constant 128 : i32
      %div3A_617 = vector.broadcast %div3A_616 : i32 to vector<16xi32>
      %div3A_618 = arith.divsi %add3A_615, %div3A_617 : vector<16xi32>
      %rem3A_619 = arith.constant 128 : i32
      %rem3A_620 = vector.broadcast %rem3A_619 : i32 to vector<16xi32>
      %rem3A_621 = arith.remsi %add3A_615, %rem3A_620 : vector<16xi32>
      %add3A_622 = arith.constant 4901 : i32
      %add3A_623 = vector.broadcast %add3A_622 : i32 to vector<16xi32>
      %add3A_624 = arith.addi %add3A_175, %add3A_623 : vector<16xi32>
      tpu.vector_store_idx %arg6[%div3A_618, %rem3A_621], %add3A_624 : memref<9x128xi32, #tpu.memory_space<vmem>>[vector<16xi32>, vector<16xi32>], vector<16xi32>,
      %mul3A_625 = arith.constant 71 : i32
      %mul3A_626 = vector.broadcast %mul3A_625 : i32 to vector<16xi32>
      %mul3A_627 = arith.muli %iota3A, %mul3A_626 : vector<16xi32>
      %add3A_628 = arith.constant 30 : i32
      %add3A_629 = vector.broadcast %add3A_628 : i32 to vector<16xi32>
      %add3A_630 = arith.addi %mul3A_627, %add3A_629 : vector<16xi32>
      %div3A_631 = arith.constant 128 : i32
      %div3A_632 = vector.broadcast %div3A_631 : i32 to vector<16xi32>
      %div3A_633 = arith.divsi %add3A_630, %div3A_632 : vector<16xi32>
      %rem3A_634 = arith.constant 128 : i32
      %rem3A_635 = vector.broadcast %rem3A_634 : i32 to vector<16xi32>
      %rem3A_636 = arith.remsi %add3A_630, %rem3A_635 : vector<16xi32>
      %add3A_637 = arith.constant 5070 : i32
      %add3A_638 = vector.broadcast %add3A_637 : i32 to vector<16xi32>
      %add3A_639 = arith.addi %add3A_175, %add3A_638 : vector<16xi32>
      tpu.vector_store_idx %arg6[%div3A_633, %rem3A_636], %add3A_639 : memref<9x128xi32, #tpu.memory_space<vmem>>[vector<16xi32>, vector<16xi32>], vector<16xi32>,
      %mul3A_640 = arith.constant 71 : i32
      %mul3A_641 = vector.broadcast %mul3A_640 : i32 to vector<16xi32>
      %mul3A_642 = arith.muli %iota3A, %mul3A_641 : vector<16xi32>
      %add3A_643 = arith.constant 31 : i32
      %add3A_644 = vector.broadcast %add3A_643 : i32 to vector<16xi32>
      %add3A_645 = arith.addi %mul3A_642, %add3A_644 : vector<16xi32>
      %div3A_646 = arith.constant 128 : i32
      %div3A_647 = vector.broadcast %div3A_646 : i32 to vector<16xi32>
      %div3A_648 = arith.divsi %add3A_645, %div3A_647 : vector<16xi32>
      %rem3A_649 = arith.constant 128 : i32
      %rem3A_650 = vector.broadcast %rem3A_649 : i32 to vector<16xi32>
      %rem3A_651 = arith.remsi %add3A_645, %rem3A_650 : vector<16xi32>
      %add3A_652 = arith.constant 5239 : i32
      %add3A_653 = vector.broadcast %add3A_652 : i32 to vector<16xi32>
      %add3A_654 = arith.addi %add3A_175, %add3A_653 : vector<16xi32>
      tpu.vector_store_idx %arg6[%div3A_648, %rem3A_651], %add3A_654 : memref<9x128xi32, #tpu.memory_space<vmem>>[vector<16xi32>, vector<16xi32>], vector<16xi32>,
      %mul3A_655 = arith.constant 71 : i32
      %mul3A_656 = vector.broadcast %mul3A_655 : i32 to vector<16xi32>
      %mul3A_657 = arith.muli %iota3A, %mul3A_656 : vector<16xi32>
      %add3A_658 = arith.constant 32 : i32
      %add3A_659 = vector.broadcast %add3A_658 : i32 to vector<16xi32>
      %add3A_660 = arith.addi %mul3A_657, %add3A_659 : vector<16xi32>
      %div3A_661 = arith.constant 128 : i32
      %div3A_662 = vector.broadcast %div3A_661 : i32 to vector<16xi32>
      %div3A_663 = arith.divsi %add3A_660, %div3A_662 : vector<16xi32>
      %rem3A_664 = arith.constant 128 : i32
      %rem3A_665 = vector.broadcast %rem3A_664 : i32 to vector<16xi32>
      %rem3A_666 = arith.remsi %add3A_660, %rem3A_665 : vector<16xi32>
      %add3A_667 = arith.constant 5408 : i32
      %add3A_668 = vector.broadcast %add3A_667 : i32 to vector<16xi32>
      %add3A_669 = arith.addi %add3A_175, %add3A_668 : vector<16xi32>
      tpu.vector_store_idx %arg6[%div3A_663, %rem3A_666], %add3A_669 : memref<9x128xi32, #tpu.memory_space<vmem>>[vector<16xi32>, vector<16xi32>], vector<16xi32>,
      %mul3A_670 = arith.constant 71 : i32
      %mul3A_671 = vector.broadcast %mul3A_670 : i32 to vector<16xi32>
      %mul3A_672 = arith.muli %iota3A, %mul3A_671 : vector<16xi32>
      %add3A_673 = arith.constant 33 : i32
      %add3A_674 = vector.broadcast %add3A_673 : i32 to vector<16xi32>
      %add3A_675 = arith.addi %mul3A_672, %add3A_674 : vector<16xi32>
      %div3A_676 = arith.constant 128 : i32
      %div3A_677 = vector.broadcast %div3A_676 : i32 to vector<16xi32>
      %div3A_678 = arith.divsi %add3A_675, %div3A_677 : vector<16xi32>
      %rem3A_679 = arith.constant 128 : i32
      %rem3A_680 = vector.broadcast %rem3A_679 : i32 to vector<16xi32>
      %rem3A_681 = arith.remsi %add3A_675, %rem3A_680 : vector<16xi32>
      %add3A_682 = arith.constant 5577 : i32
      %add3A_683 = vector.broadcast %add3A_682 : i32 to vector<16xi32>
      %add3A_684 = arith.addi %add3A_175, %add3A_683 : vector<16xi32>
      tpu.vector_store_idx %arg6[%div3A_678, %rem3A_681], %add3A_684 : memref<9x128xi32, #tpu.memory_space<vmem>>[vector<16xi32>, vector<16xi32>], vector<16xi32>,
      %mul3A_685 = arith.constant 71 : i32
      %mul3A_686 = vector.broadcast %mul3A_685 : i32 to vector<16xi32>
      %mul3A_687 = arith.muli %iota3A, %mul3A_686 : vector<16xi32>
      %add3A_688 = arith.constant 34 : i32
      %add3A_689 = vector.broadcast %add3A_688 : i32 to vector<16xi32>
      %add3A_690 = arith.addi %mul3A_687, %add3A_689 : vector<16xi32>
      %div3A_691 = arith.constant 128 : i32
      %div3A_692 = vector.broadcast %div3A_691 : i32 to vector<16xi32>
      %div3A_693 = arith.divsi %add3A_690, %div3A_692 : vector<16xi32>
      %rem3A_694 = arith.constant 128 : i32
      %rem3A_695 = vector.broadcast %rem3A_694 : i32 to vector<16xi32>
      %rem3A_696 = arith.remsi %add3A_690, %rem3A_695 : vector<16xi32>
      %add3A_697 = arith.constant 5746 : i32
      %add3A_698 = vector.broadcast %add3A_697 : i32 to vector<16xi32>
      %add3A_699 = arith.addi %add3A_175, %add3A_698 : vector<16xi32>
      tpu.vector_store_idx %arg6[%div3A_693, %rem3A_696], %add3A_699 : memref<9x128xi32, #tpu.memory_space<vmem>>[vector<16xi32>, vector<16xi32>], vector<16xi32>,
      %mul3A_700 = arith.constant 71 : i32
      %mul3A_701 = vector.broadcast %mul3A_700 : i32 to vector<16xi32>
      %mul3A_702 = arith.muli %iota3A, %mul3A_701 : vector<16xi32>
      %add3A_703 = arith.constant 35 : i32
      %add3A_704 = vector.broadcast %add3A_703 : i32 to vector<16xi32>
      %add3A_705 = arith.addi %mul3A_702, %add3A_704 : vector<16xi32>
      %div3A_706 = arith.constant 128 : i32
      %div3A_707 = vector.broadcast %div3A_706 : i32 to vector<16xi32>
      %div3A_708 = arith.divsi %add3A_705, %div3A_707 : vector<16xi32>
      %rem3A_709 = arith.constant 128 : i32
      %rem3A_710 = vector.broadcast %rem3A_709 : i32 to vector<16xi32>
      %rem3A_711 = arith.remsi %add3A_705, %rem3A_710 : vector<16xi32>
      %add3A_712 = arith.constant 5915 : i32
      %add3A_713 = vector.broadcast %add3A_712 : i32 to vector<16xi32>
      %add3A_714 = arith.addi %add3A_175, %add3A_713 : vector<16xi32>
      tpu.vector_store_idx %arg6[%div3A_708, %rem3A_711], %add3A_714 : memref<9x128xi32, #tpu.memory_space<vmem>>[vector<16xi32>, vector<16xi32>], vector<16xi32>,
      %mul3A_715 = arith.constant 71 : i32
      %mul3A_716 = vector.broadcast %mul3A_715 : i32 to vector<16xi32>
      %mul3A_717 = arith.muli %iota3A, %mul3A_716 : vector<16xi32>
      %add3A_718 = arith.constant 36 : i32
      %add3A_719 = vector.broadcast %add3A_718 : i32 to vector<16xi32>
      %add3A_720 = arith.addi %mul3A_717, %add3A_719 : vector<16xi32>
      %div3A_721 = arith.constant 128 : i32
      %div3A_722 = vector.broadcast %div3A_721 : i32 to vector<16xi32>
      %div3A_723 = arith.divsi %add3A_720, %div3A_722 : vector<16xi32>
      %rem3A_724 = arith.constant 128 : i32
      %rem3A_725 = vector.broadcast %rem3A_724 : i32 to vector<16xi32>
      %rem3A_726 = arith.remsi %add3A_720, %rem3A_725 : vector<16xi32>
      %add3A_727 = arith.constant 6084 : i32
      %add3A_728 = vector.broadcast %add3A_727 : i32 to vector<16xi32>
      %add3A_729 = arith.addi %add3A_175, %add3A_728 : vector<16xi32>
      tpu.vector_store_idx %arg6[%div3A_723, %rem3A_726], %add3A_729 : memref<9x128xi32, #tpu.memory_space<vmem>>[vector<16xi32>, vector<16xi32>], vector<16xi32>,
      %mul3A_730 = arith.constant 71 : i32
      %mul3A_731 = vector.broadcast %mul3A_730 : i32 to vector<16xi32>
      %mul3A_732 = arith.muli %iota3A, %mul3A_731 : vector<16xi32>
      %add3A_733 = arith.constant 37 : i32
      %add3A_734 = vector.broadcast %add3A_733 : i32 to vector<16xi32>
      %add3A_735 = arith.addi %mul3A_732, %add3A_734 : vector<16xi32>
      %div3A_736 = arith.constant 128 : i32
      %div3A_737 = vector.broadcast %div3A_736 : i32 to vector<16xi32>
      %div3A_738 = arith.divsi %add3A_735, %div3A_737 : vector<16xi32>
      %rem3A_739 = arith.constant 128 : i32
      %rem3A_740 = vector.broadcast %rem3A_739 : i32 to vector<16xi32>
      %rem3A_741 = arith.remsi %add3A_735, %rem3A_740 : vector<16xi32>
      %add3A_742 = arith.constant 6253 : i32
      %add3A_743 = vector.broadcast %add3A_742 : i32 to vector<16xi32>
      %add3A_744 = arith.addi %add3A_175, %add3A_743 : vector<16xi32>
      tpu.vector_store_idx %arg6[%div3A_738, %rem3A_741], %add3A_744 : memref<9x128xi32, #tpu.memory_space<vmem>>[vector<16xi32>, vector<16xi32>], vector<16xi32>,
      %mul3A_745 = arith.constant 71 : i32
      %mul3A_746 = vector.broadcast %mul3A_745 : i32 to vector<16xi32>
      %mul3A_747 = arith.muli %iota3A, %mul3A_746 : vector<16xi32>
      %add3A_748 = arith.constant 38 : i32
      %add3A_749 = vector.broadcast %add3A_748 : i32 to vector<16xi32>
      %add3A_750 = arith.addi %mul3A_747, %add3A_749 : vector<16xi32>
      %div3A_751 = arith.constant 128 : i32
      %div3A_752 = vector.broadcast %div3A_751 : i32 to vector<16xi32>
      %div3A_753 = arith.divsi %add3A_750, %div3A_752 : vector<16xi32>
      %rem3A_754 = arith.constant 128 : i32
      %rem3A_755 = vector.broadcast %rem3A_754 : i32 to vector<16xi32>
      %rem3A_756 = arith.remsi %add3A_750, %rem3A_755 : vector<16xi32>
      %add3A_757 = arith.constant 6422 : i32
      %add3A_758 = vector.broadcast %add3A_757 : i32 to vector<16xi32>
      %add3A_759 = arith.addi %add3A_175, %add3A_758 : vector<16xi32>
      tpu.vector_store_idx %arg6[%div3A_753, %rem3A_756], %add3A_759 : memref<9x128xi32, #tpu.memory_space<vmem>>[vector<16xi32>, vector<16xi32>], vector<16xi32>,
      %mul3A_760 = arith.constant 71 : i32
      %mul3A_761 = vector.broadcast %mul3A_760 : i32 to vector<16xi32>
      %mul3A_762 = arith.muli %iota3A, %mul3A_761 : vector<16xi32>
      %add3A_763 = arith.constant 39 : i32
      %add3A_764 = vector.broadcast %add3A_763 : i32 to vector<16xi32>
      %add3A_765 = arith.addi %mul3A_762, %add3A_764 : vector<16xi32>
      %div3A_766 = arith.constant 128 : i32
      %div3A_767 = vector.broadcast %div3A_766 : i32 to vector<16xi32>
      %div3A_768 = arith.divsi %add3A_765, %div3A_767 : vector<16xi32>
      %rem3A_769 = arith.constant 128 : i32
      %rem3A_770 = vector.broadcast %rem3A_769 : i32 to vector<16xi32>
      %rem3A_771 = arith.remsi %add3A_765, %rem3A_770 : vector<16xi32>
      %add3A_772 = arith.constant 6591 : i32
      %add3A_773 = vector.broadcast %add3A_772 : i32 to vector<16xi32>
      %add3A_774 = arith.addi %add3A_175, %add3A_773 : vector<16xi32>
      tpu.vector_store_idx %arg6[%div3A_768, %rem3A_771], %add3A_774 : memref<9x128xi32, #tpu.memory_space<vmem>>[vector<16xi32>, vector<16xi32>], vector<16xi32>,
      %mul3A_775 = arith.constant 71 : i32
      %mul3A_776 = vector.broadcast %mul3A_775 : i32 to vector<16xi32>
      %mul3A_777 = arith.muli %iota3A, %mul3A_776 : vector<16xi32>
      %add3A_778 = arith.constant 40 : i32
      %add3A_779 = vector.broadcast %add3A_778 : i32 to vector<16xi32>
      %add3A_780 = arith.addi %mul3A_777, %add3A_779 : vector<16xi32>
      %div3A_781 = arith.constant 128 : i32
      %div3A_782 = vector.broadcast %div3A_781 : i32 to vector<16xi32>
      %div3A_783 = arith.divsi %add3A_780, %div3A_782 : vector<16xi32>
      %rem3A_784 = arith.constant 128 : i32
      %rem3A_785 = vector.broadcast %rem3A_784 : i32 to vector<16xi32>
      %rem3A_786 = arith.remsi %add3A_780, %rem3A_785 : vector<16xi32>
      %add3A_787 = arith.constant 6760 : i32
      %add3A_788 = vector.broadcast %add3A_787 : i32 to vector<16xi32>
      %add3A_789 = arith.addi %add3A_175, %add3A_788 : vector<16xi32>
      tpu.vector_store_idx %arg6[%div3A_783, %rem3A_786], %add3A_789 : memref<9x128xi32, #tpu.memory_space<vmem>>[vector<16xi32>, vector<16xi32>], vector<16xi32>,
      %mul3A_790 = arith.constant 71 : i32
      %mul3A_791 = vector.broadcast %mul3A_790 : i32 to vector<16xi32>
      %mul3A_792 = arith.muli %iota3A, %mul3A_791 : vector<16xi32>
      %add3A_793 = arith.constant 41 : i32
      %add3A_794 = vector.broadcast %add3A_793 : i32 to vector<16xi32>
      %add3A_795 = arith.addi %mul3A_792, %add3A_794 : vector<16xi32>
      %div3A_796 = arith.constant 128 : i32
      %div3A_797 = vector.broadcast %div3A_796 : i32 to vector<16xi32>
      %div3A_798 = arith.divsi %add3A_795, %div3A_797 : vector<16xi32>
      %rem3A_799 = arith.constant 128 : i32
      %rem3A_800 = vector.broadcast %rem3A_799 : i32 to vector<16xi32>
      %rem3A_801 = arith.remsi %add3A_795, %rem3A_800 : vector<16xi32>
      %add3A_802 = arith.constant 6929 : i32
      %add3A_803 = vector.broadcast %add3A_802 : i32 to vector<16xi32>
      %add3A_804 = arith.addi %add3A_175, %add3A_803 : vector<16xi32>
      tpu.vector_store_idx %arg6[%div3A_798, %rem3A_801], %add3A_804 : memref<9x128xi32, #tpu.memory_space<vmem>>[vector<16xi32>, vector<16xi32>], vector<16xi32>,
      %mul3A_805 = arith.constant 71 : i32
      %mul3A_806 = vector.broadcast %mul3A_805 : i32 to vector<16xi32>
      %mul3A_807 = arith.muli %iota3A, %mul3A_806 : vector<16xi32>
      %add3A_808 = arith.constant 42 : i32
      %add3A_809 = vector.broadcast %add3A_808 : i32 to vector<16xi32>
      %add3A_810 = arith.addi %mul3A_807, %add3A_809 : vector<16xi32>
      %div3A_811 = arith.constant 128 : i32
      %div3A_812 = vector.broadcast %div3A_811 : i32 to vector<16xi32>
      %div3A_813 = arith.divsi %add3A_810, %div3A_812 : vector<16xi32>
      %rem3A_814 = arith.constant 128 : i32
      %rem3A_815 = vector.broadcast %rem3A_814 : i32 to vector<16xi32>
      %rem3A_816 = arith.remsi %add3A_810, %rem3A_815 : vector<16xi32>
      %add3A_817 = arith.constant 7098 : i32
      %add3A_818 = vector.broadcast %add3A_817 : i32 to vector<16xi32>
      %add3A_819 = arith.addi %add3A_175, %add3A_818 : vector<16xi32>
      tpu.vector_store_idx %arg6[%div3A_813, %rem3A_816], %add3A_819 : memref<9x128xi32, #tpu.memory_space<vmem>>[vector<16xi32>, vector<16xi32>], vector<16xi32>,
      %mul3A_820 = arith.constant 71 : i32
      %mul3A_821 = vector.broadcast %mul3A_820 : i32 to vector<16xi32>
      %mul3A_822 = arith.muli %iota3A, %mul3A_821 : vector<16xi32>
      %add3A_823 = arith.constant 43 : i32
      %add3A_824 = vector.broadcast %add3A_823 : i32 to vector<16xi32>
      %add3A_825 = arith.addi %mul3A_822, %add3A_824 : vector<16xi32>
      %div3A_826 = arith.constant 128 : i32
      %div3A_827 = vector.broadcast %div3A_826 : i32 to vector<16xi32>
      %div3A_828 = arith.divsi %add3A_825, %div3A_827 : vector<16xi32>
      %rem3A_829 = arith.constant 128 : i32
      %rem3A_830 = vector.broadcast %rem3A_829 : i32 to vector<16xi32>
      %rem3A_831 = arith.remsi %add3A_825, %rem3A_830 : vector<16xi32>
      %add3A_832 = arith.constant 7267 : i32
      %add3A_833 = vector.broadcast %add3A_832 : i32 to vector<16xi32>
      %add3A_834 = arith.addi %add3A_175, %add3A_833 : vector<16xi32>
      tpu.vector_store_idx %arg6[%div3A_828, %rem3A_831], %add3A_834 : memref<9x128xi32, #tpu.memory_space<vmem>>[vector<16xi32>, vector<16xi32>], vector<16xi32>,
      %mul3A_835 = arith.constant 71 : i32
      %mul3A_836 = vector.broadcast %mul3A_835 : i32 to vector<16xi32>
      %mul3A_837 = arith.muli %iota3A, %mul3A_836 : vector<16xi32>
      %add3A_838 = arith.constant 44 : i32
      %add3A_839 = vector.broadcast %add3A_838 : i32 to vector<16xi32>
      %add3A_840 = arith.addi %mul3A_837, %add3A_839 : vector<16xi32>
      %div3A_841 = arith.constant 128 : i32
      %div3A_842 = vector.broadcast %div3A_841 : i32 to vector<16xi32>
      %div3A_843 = arith.divsi %add3A_840, %div3A_842 : vector<16xi32>
      %rem3A_844 = arith.constant 128 : i32
      %rem3A_845 = vector.broadcast %rem3A_844 : i32 to vector<16xi32>
      %rem3A_846 = arith.remsi %add3A_840, %rem3A_845 : vector<16xi32>
      %add3A_847 = arith.constant 7436 : i32
      %add3A_848 = vector.broadcast %add3A_847 : i32 to vector<16xi32>
      %add3A_849 = arith.addi %add3A_175, %add3A_848 : vector<16xi32>
      tpu.vector_store_idx %arg6[%div3A_843, %rem3A_846], %add3A_849 : memref<9x128xi32, #tpu.memory_space<vmem>>[vector<16xi32>, vector<16xi32>], vector<16xi32>,
      %mul3A_850 = arith.constant 71 : i32
      %mul3A_851 = vector.broadcast %mul3A_850 : i32 to vector<16xi32>
      %mul3A_852 = arith.muli %iota3A, %mul3A_851 : vector<16xi32>
      %add3A_853 = arith.constant 45 : i32
      %add3A_854 = vector.broadcast %add3A_853 : i32 to vector<16xi32>
      %add3A_855 = arith.addi %mul3A_852, %add3A_854 : vector<16xi32>
      %div3A_856 = arith.constant 128 : i32
      %div3A_857 = vector.broadcast %div3A_856 : i32 to vector<16xi32>
      %div3A_858 = arith.divsi %add3A_855, %div3A_857 : vector<16xi32>
      %rem3A_859 = arith.constant 128 : i32
      %rem3A_860 = vector.broadcast %rem3A_859 : i32 to vector<16xi32>
      %rem3A_861 = arith.remsi %add3A_855, %rem3A_860 : vector<16xi32>
      %add3A_862 = arith.constant 7605 : i32
      %add3A_863 = vector.broadcast %add3A_862 : i32 to vector<16xi32>
      %add3A_864 = arith.addi %add3A_175, %add3A_863 : vector<16xi32>
      tpu.vector_store_idx %arg6[%div3A_858, %rem3A_861], %add3A_864 : memref<9x128xi32, #tpu.memory_space<vmem>>[vector<16xi32>, vector<16xi32>], vector<16xi32>,
      %mul3A_865 = arith.constant 71 : i32
      %mul3A_866 = vector.broadcast %mul3A_865 : i32 to vector<16xi32>
      %mul3A_867 = arith.muli %iota3A, %mul3A_866 : vector<16xi32>
      %add3A_868 = arith.constant 46 : i32
      %add3A_869 = vector.broadcast %add3A_868 : i32 to vector<16xi32>
      %add3A_870 = arith.addi %mul3A_867, %add3A_869 : vector<16xi32>
      %div3A_871 = arith.constant 128 : i32
      %div3A_872 = vector.broadcast %div3A_871 : i32 to vector<16xi32>
      %div3A_873 = arith.divsi %add3A_870, %div3A_872 : vector<16xi32>
      %rem3A_874 = arith.constant 128 : i32
      %rem3A_875 = vector.broadcast %rem3A_874 : i32 to vector<16xi32>
      %rem3A_876 = arith.remsi %add3A_870, %rem3A_875 : vector<16xi32>
      %add3A_877 = arith.constant 7774 : i32
      %add3A_878 = vector.broadcast %add3A_877 : i32 to vector<16xi32>
      %add3A_879 = arith.addi %add3A_175, %add3A_878 : vector<16xi32>
      tpu.vector_store_idx %arg6[%div3A_873, %rem3A_876], %add3A_879 : memref<9x128xi32, #tpu.memory_space<vmem>>[vector<16xi32>, vector<16xi32>], vector<16xi32>,
      %mul3A_880 = arith.constant 71 : i32
      %mul3A_881 = vector.broadcast %mul3A_880 : i32 to vector<16xi32>
      %mul3A_882 = arith.muli %iota3A, %mul3A_881 : vector<16xi32>
      %add3A_883 = arith.constant 47 : i32
      %add3A_884 = vector.broadcast %add3A_883 : i32 to vector<16xi32>
      %add3A_885 = arith.addi %mul3A_882, %add3A_884 : vector<16xi32>
      %div3A_886 = arith.constant 128 : i32
      %div3A_887 = vector.broadcast %div3A_886 : i32 to vector<16xi32>
      %div3A_888 = arith.divsi %add3A_885, %div3A_887 : vector<16xi32>
      %rem3A_889 = arith.constant 128 : i32
      %rem3A_890 = vector.broadcast %rem3A_889 : i32 to vector<16xi32>
      %rem3A_891 = arith.remsi %add3A_885, %rem3A_890 : vector<16xi32>
      %add3A_892 = arith.constant 7943 : i32
      %add3A_893 = vector.broadcast %add3A_892 : i32 to vector<16xi32>
      %add3A_894 = arith.addi %add3A_175, %add3A_893 : vector<16xi32>
      tpu.vector_store_idx %arg6[%div3A_888, %rem3A_891], %add3A_894 : memref<9x128xi32, #tpu.memory_space<vmem>>[vector<16xi32>, vector<16xi32>], vector<16xi32>,
      %mul3A_895 = arith.constant 71 : i32
      %mul3A_896 = vector.broadcast %mul3A_895 : i32 to vector<16xi32>
      %mul3A_897 = arith.muli %iota3A, %mul3A_896 : vector<16xi32>
      %add3A_898 = arith.constant 48 : i32
      %add3A_899 = vector.broadcast %add3A_898 : i32 to vector<16xi32>
      %add3A_900 = arith.addi %mul3A_897, %add3A_899 : vector<16xi32>
      %div3A_901 = arith.constant 128 : i32
      %div3A_902 = vector.broadcast %div3A_901 : i32 to vector<16xi32>
      %div3A_903 = arith.divsi %add3A_900, %div3A_902 : vector<16xi32>
      %rem3A_904 = arith.constant 128 : i32
      %rem3A_905 = vector.broadcast %rem3A_904 : i32 to vector<16xi32>
      %rem3A_906 = arith.remsi %add3A_900, %rem3A_905 : vector<16xi32>
      %add3A_907 = arith.constant 8112 : i32
      %add3A_908 = vector.broadcast %add3A_907 : i32 to vector<16xi32>
      %add3A_909 = arith.addi %add3A_175, %add3A_908 : vector<16xi32>
      tpu.vector_store_idx %arg6[%div3A_903, %rem3A_906], %add3A_909 : memref<9x128xi32, #tpu.memory_space<vmem>>[vector<16xi32>, vector<16xi32>], vector<16xi32>,
      %mul3A_910 = arith.constant 71 : i32
      %mul3A_911 = vector.broadcast %mul3A_910 : i32 to vector<16xi32>
      %mul3A_912 = arith.muli %iota3A, %mul3A_911 : vector<16xi32>
      %add3A_913 = arith.constant 49 : i32
      %add3A_914 = vector.broadcast %add3A_913 : i32 to vector<16xi32>
      %add3A_915 = arith.addi %mul3A_912, %add3A_914 : vector<16xi32>
      %div3A_916 = arith.constant 128 : i32
      %div3A_917 = vector.broadcast %div3A_916 : i32 to vector<16xi32>
      %div3A_918 = arith.divsi %add3A_915, %div3A_917 : vector<16xi32>
      %rem3A_919 = arith.constant 128 : i32
      %rem3A_920 = vector.broadcast %rem3A_919 : i32 to vector<16xi32>
      %rem3A_921 = arith.remsi %add3A_915, %rem3A_920 : vector<16xi32>
      %add3A_922 = arith.constant 8281 : i32
      %add3A_923 = vector.broadcast %add3A_922 : i32 to vector<16xi32>
      %add3A_924 = arith.addi %add3A_175, %add3A_923 : vector<16xi32>
      tpu.vector_store_idx %arg6[%div3A_918, %rem3A_921], %add3A_924 : memref<9x128xi32, #tpu.memory_space<vmem>>[vector<16xi32>, vector<16xi32>], vector<16xi32>,
      %mul3A_925 = arith.constant 71 : i32
      %mul3A_926 = vector.broadcast %mul3A_925 : i32 to vector<16xi32>
      %mul3A_927 = arith.muli %iota3A, %mul3A_926 : vector<16xi32>
      %add3A_928 = arith.constant 50 : i32
      %add3A_929 = vector.broadcast %add3A_928 : i32 to vector<16xi32>
      %add3A_930 = arith.addi %mul3A_927, %add3A_929 : vector<16xi32>
      %div3A_931 = arith.constant 128 : i32
      %div3A_932 = vector.broadcast %div3A_931 : i32 to vector<16xi32>
      %div3A_933 = arith.divsi %add3A_930, %div3A_932 : vector<16xi32>
      %rem3A_934 = arith.constant 128 : i32
      %rem3A_935 = vector.broadcast %rem3A_934 : i32 to vector<16xi32>
      %rem3A_936 = arith.remsi %add3A_930, %rem3A_935 : vector<16xi32>
      %add3A_937 = arith.constant 8450 : i32
      %add3A_938 = vector.broadcast %add3A_937 : i32 to vector<16xi32>
      %add3A_939 = arith.addi %add3A_175, %add3A_938 : vector<16xi32>
      tpu.vector_store_idx %arg6[%div3A_933, %rem3A_936], %add3A_939 : memref<9x128xi32, #tpu.memory_space<vmem>>[vector<16xi32>, vector<16xi32>], vector<16xi32>,
      %mul3A_940 = arith.constant 71 : i32
      %mul3A_941 = vector.broadcast %mul3A_940 : i32 to vector<16xi32>
      %mul3A_942 = arith.muli %iota3A, %mul3A_941 : vector<16xi32>
      %add3A_943 = arith.constant 51 : i32
      %add3A_944 = vector.broadcast %add3A_943 : i32 to vector<16xi32>
      %add3A_945 = arith.addi %mul3A_942, %add3A_944 : vector<16xi32>
      %div3A_946 = arith.constant 128 : i32
      %div3A_947 = vector.broadcast %div3A_946 : i32 to vector<16xi32>
      %div3A_948 = arith.divsi %add3A_945, %div3A_947 : vector<16xi32>
      %rem3A_949 = arith.constant 128 : i32
      %rem3A_950 = vector.broadcast %rem3A_949 : i32 to vector<16xi32>
      %rem3A_951 = arith.remsi %add3A_945, %rem3A_950 : vector<16xi32>
      %add3A_952 = arith.constant 8619 : i32
      %add3A_953 = vector.broadcast %add3A_952 : i32 to vector<16xi32>
      %add3A_954 = arith.addi %add3A_175, %add3A_953 : vector<16xi32>
      tpu.vector_store_idx %arg6[%div3A_948, %rem3A_951], %add3A_954 : memref<9x128xi32, #tpu.memory_space<vmem>>[vector<16xi32>, vector<16xi32>], vector<16xi32>,
      %mul3A_955 = arith.constant 71 : i32
      %mul3A_956 = vector.broadcast %mul3A_955 : i32 to vector<16xi32>
      %mul3A_957 = arith.muli %iota3A, %mul3A_956 : vector<16xi32>
      %add3A_958 = arith.constant 52 : i32
      %add3A_959 = vector.broadcast %add3A_958 : i32 to vector<16xi32>
      %add3A_960 = arith.addi %mul3A_957, %add3A_959 : vector<16xi32>
      %div3A_961 = arith.constant 128 : i32
      %div3A_962 = vector.broadcast %div3A_961 : i32 to vector<16xi32>
      %div3A_963 = arith.divsi %add3A_960, %div3A_962 : vector<16xi32>
      %rem3A_964 = arith.constant 128 : i32
      %rem3A_965 = vector.broadcast %rem3A_964 : i32 to vector<16xi32>
      %rem3A_966 = arith.remsi %add3A_960, %rem3A_965 : vector<16xi32>
      %add3A_967 = arith.constant 8788 : i32
      %add3A_968 = vector.broadcast %add3A_967 : i32 to vector<16xi32>
      %add3A_969 = arith.addi %add3A_175, %add3A_968 : vector<16xi32>
      tpu.vector_store_idx %arg6[%div3A_963, %rem3A_966], %add3A_969 : memref<9x128xi32, #tpu.memory_space<vmem>>[vector<16xi32>, vector<16xi32>], vector<16xi32>,
      %mul3A_970 = arith.constant 71 : i32
      %mul3A_971 = vector.broadcast %mul3A_970 : i32 to vector<16xi32>
      %mul3A_972 = arith.muli %iota3A, %mul3A_971 : vector<16xi32>
      %add3A_973 = arith.constant 53 : i32
      %add3A_974 = vector.broadcast %add3A_973 : i32 to vector<16xi32>
      %add3A_975 = arith.addi %mul3A_972, %add3A_974 : vector<16xi32>
      %div3A_976 = arith.constant 128 : i32
      %div3A_977 = vector.broadcast %div3A_976 : i32 to vector<16xi32>
      %div3A_978 = arith.divsi %add3A_975, %div3A_977 : vector<16xi32>
      %rem3A_979 = arith.constant 128 : i32
      %rem3A_980 = vector.broadcast %rem3A_979 : i32 to vector<16xi32>
      %rem3A_981 = arith.remsi %add3A_975, %rem3A_980 : vector<16xi32>
      %add3A_982 = arith.constant 8957 : i32
      %add3A_983 = vector.broadcast %add3A_982 : i32 to vector<16xi32>
      %add3A_984 = arith.addi %add3A_175, %add3A_983 : vector<16xi32>
      tpu.vector_store_idx %arg6[%div3A_978, %rem3A_981], %add3A_984 : memref<9x128xi32, #tpu.memory_space<vmem>>[vector<16xi32>, vector<16xi32>], vector<16xi32>,
      %mul3A_985 = arith.constant 71 : i32
      %mul3A_986 = vector.broadcast %mul3A_985 : i32 to vector<16xi32>
      %mul3A_987 = arith.muli %iota3A, %mul3A_986 : vector<16xi32>
      %add3A_988 = arith.constant 54 : i32
      %add3A_989 = vector.broadcast %add3A_988 : i32 to vector<16xi32>
      %add3A_990 = arith.addi %mul3A_987, %add3A_989 : vector<16xi32>
      %div3A_991 = arith.constant 128 : i32
      %div3A_992 = vector.broadcast %div3A_991 : i32 to vector<16xi32>
      %div3A_993 = arith.divsi %add3A_990, %div3A_992 : vector<16xi32>
      %rem3A_994 = arith.constant 128 : i32
      %rem3A_995 = vector.broadcast %rem3A_994 : i32 to vector<16xi32>
      %rem3A_996 = arith.remsi %add3A_990, %rem3A_995 : vector<16xi32>
      %add3A_997 = arith.constant 9126 : i32
      %add3A_998 = vector.broadcast %add3A_997 : i32 to vector<16xi32>
      %add3A_999 = arith.addi %add3A_175, %add3A_998 : vector<16xi32>
      tpu.vector_store_idx %arg6[%div3A_993, %rem3A_996], %add3A_999 : memref<9x128xi32, #tpu.memory_space<vmem>>[vector<16xi32>, vector<16xi32>], vector<16xi32>,
      %mul3A_1000 = arith.constant 71 : i32
      %mul3A_1001 = vector.broadcast %mul3A_1000 : i32 to vector<16xi32>
      %mul3A_1002 = arith.muli %iota3A, %mul3A_1001 : vector<16xi32>
      %add3A_1003 = arith.constant 55 : i32
      %add3A_1004 = vector.broadcast %add3A_1003 : i32 to vector<16xi32>
      %add3A_1005 = arith.addi %mul3A_1002, %add3A_1004 : vector<16xi32>
      %div3A_1006 = arith.constant 128 : i32
      %div3A_1007 = vector.broadcast %div3A_1006 : i32 to vector<16xi32>
      %div3A_1008 = arith.divsi %add3A_1005, %div3A_1007 : vector<16xi32>
      %rem3A_1009 = arith.constant 128 : i32
      %rem3A_1010 = vector.broadcast %rem3A_1009 : i32 to vector<16xi32>
      %rem3A_1011 = arith.remsi %add3A_1005, %rem3A_1010 : vector<16xi32>
      %add3A_1012 = arith.constant 9295 : i32
      %add3A_1013 = vector.broadcast %add3A_1012 : i32 to vector<16xi32>
      %add3A_1014 = arith.addi %add3A_175, %add3A_1013 : vector<16xi32>
      tpu.vector_store_idx %arg6[%div3A_1008, %rem3A_1011], %add3A_1014 : memref<9x128xi32, #tpu.memory_space<vmem>>[vector<16xi32>, vector<16xi32>], vector<16xi32>,
      %mul3A_1015 = arith.constant 71 : i32
      %mul3A_1016 = vector.broadcast %mul3A_1015 : i32 to vector<16xi32>
      %mul3A_1017 = arith.muli %iota3A, %mul3A_1016 : vector<16xi32>
      %add3A_1018 = arith.constant 56 : i32
      %add3A_1019 = vector.broadcast %add3A_1018 : i32 to vector<16xi32>
      %add3A_1020 = arith.addi %mul3A_1017, %add3A_1019 : vector<16xi32>
      %div3A_1021 = arith.constant 128 : i32
      %div3A_1022 = vector.broadcast %div3A_1021 : i32 to vector<16xi32>
      %div3A_1023 = arith.divsi %add3A_1020, %div3A_1022 : vector<16xi32>
      %rem3A_1024 = arith.constant 128 : i32
      %rem3A_1025 = vector.broadcast %rem3A_1024 : i32 to vector<16xi32>
      %rem3A_1026 = arith.remsi %add3A_1020, %rem3A_1025 : vector<16xi32>
      %add3A_1027 = arith.constant 9464 : i32
      %add3A_1028 = vector.broadcast %add3A_1027 : i32 to vector<16xi32>
      %add3A_1029 = arith.addi %add3A_175, %add3A_1028 : vector<16xi32>
      tpu.vector_store_idx %arg6[%div3A_1023, %rem3A_1026], %add3A_1029 : memref<9x128xi32, #tpu.memory_space<vmem>>[vector<16xi32>, vector<16xi32>], vector<16xi32>,
      %mul3A_1030 = arith.constant 71 : i32
      %mul3A_1031 = vector.broadcast %mul3A_1030 : i32 to vector<16xi32>
      %mul3A_1032 = arith.muli %iota3A, %mul3A_1031 : vector<16xi32>
      %add3A_1033 = arith.constant 57 : i32
      %add3A_1034 = vector.broadcast %add3A_1033 : i32 to vector<16xi32>
      %add3A_1035 = arith.addi %mul3A_1032, %add3A_1034 : vector<16xi32>
      %div3A_1036 = arith.constant 128 : i32
      %div3A_1037 = vector.broadcast %div3A_1036 : i32 to vector<16xi32>
      %div3A_1038 = arith.divsi %add3A_1035, %div3A_1037 : vector<16xi32>
      %rem3A_1039 = arith.constant 128 : i32
      %rem3A_1040 = vector.broadcast %rem3A_1039 : i32 to vector<16xi32>
      %rem3A_1041 = arith.remsi %add3A_1035, %rem3A_1040 : vector<16xi32>
      %add3A_1042 = arith.constant 9633 : i32
      %add3A_1043 = vector.broadcast %add3A_1042 : i32 to vector<16xi32>
      %add3A_1044 = arith.addi %add3A_175, %add3A_1043 : vector<16xi32>
      tpu.vector_store_idx %arg6[%div3A_1038, %rem3A_1041], %add3A_1044 : memref<9x128xi32, #tpu.memory_space<vmem>>[vector<16xi32>, vector<16xi32>], vector<16xi32>,
      %mul3A_1045 = arith.constant 71 : i32
      %mul3A_1046 = vector.broadcast %mul3A_1045 : i32 to vector<16xi32>
      %mul3A_1047 = arith.muli %iota3A, %mul3A_1046 : vector<16xi32>
      %add3A_1048 = arith.constant 58 : i32
      %add3A_1049 = vector.broadcast %add3A_1048 : i32 to vector<16xi32>
      %add3A_1050 = arith.addi %mul3A_1047, %add3A_1049 : vector<16xi32>
      %div3A_1051 = arith.constant 128 : i32
      %div3A_1052 = vector.broadcast %div3A_1051 : i32 to vector<16xi32>
      %div3A_1053 = arith.divsi %add3A_1050, %div3A_1052 : vector<16xi32>
      %rem3A_1054 = arith.constant 128 : i32
      %rem3A_1055 = vector.broadcast %rem3A_1054 : i32 to vector<16xi32>
      %rem3A_1056 = arith.remsi %add3A_1050, %rem3A_1055 : vector<16xi32>
      %add3A_1057 = arith.constant 9802 : i32
      %add3A_1058 = vector.broadcast %add3A_1057 : i32 to vector<16xi32>
      %add3A_1059 = arith.addi %add3A_175, %add3A_1058 : vector<16xi32>
      tpu.vector_store_idx %arg6[%div3A_1053, %rem3A_1056], %add3A_1059 : memref<9x128xi32, #tpu.memory_space<vmem>>[vector<16xi32>, vector<16xi32>], vector<16xi32>,
      %mul3A_1060 = arith.constant 71 : i32
      %mul3A_1061 = vector.broadcast %mul3A_1060 : i32 to vector<16xi32>
      %mul3A_1062 = arith.muli %iota3A, %mul3A_1061 : vector<16xi32>
      %add3A_1063 = arith.constant 59 : i32
      %add3A_1064 = vector.broadcast %add3A_1063 : i32 to vector<16xi32>
      %add3A_1065 = arith.addi %mul3A_1062, %add3A_1064 : vector<16xi32>
      %div3A_1066 = arith.constant 128 : i32
      %div3A_1067 = vector.broadcast %div3A_1066 : i32 to vector<16xi32>
      %div3A_1068 = arith.divsi %add3A_1065, %div3A_1067 : vector<16xi32>
      %rem3A_1069 = arith.constant 128 : i32
      %rem3A_1070 = vector.broadcast %rem3A_1069 : i32 to vector<16xi32>
      %rem3A_1071 = arith.remsi %add3A_1065, %rem3A_1070 : vector<16xi32>
      %add3A_1072 = arith.constant 9971 : i32
      %add3A_1073 = vector.broadcast %add3A_1072 : i32 to vector<16xi32>
      %add3A_1074 = arith.addi %add3A_175, %add3A_1073 : vector<16xi32>
      tpu.vector_store_idx %arg6[%div3A_1068, %rem3A_1071], %add3A_1074 : memref<9x128xi32, #tpu.memory_space<vmem>>[vector<16xi32>, vector<16xi32>], vector<16xi32>,
      %mul3A_1075 = arith.constant 71 : i32
      %mul3A_1076 = vector.broadcast %mul3A_1075 : i32 to vector<16xi32>
      %mul3A_1077 = arith.muli %iota3A, %mul3A_1076 : vector<16xi32>
      %add3A_1078 = arith.constant 60 : i32
      %add3A_1079 = vector.broadcast %add3A_1078 : i32 to vector<16xi32>
      %add3A_1080 = arith.addi %mul3A_1077, %add3A_1079 : vector<16xi32>
      %div3A_1081 = arith.constant 128 : i32
      %div3A_1082 = vector.broadcast %div3A_1081 : i32 to vector<16xi32>
      %div3A_1083 = arith.divsi %add3A_1080, %div3A_1082 : vector<16xi32>
      %rem3A_1084 = arith.constant 128 : i32
      %rem3A_1085 = vector.broadcast %rem3A_1084 : i32 to vector<16xi32>
      %rem3A_1086 = arith.remsi %add3A_1080, %rem3A_1085 : vector<16xi32>
      %add3A_1087 = arith.constant 10140 : i32
      %add3A_1088 = vector.broadcast %add3A_1087 : i32 to vector<16xi32>
      %add3A_1089 = arith.addi %add3A_175, %add3A_1088 : vector<16xi32>
      tpu.vector_store_idx %arg6[%div3A_1083, %rem3A_1086], %add3A_1089 : memref<9x128xi32, #tpu.memory_space<vmem>>[vector<16xi32>, vector<16xi32>], vector<16xi32>,
      %mul3A_1090 = arith.constant 71 : i32
      %mul3A_1091 = vector.broadcast %mul3A_1090 : i32 to vector<16xi32>
      %mul3A_1092 = arith.muli %iota3A, %mul3A_1091 : vector<16xi32>
      %add3A_1093 = arith.constant 61 : i32
      %add3A_1094 = vector.broadcast %add3A_1093 : i32 to vector<16xi32>
      %add3A_1095 = arith.addi %mul3A_1092, %add3A_1094 : vector<16xi32>
      %div3A_1096 = arith.constant 128 : i32
      %div3A_1097 = vector.broadcast %div3A_1096 : i32 to vector<16xi32>
      %div3A_1098 = arith.divsi %add3A_1095, %div3A_1097 : vector<16xi32>
      %rem3A_1099 = arith.constant 128 : i32
      %rem3A_1100 = vector.broadcast %rem3A_1099 : i32 to vector<16xi32>
      %rem3A_1101 = arith.remsi %add3A_1095, %rem3A_1100 : vector<16xi32>
      %add3A_1102 = arith.constant 10309 : i32
      %add3A_1103 = vector.broadcast %add3A_1102 : i32 to vector<16xi32>
      %add3A_1104 = arith.addi %add3A_175, %add3A_1103 : vector<16xi32>
      tpu.vector_store_idx %arg6[%div3A_1098, %rem3A_1101], %add3A_1104 : memref<9x128xi32, #tpu.memory_space<vmem>>[vector<16xi32>, vector<16xi32>], vector<16xi32>,
      %mul3A_1105 = arith.constant 71 : i32
      %mul3A_1106 = vector.broadcast %mul3A_1105 : i32 to vector<16xi32>
      %mul3A_1107 = arith.muli %iota3A, %mul3A_1106 : vector<16xi32>
      %add3A_1108 = arith.constant 62 : i32
      %add3A_1109 = vector.broadcast %add3A_1108 : i32 to vector<16xi32>
      %add3A_1110 = arith.addi %mul3A_1107, %add3A_1109 : vector<16xi32>
      %div3A_1111 = arith.constant 128 : i32
      %div3A_1112 = vector.broadcast %div3A_1111 : i32 to vector<16xi32>
      %div3A_1113 = arith.divsi %add3A_1110, %div3A_1112 : vector<16xi32>
      %rem3A_1114 = arith.constant 128 : i32
      %rem3A_1115 = vector.broadcast %rem3A_1114 : i32 to vector<16xi32>
      %rem3A_1116 = arith.remsi %add3A_1110, %rem3A_1115 : vector<16xi32>
      %add3A_1117 = arith.constant 10478 : i32
      %add3A_1118 = vector.broadcast %add3A_1117 : i32 to vector<16xi32>
      %add3A_1119 = arith.addi %add3A_175, %add3A_1118 : vector<16xi32>
      tpu.vector_store_idx %arg6[%div3A_1113, %rem3A_1116], %add3A_1119 : memref<9x128xi32, #tpu.memory_space<vmem>>[vector<16xi32>, vector<16xi32>], vector<16xi32>,
      %mul3A_1120 = arith.constant 71 : i32
      %mul3A_1121 = vector.broadcast %mul3A_1120 : i32 to vector<16xi32>
      %mul3A_1122 = arith.muli %iota3A, %mul3A_1121 : vector<16xi32>
      %add3A_1123 = arith.constant 63 : i32
      %add3A_1124 = vector.broadcast %add3A_1123 : i32 to vector<16xi32>
      %add3A_1125 = arith.addi %mul3A_1122, %add3A_1124 : vector<16xi32>
      %div3A_1126 = arith.constant 128 : i32
      %div3A_1127 = vector.broadcast %div3A_1126 : i32 to vector<16xi32>
      %div3A_1128 = arith.divsi %add3A_1125, %div3A_1127 : vector<16xi32>
      %rem3A_1129 = arith.constant 128 : i32
      %rem3A_1130 = vector.broadcast %rem3A_1129 : i32 to vector<16xi32>
      %rem3A_1131 = arith.remsi %add3A_1125, %rem3A_1130 : vector<16xi32>
      %add3A_1132 = arith.constant 10647 : i32
      %add3A_1133 = vector.broadcast %add3A_1132 : i32 to vector<16xi32>
      %add3A_1134 = arith.addi %add3A_175, %add3A_1133 : vector<16xi32>
      tpu.vector_store_idx %arg6[%div3A_1128, %rem3A_1131], %add3A_1134 : memref<9x128xi32, #tpu.memory_space<vmem>>[vector<16xi32>, vector<16xi32>], vector<16xi32>,
      %mul3A_1135 = arith.constant 71 : i32
      %mul3A_1136 = vector.broadcast %mul3A_1135 : i32 to vector<16xi32>
      %mul3A_1137 = arith.muli %iota3A, %mul3A_1136 : vector<16xi32>
      %add3A_1138 = arith.constant 64 : i32
      %add3A_1139 = vector.broadcast %add3A_1138 : i32 to vector<16xi32>
      %add3A_1140 = arith.addi %mul3A_1137, %add3A_1139 : vector<16xi32>
      %div3A_1141 = arith.constant 128 : i32
      %div3A_1142 = vector.broadcast %div3A_1141 : i32 to vector<16xi32>
      %div3A_1143 = arith.divsi %add3A_1140, %div3A_1142 : vector<16xi32>
      %rem3A_1144 = arith.constant 128 : i32
      %rem3A_1145 = vector.broadcast %rem3A_1144 : i32 to vector<16xi32>
      %rem3A_1146 = arith.remsi %add3A_1140, %rem3A_1145 : vector<16xi32>
      %add3A_1147 = arith.constant 10816 : i32
      %add3A_1148 = vector.broadcast %add3A_1147 : i32 to vector<16xi32>
      %add3A_1149 = arith.addi %add3A_175, %add3A_1148 : vector<16xi32>
      tpu.vector_store_idx %arg6[%div3A_1143, %rem3A_1146], %add3A_1149 : memref<9x128xi32, #tpu.memory_space<vmem>>[vector<16xi32>, vector<16xi32>], vector<16xi32>,
      %mul3A_1150 = arith.constant 71 : i32
      %mul3A_1151 = vector.broadcast %mul3A_1150 : i32 to vector<16xi32>
      %mul3A_1152 = arith.muli %iota3A, %mul3A_1151 : vector<16xi32>
      %add3A_1153 = arith.constant 65 : i32
      %add3A_1154 = vector.broadcast %add3A_1153 : i32 to vector<16xi32>
      %add3A_1155 = arith.addi %mul3A_1152, %add3A_1154 : vector<16xi32>
      %div3A_1156 = arith.constant 128 : i32
      %div3A_1157 = vector.broadcast %div3A_1156 : i32 to vector<16xi32>
      %div3A_1158 = arith.divsi %add3A_1155, %div3A_1157 : vector<16xi32>
      %rem3A_1159 = arith.constant 128 : i32
      %rem3A_1160 = vector.broadcast %rem3A_1159 : i32 to vector<16xi32>
      %rem3A_1161 = arith.remsi %add3A_1155, %rem3A_1160 : vector<16xi32>
      %add3A_1162 = arith.constant 10985 : i32
      %add3A_1163 = vector.broadcast %add3A_1162 : i32 to vector<16xi32>
      %add3A_1164 = arith.addi %add3A_175, %add3A_1163 : vector<16xi32>
      tpu.vector_store_idx %arg6[%div3A_1158, %rem3A_1161], %add3A_1164 : memref<9x128xi32, #tpu.memory_space<vmem>>[vector<16xi32>, vector<16xi32>], vector<16xi32>,
      %mul3A_1165 = arith.constant 71 : i32
      %mul3A_1166 = vector.broadcast %mul3A_1165 : i32 to vector<16xi32>
      %mul3A_1167 = arith.muli %iota3A, %mul3A_1166 : vector<16xi32>
      %add3A_1168 = arith.constant 66 : i32
      %add3A_1169 = vector.broadcast %add3A_1168 : i32 to vector<16xi32>
      %add3A_1170 = arith.addi %mul3A_1167, %add3A_1169 : vector<16xi32>
      %div3A_1171 = arith.constant 128 : i32
      %div3A_1172 = vector.broadcast %div3A_1171 : i32 to vector<16xi32>
      %div3A_1173 = arith.divsi %add3A_1170, %div3A_1172 : vector<16xi32>
      %rem3A_1174 = arith.constant 128 : i32
      %rem3A_1175 = vector.broadcast %rem3A_1174 : i32 to vector<16xi32>
      %rem3A_1176 = arith.remsi %add3A_1170, %rem3A_1175 : vector<16xi32>
      %add3A_1177 = arith.constant 11154 : i32
      %add3A_1178 = vector.broadcast %add3A_1177 : i32 to vector<16xi32>
      %add3A_1179 = arith.addi %add3A_175, %add3A_1178 : vector<16xi32>
      tpu.vector_store_idx %arg6[%div3A_1173, %rem3A_1176], %add3A_1179 : memref<9x128xi32, #tpu.memory_space<vmem>>[vector<16xi32>, vector<16xi32>], vector<16xi32>,
      %mul3A_1180 = arith.constant 71 : i32
      %mul3A_1181 = vector.broadcast %mul3A_1180 : i32 to vector<16xi32>
      %mul3A_1182 = arith.muli %iota3A, %mul3A_1181 : vector<16xi32>
      %add3A_1183 = arith.constant 67 : i32
      %add3A_1184 = vector.broadcast %add3A_1183 : i32 to vector<16xi32>
      %add3A_1185 = arith.addi %mul3A_1182, %add3A_1184 : vector<16xi32>
      %div3A_1186 = arith.constant 128 : i32
      %div3A_1187 = vector.broadcast %div3A_1186 : i32 to vector<16xi32>
      %div3A_1188 = arith.divsi %add3A_1185, %div3A_1187 : vector<16xi32>
      %rem3A_1189 = arith.constant 128 : i32
      %rem3A_1190 = vector.broadcast %rem3A_1189 : i32 to vector<16xi32>
      %rem3A_1191 = arith.remsi %add3A_1185, %rem3A_1190 : vector<16xi32>
      %add3A_1192 = arith.constant 11323 : i32
      %add3A_1193 = vector.broadcast %add3A_1192 : i32 to vector<16xi32>
      %add3A_1194 = arith.addi %add3A_175, %add3A_1193 : vector<16xi32>
      tpu.vector_store_idx %arg6[%div3A_1188, %rem3A_1191], %add3A_1194 : memref<9x128xi32, #tpu.memory_space<vmem>>[vector<16xi32>, vector<16xi32>], vector<16xi32>,
      %mul3A_1195 = arith.constant 71 : i32
      %mul3A_1196 = vector.broadcast %mul3A_1195 : i32 to vector<16xi32>
      %mul3A_1197 = arith.muli %iota3A, %mul3A_1196 : vector<16xi32>
      %add3A_1198 = arith.constant 68 : i32
      %add3A_1199 = vector.broadcast %add3A_1198 : i32 to vector<16xi32>
      %add3A_1200 = arith.addi %mul3A_1197, %add3A_1199 : vector<16xi32>
      %div3A_1201 = arith.constant 128 : i32
      %div3A_1202 = vector.broadcast %div3A_1201 : i32 to vector<16xi32>
      %div3A_1203 = arith.divsi %add3A_1200, %div3A_1202 : vector<16xi32>
      %rem3A_1204 = arith.constant 128 : i32
      %rem3A_1205 = vector.broadcast %rem3A_1204 : i32 to vector<16xi32>
      %rem3A_1206 = arith.remsi %add3A_1200, %rem3A_1205 : vector<16xi32>
      %add3A_1207 = arith.constant 11492 : i32
      %add3A_1208 = vector.broadcast %add3A_1207 : i32 to vector<16xi32>
      %add3A_1209 = arith.addi %add3A_175, %add3A_1208 : vector<16xi32>
      tpu.vector_store_idx %arg6[%div3A_1203, %rem3A_1206], %add3A_1209 : memref<9x128xi32, #tpu.memory_space<vmem>>[vector<16xi32>, vector<16xi32>], vector<16xi32>,
      %mul3A_1210 = arith.constant 71 : i32
      %mul3A_1211 = vector.broadcast %mul3A_1210 : i32 to vector<16xi32>
      %mul3A_1212 = arith.muli %iota3A, %mul3A_1211 : vector<16xi32>
      %add3A_1213 = arith.constant 69 : i32
      %add3A_1214 = vector.broadcast %add3A_1213 : i32 to vector<16xi32>
      %add3A_1215 = arith.addi %mul3A_1212, %add3A_1214 : vector<16xi32>
      %div3A_1216 = arith.constant 128 : i32
      %div3A_1217 = vector.broadcast %div3A_1216 : i32 to vector<16xi32>
      %div3A_1218 = arith.divsi %add3A_1215, %div3A_1217 : vector<16xi32>
      %rem3A_1219 = arith.constant 128 : i32
      %rem3A_1220 = vector.broadcast %rem3A_1219 : i32 to vector<16xi32>
      %rem3A_1221 = arith.remsi %add3A_1215, %rem3A_1220 : vector<16xi32>
      %add3A_1222 = arith.constant 11661 : i32
      %add3A_1223 = vector.broadcast %add3A_1222 : i32 to vector<16xi32>
      %add3A_1224 = arith.addi %add3A_175, %add3A_1223 : vector<16xi32>
      tpu.vector_store_idx %arg6[%div3A_1218, %rem3A_1221], %add3A_1224 : memref<9x128xi32, #tpu.memory_space<vmem>>[vector<16xi32>, vector<16xi32>], vector<16xi32>,
      %mul3A_1225 = arith.constant 71 : i32
      %mul3A_1226 = vector.broadcast %mul3A_1225 : i32 to vector<16xi32>
      %mul3A_1227 = arith.muli %iota3A, %mul3A_1226 : vector<16xi32>
      %add3A_1228 = arith.constant 70 : i32
      %add3A_1229 = vector.broadcast %add3A_1228 : i32 to vector<16xi32>
      %add3A_1230 = arith.addi %mul3A_1227, %add3A_1229 : vector<16xi32>
      %div3A_1231 = arith.constant 128 : i32
      %div3A_1232 = vector.broadcast %div3A_1231 : i32 to vector<16xi32>
      %div3A_1233 = arith.divsi %add3A_1230, %div3A_1232 : vector<16xi32>
      %rem3A_1234 = arith.constant 128 : i32
      %rem3A_1235 = vector.broadcast %rem3A_1234 : i32 to vector<16xi32>
      %rem3A_1236 = arith.remsi %add3A_1230, %rem3A_1235 : vector<16xi32>
      %add3A_1237 = arith.constant 11830 : i32
      %add3A_1238 = vector.broadcast %add3A_1237 : i32 to vector<16xi32>
      %add3A_1239 = arith.addi %add3A_175, %add3A_1238 : vector<16xi32>
      tpu.vector_store_idx %arg6[%div3A_1233, %rem3A_1236], %add3A_1239 : memref<9x128xi32, #tpu.memory_space<vmem>>[vector<16xi32>, vector<16xi32>], vector<16xi32>,
      %add3A_1240 = arith.constant 1136 : i32
      %add3A_1241 = vector.broadcast %add3A_1240 : i32 to vector<16xi32>
      %add3A_1242 = arith.addi %add3A_1241, %iota3A : vector<16xi32>
      %div3A_1243 = arith.constant 128 : i32
      %div3A_1244 = vector.broadcast %div3A_1243 : i32 to vector<16xi32>
      %div3A_1245 = arith.divsi %add3A_1242, %div3A_1244 : vector<16xi32>
      %rem3A_1246 = arith.constant 128 : i32
      %rem3A_1247 = vector.broadcast %rem3A_1246 : i32 to vector<16xi32>
      %rem3A_1248 = arith.remsi %add3A_1242, %rem3A_1247 : vector<16xi32>
      tpu.vector_store_idx %arg6[%div3A_1245, %rem3A_1248], %broadcast_in_dim3A_50 : memref<9x128xi32, #tpu.memory_space<vmem>>[vector<16xi32>, vector<16xi32>], vector<16xi32>,
      %dma_start3A = arith.constant 0 : i32
      %dma_start3A_1249 = arith.constant 0 : i32
      %dma_start3A_1250 = tpu.memref_slice %arg7[%dma_start3A_1249] : memref<1152xf32, #tpu.memory_space<vmem>> -> memref<128xf32, #tpu.memory_space<vmem>>
      %dma_start3A_1251 = arith.constant 0 : i32
      %dma_start3A_1252 = tpu.memref_slice %arg6[%dma_start3A, %dma_start3A_1251] : memref<9x128xi32, #tpu.memory_space<vmem>> -> memref<1x128xi32, #tpu.memory_space<vmem>>
      %dma_start3A_1253 = tpu.memref_squeeze %dma_start3A_1252 : memref<1x128xi32, #tpu.memory_space<vmem>> -> memref<128xi32, #tpu.memory_space<vmem>>
      %dma_start3A_1254 = arith.constant 0 : i32
      %dma_start3A_1255 = tpu.memref_slice %arg2[%dma_start3A_1254] : memref<15358720xf32, #tpu.memory_space<hbm>> -> memref<15358720xf32, #tpu.memory_space<hbm>>
      tpu.enqueue_indirect_dma source(%dma_start3A_1255 : memref<15358720xf32, #tpu.memory_space<hbm>>) target(%dma_start3A_1250 : memref<128xf32, #tpu.memory_space<vmem>>) offsets(%dma_start3A_1253 : memref<128xi32, #tpu.memory_space<vmem>>) semaphore(%arg8 : memref<!tpu.dma_semaphore, #tpu.memory_space<semaphore_mem>>)
      %dma_start3A_1256 = arith.constant 1 : i32
      %dma_start3A_1257 = arith.constant 128 : i32
      %dma_start3A_1258 = tpu.memref_slice %arg7[%dma_start3A_1257] : memref<1152xf32, #tpu.memory_space<vmem>> -> memref<128xf32, #tpu.memory_space<vmem>>
      %dma_start3A_1259 = arith.constant 0 : i32
      %dma_start3A_1260 = tpu.memref_slice %arg6[%dma_start3A_1256, %dma_start3A_1259] : memref<9x128xi32, #tpu.memory_space<vmem>> -> memref<1x128xi32, #tpu.memory_space<vmem>>
      %dma_start3A_1261 = tpu.memref_squeeze %dma_start3A_1260 : memref<1x128xi32, #tpu.memory_space<vmem>> -> memref<128xi32, #tpu.memory_space<vmem>>
      %dma_start3A_1262 = arith.constant 0 : i32
      %dma_start3A_1263 = tpu.memref_slice %arg2[%dma_start3A_1262] : memref<15358720xf32, #tpu.memory_space<hbm>> -> memref<15358720xf32, #tpu.memory_space<hbm>>
      tpu.enqueue_indirect_dma source(%dma_start3A_1263 : memref<15358720xf32, #tpu.memory_space<hbm>>) target(%dma_start3A_1258 : memref<128xf32, #tpu.memory_space<vmem>>) offsets(%dma_start3A_1261 : memref<128xi32, #tpu.memory_space<vmem>>) semaphore(%arg8 : memref<!tpu.dma_semaphore, #tpu.memory_space<semaphore_mem>>)
      %dma_start3A_1264 = arith.constant 2 : i32
      %dma_start3A_1265 = arith.constant 256 : i32
      %dma_start3A_1266 = tpu.memref_slice %arg7[%dma_start3A_1265] : memref<1152xf32, #tpu.memory_space<vmem>> -> memref<128xf32, #tpu.memory_space<vmem>>
      %dma_start3A_1267 = arith.constant 0 : i32
      %dma_start3A_1268 = tpu.memref_slice %arg6[%dma_start3A_1264, %dma_start3A_1267] : memref<9x128xi32, #tpu.memory_space<vmem>> -> memref<1x128xi32, #tpu.memory_space<vmem>>
      %dma_start3A_1269 = tpu.memref_squeeze %dma_start3A_1268 : memref<1x128xi32, #tpu.memory_space<vmem>> -> memref<128xi32, #tpu.memory_space<vmem>>
      %dma_start3A_1270 = arith.constant 0 : i32
      %dma_start3A_1271 = tpu.memref_slice %arg2[%dma_start3A_1270] : memref<15358720xf32, #tpu.memory_space<hbm>> -> memref<15358720xf32, #tpu.memory_space<hbm>>
      tpu.enqueue_indirect_dma source(%dma_start3A_1271 : memref<15358720xf32, #tpu.memory_space<hbm>>) target(%dma_start3A_1266 : memref<128xf32, #tpu.memory_space<vmem>>) offsets(%dma_start3A_1269 : memref<128xi32, #tpu.memory_space<vmem>>) semaphore(%arg8 : memref<!tpu.dma_semaphore, #tpu.memory_space<semaphore_mem>>)
      %dma_start3A_1272 = arith.constant 3 : i32
      %dma_start3A_1273 = arith.constant 384 : i32
      %dma_start3A_1274 = tpu.memref_slice %arg7[%dma_start3A_1273] : memref<1152xf32, #tpu.memory_space<vmem>> -> memref<128xf32, #tpu.memory_space<vmem>>
      %dma_start3A_1275 = arith.constant 0 : i32
      %dma_start3A_1276 = tpu.memref_slice %arg6[%dma_start3A_1272, %dma_start3A_1275] : memref<9x128xi32, #tpu.memory_space<vmem>> -> memref<1x128xi32, #tpu.memory_space<vmem>>
      %dma_start3A_1277 = tpu.memref_squeeze %dma_start3A_1276 : memref<1x128xi32, #tpu.memory_space<vmem>> -> memref<128xi32, #tpu.memory_space<vmem>>
      %dma_start3A_1278 = arith.constant 0 : i32
      %dma_start3A_1279 = tpu.memref_slice %arg2[%dma_start3A_1278] : memref<15358720xf32, #tpu.memory_space<hbm>> -> memref<15358720xf32, #tpu.memory_space<hbm>>
      tpu.enqueue_indirect_dma source(%dma_start3A_1279 : memref<15358720xf32, #tpu.memory_space<hbm>>) target(%dma_start3A_1274 : memref<128xf32, #tpu.memory_space<vmem>>) offsets(%dma_start3A_1277 : memref<128xi32, #tpu.memory_space<vmem>>) semaphore(%arg8 : memref<!tpu.dma_semaphore, #tpu.memory_space<semaphore_mem>>)
      %dma_start3A_1280 = arith.constant 4 : i32
      %dma_start3A_1281 = arith.constant 512 : i32
      %dma_start3A_1282 = tpu.memref_slice %arg7[%dma_start3A_1281] : memref<1152xf32, #tpu.memory_space<vmem>> -> memref<128xf32, #tpu.memory_space<vmem>>
      %dma_start3A_1283 = arith.constant 0 : i32
      %dma_start3A_1284 = tpu.memref_slice %arg6[%dma_start3A_1280, %dma_start3A_1283] : memref<9x128xi32, #tpu.memory_space<vmem>> -> memref<1x128xi32, #tpu.memory_space<vmem>>
      %dma_start3A_1285 = tpu.memref_squeeze %dma_start3A_1284 : memref<1x128xi32, #tpu.memory_space<vmem>> -> memref<128xi32, #tpu.memory_space<vmem>>
      %dma_start3A_1286 = arith.constant 0 : i32
      %dma_start3A_1287 = tpu.memref_slice %arg2[%dma_start3A_1286] : memref<15358720xf32, #tpu.memory_space<hbm>> -> memref<15358720xf32, #tpu.memory_space<hbm>>
      tpu.enqueue_indirect_dma source(%dma_start3A_1287 : memref<15358720xf32, #tpu.memory_space<hbm>>) target(%dma_start3A_1282 : memref<128xf32, #tpu.memory_space<vmem>>) offsets(%dma_start3A_1285 : memref<128xi32, #tpu.memory_space<vmem>>) semaphore(%arg8 : memref<!tpu.dma_semaphore, #tpu.memory_space<semaphore_mem>>)
      %dma_start3A_1288 = arith.constant 5 : i32
      %dma_start3A_1289 = arith.constant 640 : i32
      %dma_start3A_1290 = tpu.memref_slice %arg7[%dma_start3A_1289] : memref<1152xf32, #tpu.memory_space<vmem>> -> memref<128xf32, #tpu.memory_space<vmem>>
      %dma_start3A_1291 = arith.constant 0 : i32
      %dma_start3A_1292 = tpu.memref_slice %arg6[%dma_start3A_1288, %dma_start3A_1291] : memref<9x128xi32, #tpu.memory_space<vmem>> -> memref<1x128xi32, #tpu.memory_space<vmem>>
      %dma_start3A_1293 = tpu.memref_squeeze %dma_start3A_1292 : memref<1x128xi32, #tpu.memory_space<vmem>> -> memref<128xi32, #tpu.memory_space<vmem>>
      %dma_start3A_1294 = arith.constant 0 : i32
      %dma_start3A_1295 = tpu.memref_slice %arg2[%dma_start3A_1294] : memref<15358720xf32, #tpu.memory_space<hbm>> -> memref<15358720xf32, #tpu.memory_space<hbm>>
      tpu.enqueue_indirect_dma source(%dma_start3A_1295 : memref<15358720xf32, #tpu.memory_space<hbm>>) target(%dma_start3A_1290 : memref<128xf32, #tpu.memory_space<vmem>>) offsets(%dma_start3A_1293 : memref<128xi32, #tpu.memory_space<vmem>>) semaphore(%arg8 : memref<!tpu.dma_semaphore, #tpu.memory_space<semaphore_mem>>)
      %dma_start3A_1296 = arith.constant 6 : i32
      %dma_start3A_1297 = arith.constant 768 : i32
      %dma_start3A_1298 = tpu.memref_slice %arg7[%dma_start3A_1297] : memref<1152xf32, #tpu.memory_space<vmem>> -> memref<128xf32, #tpu.memory_space<vmem>>
      %dma_start3A_1299 = arith.constant 0 : i32
      %dma_start3A_1300 = tpu.memref_slice %arg6[%dma_start3A_1296, %dma_start3A_1299] : memref<9x128xi32, #tpu.memory_space<vmem>> -> memref<1x128xi32, #tpu.memory_space<vmem>>
      %dma_start3A_1301 = tpu.memref_squeeze %dma_start3A_1300 : memref<1x128xi32, #tpu.memory_space<vmem>> -> memref<128xi32, #tpu.memory_space<vmem>>
      %dma_start3A_1302 = arith.constant 0 : i32
      %dma_start3A_1303 = tpu.memref_slice %arg2[%dma_start3A_1302] : memref<15358720xf32, #tpu.memory_space<hbm>> -> memref<15358720xf32, #tpu.memory_space<hbm>>
      tpu.enqueue_indirect_dma source(%dma_start3A_1303 : memref<15358720xf32, #tpu.memory_space<hbm>>) target(%dma_start3A_1298 : memref<128xf32, #tpu.memory_space<vmem>>) offsets(%dma_start3A_1301 : memref<128xi32, #tpu.memory_space<vmem>>) semaphore(%arg8 : memref<!tpu.dma_semaphore, #tpu.memory_space<semaphore_mem>>)
      %dma_start3A_1304 = arith.constant 7 : i32
      %dma_start3A_1305 = arith.constant 896 : i32
      %dma_start3A_1306 = tpu.memref_slice %arg7[%dma_start3A_1305] : memref<1152xf32, #tpu.memory_space<vmem>> -> memref<128xf32, #tpu.memory_space<vmem>>
      %dma_start3A_1307 = arith.constant 0 : i32
      %dma_start3A_1308 = tpu.memref_slice %arg6[%dma_start3A_1304, %dma_start3A_1307] : memref<9x128xi32, #tpu.memory_space<vmem>> -> memref<1x128xi32, #tpu.memory_space<vmem>>
      %dma_start3A_1309 = tpu.memref_squeeze %dma_start3A_1308 : memref<1x128xi32, #tpu.memory_space<vmem>> -> memref<128xi32, #tpu.memory_space<vmem>>
      %dma_start3A_1310 = arith.constant 0 : i32
      %dma_start3A_1311 = tpu.memref_slice %arg2[%dma_start3A_1310] : memref<15358720xf32, #tpu.memory_space<hbm>> -> memref<15358720xf32, #tpu.memory_space<hbm>>
      tpu.enqueue_indirect_dma source(%dma_start3A_1311 : memref<15358720xf32, #tpu.memory_space<hbm>>) target(%dma_start3A_1306 : memref<128xf32, #tpu.memory_space<vmem>>) offsets(%dma_start3A_1309 : memref<128xi32, #tpu.memory_space<vmem>>) semaphore(%arg8 : memref<!tpu.dma_semaphore, #tpu.memory_space<semaphore_mem>>)
      %dma_start3A_1312 = arith.constant 8 : i32
      %dma_start3A_1313 = arith.constant 1024 : i32
      %dma_start3A_1314 = tpu.memref_slice %arg7[%dma_start3A_1313] : memref<1152xf32, #tpu.memory_space<vmem>> -> memref<128xf32, #tpu.memory_space<vmem>>
      %dma_start3A_1315 = arith.constant 0 : i32
      %dma_start3A_1316 = tpu.memref_slice %arg6[%dma_start3A_1312, %dma_start3A_1315] : memref<9x128xi32, #tpu.memory_space<vmem>> -> memref<1x128xi32, #tpu.memory_space<vmem>>
      %dma_start3A_1317 = tpu.memref_squeeze %dma_start3A_1316 : memref<1x128xi32, #tpu.memory_space<vmem>> -> memref<128xi32, #tpu.memory_space<vmem>>
      %dma_start3A_1318 = arith.constant 0 : i32
      %dma_start3A_1319 = tpu.memref_slice %arg2[%dma_start3A_1318] : memref<15358720xf32, #tpu.memory_space<hbm>> -> memref<15358720xf32, #tpu.memory_space<hbm>>
      tpu.enqueue_indirect_dma source(%dma_start3A_1319 : memref<15358720xf32, #tpu.memory_space<hbm>>) target(%dma_start3A_1314 : memref<128xf32, #tpu.memory_space<vmem>>) offsets(%dma_start3A_1317 : memref<128xi32, #tpu.memory_space<vmem>>) semaphore(%arg8 : memref<!tpu.dma_semaphore, #tpu.memory_space<semaphore_mem>>)
      %dma_wait3A = arith.constant 0 : i32
      %dma_wait3A_1320 = arith.constant 0 : i32
      %dma_wait3A_1321 = tpu.memref_slice %arg7[%dma_wait3A_1320] : memref<1152xf32, #tpu.memory_space<vmem>> -> memref<128xf32, #tpu.memory_space<vmem>>
      %dma_wait3A_1322 = arith.constant 0 : i32
      %dma_wait3A_1323 = tpu.memref_slice %arg6[%dma_wait3A, %dma_wait3A_1322] : memref<9x128xi32, #tpu.memory_space<vmem>> -> memref<1x128xi32, #tpu.memory_space<vmem>>
      %dma_wait3A_1324 = tpu.memref_squeeze %dma_wait3A_1323 : memref<1x128xi32, #tpu.memory_space<vmem>> -> memref<128xi32, #tpu.memory_space<vmem>>
      %dma_wait3A_1325 = arith.constant 0 : i32
      %dma_wait3A_1326 = tpu.memref_slice %arg2[%dma_wait3A_1325] : memref<15358720xf32, #tpu.memory_space<hbm>> -> memref<15358720xf32, #tpu.memory_space<hbm>>
      tpu.wait_indirect_dma semaphore(%arg8 : memref<!tpu.dma_semaphore, #tpu.memory_space<semaphore_mem>>) src(%dma_wait3A_1326 : memref<15358720xf32, #tpu.memory_space<hbm>>) dst(%dma_wait3A_1321 : memref<128xf32, #tpu.memory_space<vmem>>)
      %dma_wait3A_1327 = arith.constant 1 : i32
      %dma_wait3A_1328 = arith.constant 128 : i32
      %dma_wait3A_1329 = tpu.memref_slice %arg7[%dma_wait3A_1328] : memref<1152xf32, #tpu.memory_space<vmem>> -> memref<128xf32, #tpu.memory_space<vmem>>
      %dma_wait3A_1330 = arith.constant 0 : i32
      %dma_wait3A_1331 = tpu.memref_slice %arg6[%dma_wait3A_1327, %dma_wait3A_1330] : memref<9x128xi32, #tpu.memory_space<vmem>> -> memref<1x128xi32, #tpu.memory_space<vmem>>
      %dma_wait3A_1332 = tpu.memref_squeeze %dma_wait3A_1331 : memref<1x128xi32, #tpu.memory_space<vmem>> -> memref<128xi32, #tpu.memory_space<vmem>>
      %dma_wait3A_1333 = arith.constant 0 : i32
      %dma_wait3A_1334 = tpu.memref_slice %arg2[%dma_wait3A_1333] : memref<15358720xf32, #tpu.memory_space<hbm>> -> memref<15358720xf32, #tpu.memory_space<hbm>>
      tpu.wait_indirect_dma semaphore(%arg8 : memref<!tpu.dma_semaphore, #tpu.memory_space<semaphore_mem>>) src(%dma_wait3A_1334 : memref<15358720xf32, #tpu.memory_space<hbm>>) dst(%dma_wait3A_1329 : memref<128xf32, #tpu.memory_space<vmem>>)
      %dma_wait3A_1335 = arith.constant 2 : i32
      %dma_wait3A_1336 = arith.constant 256 : i32
      %dma_wait3A_1337 = tpu.memref_slice %arg7[%dma_wait3A_1336] : memref<1152xf32, #tpu.memory_space<vmem>> -> memref<128xf32, #tpu.memory_space<vmem>>
      %dma_wait3A_1338 = arith.constant 0 : i32
      %dma_wait3A_1339 = tpu.memref_slice %arg6[%dma_wait3A_1335, %dma_wait3A_1338] : memref<9x128xi32, #tpu.memory_space<vmem>> -> memref<1x128xi32, #tpu.memory_space<vmem>>
      %dma_wait3A_1340 = tpu.memref_squeeze %dma_wait3A_1339 : memref<1x128xi32, #tpu.memory_space<vmem>> -> memref<128xi32, #tpu.memory_space<vmem>>
      %dma_wait3A_1341 = arith.constant 0 : i32
      %dma_wait3A_1342 = tpu.memref_slice %arg2[%dma_wait3A_1341] : memref<15358720xf32, #tpu.memory_space<hbm>> -> memref<15358720xf32, #tpu.memory_space<hbm>>
      tpu.wait_indirect_dma semaphore(%arg8 : memref<!tpu.dma_semaphore, #tpu.memory_space<semaphore_mem>>) src(%dma_wait3A_1342 : memref<15358720xf32, #tpu.memory_space<hbm>>) dst(%dma_wait3A_1337 : memref<128xf32, #tpu.memory_space<vmem>>)
      %dma_wait3A_1343 = arith.constant 3 : i32
      %dma_wait3A_1344 = arith.constant 384 : i32
      %dma_wait3A_1345 = tpu.memref_slice %arg7[%dma_wait3A_1344] : memref<1152xf32, #tpu.memory_space<vmem>> -> memref<128xf32, #tpu.memory_space<vmem>>
      %dma_wait3A_1346 = arith.constant 0 : i32
      %dma_wait3A_1347 = tpu.memref_slice %arg6[%dma_wait3A_1343, %dma_wait3A_1346] : memref<9x128xi32, #tpu.memory_space<vmem>> -> memref<1x128xi32, #tpu.memory_space<vmem>>
      %dma_wait3A_1348 = tpu.memref_squeeze %dma_wait3A_1347 : memref<1x128xi32, #tpu.memory_space<vmem>> -> memref<128xi32, #tpu.memory_space<vmem>>
      %dma_wait3A_1349 = arith.constant 0 : i32
      %dma_wait3A_1350 = tpu.memref_slice %arg2[%dma_wait3A_1349] : memref<15358720xf32, #tpu.memory_space<hbm>> -> memref<15358720xf32, #tpu.memory_space<hbm>>
      tpu.wait_indirect_dma semaphore(%arg8 : memref<!tpu.dma_semaphore, #tpu.memory_space<semaphore_mem>>) src(%dma_wait3A_1350 : memref<15358720xf32, #tpu.memory_space<hbm>>) dst(%dma_wait3A_1345 : memref<128xf32, #tpu.memory_space<vmem>>)
      %dma_wait3A_1351 = arith.constant 4 : i32
      %dma_wait3A_1352 = arith.constant 512 : i32
      %dma_wait3A_1353 = tpu.memref_slice %arg7[%dma_wait3A_1352] : memref<1152xf32, #tpu.memory_space<vmem>> -> memref<128xf32, #tpu.memory_space<vmem>>
      %dma_wait3A_1354 = arith.constant 0 : i32
      %dma_wait3A_1355 = tpu.memref_slice %arg6[%dma_wait3A_1351, %dma_wait3A_1354] : memref<9x128xi32, #tpu.memory_space<vmem>> -> memref<1x128xi32, #tpu.memory_space<vmem>>
      %dma_wait3A_1356 = tpu.memref_squeeze %dma_wait3A_1355 : memref<1x128xi32, #tpu.memory_space<vmem>> -> memref<128xi32, #tpu.memory_space<vmem>>
      %dma_wait3A_1357 = arith.constant 0 : i32
      %dma_wait3A_1358 = tpu.memref_slice %arg2[%dma_wait3A_1357] : memref<15358720xf32, #tpu.memory_space<hbm>> -> memref<15358720xf32, #tpu.memory_space<hbm>>
      tpu.wait_indirect_dma semaphore(%arg8 : memref<!tpu.dma_semaphore, #tpu.memory_space<semaphore_mem>>) src(%dma_wait3A_1358 : memref<15358720xf32, #tpu.memory_space<hbm>>) dst(%dma_wait3A_1353 : memref<128xf32, #tpu.memory_space<vmem>>)
      %dma_wait3A_1359 = arith.constant 5 : i32
      %dma_wait3A_1360 = arith.constant 640 : i32
      %dma_wait3A_1361 = tpu.memref_slice %arg7[%dma_wait3A_1360] : memref<1152xf32, #tpu.memory_space<vmem>> -> memref<128xf32, #tpu.memory_space<vmem>>
      %dma_wait3A_1362 = arith.constant 0 : i32
      %dma_wait3A_1363 = tpu.memref_slice %arg6[%dma_wait3A_1359, %dma_wait3A_1362] : memref<9x128xi32, #tpu.memory_space<vmem>> -> memref<1x128xi32, #tpu.memory_space<vmem>>
      %dma_wait3A_1364 = tpu.memref_squeeze %dma_wait3A_1363 : memref<1x128xi32, #tpu.memory_space<vmem>> -> memref<128xi32, #tpu.memory_space<vmem>>
      %dma_wait3A_1365 = arith.constant 0 : i32
      %dma_wait3A_1366 = tpu.memref_slice %arg2[%dma_wait3A_1365] : memref<15358720xf32, #tpu.memory_space<hbm>> -> memref<15358720xf32, #tpu.memory_space<hbm>>
      tpu.wait_indirect_dma semaphore(%arg8 : memref<!tpu.dma_semaphore, #tpu.memory_space<semaphore_mem>>) src(%dma_wait3A_1366 : memref<15358720xf32, #tpu.memory_space<hbm>>) dst(%dma_wait3A_1361 : memref<128xf32, #tpu.memory_space<vmem>>)
      %dma_wait3A_1367 = arith.constant 6 : i32
      %dma_wait3A_1368 = arith.constant 768 : i32
      %dma_wait3A_1369 = tpu.memref_slice %arg7[%dma_wait3A_1368] : memref<1152xf32, #tpu.memory_space<vmem>> -> memref<128xf32, #tpu.memory_space<vmem>>
      %dma_wait3A_1370 = arith.constant 0 : i32
      %dma_wait3A_1371 = tpu.memref_slice %arg6[%dma_wait3A_1367, %dma_wait3A_1370] : memref<9x128xi32, #tpu.memory_space<vmem>> -> memref<1x128xi32, #tpu.memory_space<vmem>>
      %dma_wait3A_1372 = tpu.memref_squeeze %dma_wait3A_1371 : memref<1x128xi32, #tpu.memory_space<vmem>> -> memref<128xi32, #tpu.memory_space<vmem>>
      %dma_wait3A_1373 = arith.constant 0 : i32
      %dma_wait3A_1374 = tpu.memref_slice %arg2[%dma_wait3A_1373] : memref<15358720xf32, #tpu.memory_space<hbm>> -> memref<15358720xf32, #tpu.memory_space<hbm>>
      tpu.wait_indirect_dma semaphore(%arg8 : memref<!tpu.dma_semaphore, #tpu.memory_space<semaphore_mem>>) src(%dma_wait3A_1374 : memref<15358720xf32, #tpu.memory_space<hbm>>) dst(%dma_wait3A_1369 : memref<128xf32, #tpu.memory_space<vmem>>)
      %dma_wait3A_1375 = arith.constant 7 : i32
      %dma_wait3A_1376 = arith.constant 896 : i32
      %dma_wait3A_1377 = tpu.memref_slice %arg7[%dma_wait3A_1376] : memref<1152xf32, #tpu.memory_space<vmem>> -> memref<128xf32, #tpu.memory_space<vmem>>
      %dma_wait3A_1378 = arith.constant 0 : i32
      %dma_wait3A_1379 = tpu.memref_slice %arg6[%dma_wait3A_1375, %dma_wait3A_1378] : memref<9x128xi32, #tpu.memory_space<vmem>> -> memref<1x128xi32, #tpu.memory_space<vmem>>
      %dma_wait3A_1380 = tpu.memref_squeeze %dma_wait3A_1379 : memref<1x128xi32, #tpu.memory_space<vmem>> -> memref<128xi32, #tpu.memory_space<vmem>>
      %dma_wait3A_1381 = arith.constant 0 : i32
      %dma_wait3A_1382 = tpu.memref_slice %arg2[%dma_wait3A_1381] : memref<15358720xf32, #tpu.memory_space<hbm>> -> memref<15358720xf32, #tpu.memory_space<hbm>>
      tpu.wait_indirect_dma semaphore(%arg8 : memref<!tpu.dma_semaphore, #tpu.memory_space<semaphore_mem>>) src(%dma_wait3A_1382 : memref<15358720xf32, #tpu.memory_space<hbm>>) dst(%dma_wait3A_1377 : memref<128xf32, #tpu.memory_space<vmem>>)
      %dma_wait3A_1383 = arith.constant 8 : i32
      %dma_wait3A_1384 = arith.constant 1024 : i32
      %dma_wait3A_1385 = tpu.memref_slice %arg7[%dma_wait3A_1384] : memref<1152xf32, #tpu.memory_space<vmem>> -> memref<128xf32, #tpu.memory_space<vmem>>
      %dma_wait3A_1386 = arith.constant 0 : i32
      %dma_wait3A_1387 = tpu.memref_slice %arg6[%dma_wait3A_1383, %dma_wait3A_1386] : memref<9x128xi32, #tpu.memory_space<vmem>> -> memref<1x128xi32, #tpu.memory_space<vmem>>
      %dma_wait3A_1388 = tpu.memref_squeeze %dma_wait3A_1387 : memref<1x128xi32, #tpu.memory_space<vmem>> -> memref<128xi32, #tpu.memory_space<vmem>>
      %dma_wait3A_1389 = arith.constant 0 : i32
      %dma_wait3A_1390 = tpu.memref_slice %arg2[%dma_wait3A_1389] : memref<15358720xf32, #tpu.memory_space<hbm>> -> memref<15358720xf32, #tpu.memory_space<hbm>>
      tpu.wait_indirect_dma semaphore(%arg8 : memref<!tpu.dma_semaphore, #tpu.memory_space<semaphore_mem>>) src(%dma_wait3A_1390 : memref<15358720xf32, #tpu.memory_space<hbm>>) dst(%dma_wait3A_1385 : memref<128xf32, #tpu.memory_space<vmem>>)
      %mul3A_1391 = arith.constant 1136 : i32
      %mul3A_1392 = arith.muli %add3A, %mul3A_1391 : i32
      "tpu.region"() ({
        %run_scoped3A_1393 = tpu.sem_alloc : memref<!tpu.dma_semaphore, #tpu.memory_space<semaphore_mem>>
        %dma_start3A_1394 = arith.constant 0 : i32
        %dma_start3A_1395 = tpu.memref_slice %arg7[%dma_start3A_1394] : memref<1152xf32, #tpu.memory_space<vmem>> -> memref<1136xf32, #tpu.memory_space<vmem>>
        %dma_start3A_1396 = tpu.memref_slice %arg4[%mul3A_1392] : memref<18176xf32, #tpu.memory_space<hbm>> -> memref<1136xf32, #tpu.memory_space<hbm>>
        %dma_start3A_1397 = tpu.memref_slice %arg4[%mul3A_1392] : memref<18176xf32, #tpu.memory_space<hbm>> -> memref<1136xf32, #tpu.memory_space<hbm>>
        %dma_start3A_1398 = arith.constant 0 : i32
        %dma_start3A_1399 = tpu.memref_slice %arg7[%dma_start3A_1398] : memref<1152xf32, #tpu.memory_space<vmem>> -> memref<1136xf32, #tpu.memory_space<vmem>>
        tpu.enqueue_dma source(%dma_start3A_1399 : memref<1136xf32, #tpu.memory_space<vmem>>) target(%dma_start3A_1397 : memref<1136xf32, #tpu.memory_space<hbm>>) target_semaphore(%run_scoped3A_1393 : memref<!tpu.dma_semaphore, #tpu.memory_space<semaphore_mem>>)
        %dma_wait3A_1400 = arith.constant 0 : i32
        %dma_wait3A_1401 = tpu.memref_slice %arg7[%dma_wait3A_1400] : memref<1152xf32, #tpu.memory_space<vmem>> -> memref<1136xf32, #tpu.memory_space<vmem>>
        %dma_wait3A_1402 = tpu.memref_slice %arg4[%mul3A_1392] : memref<18176xf32, #tpu.memory_space<hbm>> -> memref<1136xf32, #tpu.memory_space<hbm>>
        %dma_wait3A_1403 = tpu.memref_slice %arg4[%mul3A_1392] : memref<18176xf32, #tpu.memory_space<hbm>> -> memref<1136xf32, #tpu.memory_space<hbm>>
        %dma_wait3A_1404 = arith.constant 0 : i32
        %dma_wait3A_1405 = tpu.memref_slice %arg7[%dma_wait3A_1404] : memref<1152xf32, #tpu.memory_space<vmem>> -> memref<1136xf32, #tpu.memory_space<vmem>>
        tpu.wait_dma2 semaphore(%run_scoped3A_1393 : memref<!tpu.dma_semaphore, #tpu.memory_space<semaphore_mem>>) src(%dma_wait3A_1405 : memref<1136xf32, #tpu.memory_space<vmem>>) dst(%dma_wait3A_1403 : memref<1136xf32, #tpu.memory_space<hbm>>)
        tpu.yield
      }) : () -> ()
    } else {
    }
    return
  }
}

module attributes {stable_mosaic.version = 14 : i64} {
  func.func @_dense_body(%arg0: i32, %arg1: memref<64x25x169xf32, #tpu.memory_space<vmem>>, %arg2: memref<64x4xf32, #tpu.memory_space<vmem>>, %arg3: memref<1x1xf32, #tpu.memory_space<vmem>>) attributes {dimension_semantics = [#tpu.dimension_semantics<arbitrary>], iteration_bounds = array<i64: 4>, scalar_prefetch = 0 : i64, scratch_operands = 0 : i64, tpu.core_type = #tpu.core_type<tc>, window_params = [{transform_indices = @transform_0, window_bounds = array<i64: 64, 25, 169>}, {transform_indices = @transform_1, window_bounds = array<i64: 64, 4>}, {pipeline_mode = #tpu.pipeline_mode<synchronous>, transform_indices = @transform_2, window_bounds = array<i64: 1, 1>}]} {
    %eq3A = arith.constant 0 : i32
    %eq3A_0 = arith.cmpi eq, %arg0, %eq3A : i32
    %convert_element_type3A = arith.extui %eq3A_0 : i1 to i32
    %cond3A = arith.constant 0 : i32
    %cond3A_1 = arith.cmpi ne, %convert_element_type3A, %cond3A : i32
    scf.if %cond3A_1 {
      %broadcast_in_dim3A_699 = arith.constant 0.000000e+00 : f32
      %broadcast_in_dim3A_700 = vector.broadcast %broadcast_in_dim3A_699 : f32 to vector<1x1xf32>
      %swap3A_701 = arith.constant 0 : index
      %swap3A_702 = arith.constant 0 : index
      %swap3A_703 = vector.load %arg3[%swap3A_701, %swap3A_702] : memref<1x1xf32, #tpu.memory_space<vmem>>, vector<1x1xf32>
      tpu.vector_store %arg3[%swap3A_701, %swap3A_702], %broadcast_in_dim3A_700 {strides = array<i32>} : memref<1x1xf32, #tpu.memory_space<vmem>>, vector<1x1xf32>,
    } else {
    }
    %get3A = arith.constant 0 : index
    %get3A_2 = arith.constant 0 : index
    %get3A_3 = arith.constant 0 : index
    %get3A_4 = vector.load %arg1[%get3A, %get3A_2, %get3A_3] : memref<64x25x169xf32, #tpu.memory_space<vmem>>, vector<64x25x169xf32>
    %get3A_5 = arith.constant 0 : index
    %get3A_6 = arith.constant 0 : index
    %get3A_7 = vector.load %arg2[%get3A_5, %get3A_6] : memref<64x4xf32, #tpu.memory_space<vmem>>, vector<64x4xf32>
    %iota3A = tpu.iota {dimensions = array<i32: 1>} : vector<1x169xi32>
    %jit3A = arith.constant 13 : i32
    %eq3A_8 = arith.constant 0 : i32
    %eq3A_9 = arith.cmpi eq, %jit3A, %eq3A_8 : i32
    %jit3A_10 = arith.constant 1 : i32
    %select_n3A = arith.select %eq3A_9, %jit3A_10, %jit3A : i32
    %rem3A = vector.broadcast %select_n3A : i32 to vector<1x169xi32>
    %rem3A_11 = arith.remsi %iota3A, %rem3A : vector<1x169xi32>
    %ne3A = arith.constant 0 : i32
    %ne3A_12 = vector.broadcast %ne3A : i32 to vector<1x169xi32>
    %ne3A_13 = arith.cmpi ne, %rem3A_11, %ne3A_12 : vector<1x169xi32>
    %lt3A = arith.constant 0 : i32
    %lt3A_14 = vector.broadcast %lt3A : i32 to vector<1x169xi32>
    %lt3A_15 = arith.cmpi slt, %rem3A_11, %lt3A_14 : vector<1x169xi32>
    %lt3A_16 = arith.constant 0 : i32
    %lt3A_17 = arith.cmpi slt, %select_n3A, %lt3A_16 : i32
    %ne3A_18 = vector.broadcast %lt3A_17 : i1 to vector<1x169xi1>
    %ne3A_19 = vector.broadcast %ne3A_18 : vector<1x169xi1> to vector<1x169xi1>
    %ne3A_20 = arith.xori %lt3A_15, %ne3A_19 : vector<1x169xi1>
    %and3A = arith.andi %ne3A_20, %ne3A_13 : vector<1x169xi1>
    %add3A = vector.broadcast %select_n3A : i32 to vector<1x169xi32>
    %add3A_21 = arith.addi %rem3A_11, %add3A : vector<1x169xi32>
    %select_n3A_22 = arith.select %and3A, %add3A_21, %rem3A_11 : vector<1x169xi1>, vector<1x169xi32>
    %convert_element_type3A_23 = arith.sitofp %select_n3A_22 : vector<1x169xi32> to vector<1x169xf32>
    %jit3A_24 = arith.constant 13 : i32
    %div3A = vector.broadcast %jit3A_24 : i32 to vector<1x169xi32>
    %div3A_25 = arith.divsi %iota3A, %div3A : vector<1x169xi32>
    %sign3A = arith.constant 0 : i32
    %sign3A_26 = vector.broadcast %sign3A : i32 to vector<1x169xi32>
    %sign3A_27 = arith.cmpi sgt, %iota3A, %sign3A_26 : vector<1x169xi32>
    %sign3A_28 = arith.extui %sign3A_27 : vector<1x169xi1> to vector<1x169xi32>
    %sign3A_29 = arith.constant 0 : i32
    %sign3A_30 = vector.broadcast %sign3A_29 : i32 to vector<1x169xi32>
    %sign3A_31 = arith.cmpi slt, %iota3A, %sign3A_30 : vector<1x169xi32>
    %sign3A_32 = arith.extui %sign3A_31 : vector<1x169xi1> to vector<1x169xi32>
    %sign3A_33 = arith.subi %sign3A_28, %sign3A_32 : vector<1x169xi32>
    %sign3A_34 = arith.constant 0 : i32
    %sign3A_35 = arith.cmpi sgt, %jit3A_24, %sign3A_34 : i32
    %sign3A_36 = arith.extui %sign3A_35 : i1 to i32
    %sign3A_37 = arith.constant 0 : i32
    %sign3A_38 = arith.cmpi slt, %jit3A_24, %sign3A_37 : i32
    %sign3A_39 = arith.extui %sign3A_38 : i1 to i32
    %sign3A_40 = arith.subi %sign3A_36, %sign3A_39 : i32
    %ne3A_41 = vector.broadcast %sign3A_40 : i32 to vector<1x169xi32>
    %ne3A_42 = arith.cmpi ne, %sign3A_33, %ne3A_41 : vector<1x169xi32>
    %rem3A_43 = vector.broadcast %jit3A_24 : i32 to vector<1x169xi32>
    %rem3A_44 = arith.remsi %iota3A, %rem3A_43 : vector<1x169xi32>
    %ne3A_45 = arith.constant 0 : i32
    %ne3A_46 = vector.broadcast %ne3A_45 : i32 to vector<1x169xi32>
    %ne3A_47 = arith.cmpi ne, %rem3A_44, %ne3A_46 : vector<1x169xi32>
    %and3A_48 = arith.andi %ne3A_42, %ne3A_47 : vector<1x169xi1>
    %sub3A = arith.constant 1 : i32
    %sub3A_49 = vector.broadcast %sub3A : i32 to vector<1x169xi32>
    %sub3A_50 = arith.subi %div3A_25, %sub3A_49 : vector<1x169xi32>
    %select_n3A_51 = arith.select %and3A_48, %sub3A_50, %div3A_25 : vector<1x169xi1>, vector<1x169xi32>
    %convert_element_type3A_52 = arith.sitofp %select_n3A_51 : vector<1x169xi32> to vector<1x169xf32>
    %slice3A = vector.extract_strided_slice %get3A_7 {offsets = [0, 0], sizes = [64, 1], strides = [1, 1]} : vector<64x4xf32> to vector<64x1xf32>
    %mul3A = arith.constant 1.300000e+01 : f32
    %mul3A_53 = vector.broadcast %mul3A : f32 to vector<64x1xf32>
    %mul3A_54 = arith.mulf %slice3A, %mul3A_53 : vector<64x1xf32>
    %slice3A_55 = vector.extract_strided_slice %get3A_7 {offsets = [0, 1], sizes = [64, 1], strides = [1, 1]} : vector<64x4xf32> to vector<64x1xf32>
    %mul3A_56 = arith.constant 1.300000e+01 : f32
    %mul3A_57 = vector.broadcast %mul3A_56 : f32 to vector<64x1xf32>
    %mul3A_58 = arith.mulf %slice3A_55, %mul3A_57 : vector<64x1xf32>
    %slice3A_59 = vector.extract_strided_slice %get3A_7 {offsets = [0, 2], sizes = [64, 1], strides = [1, 1]} : vector<64x4xf32> to vector<64x1xf32>
    %mul3A_60 = arith.constant 1.300000e+01 : f32
    %mul3A_61 = vector.broadcast %mul3A_60 : f32 to vector<64x1xf32>
    %mul3A_62 = arith.mulf %slice3A_59, %mul3A_61 : vector<64x1xf32>
    %slice3A_63 = vector.extract_strided_slice %get3A_7 {offsets = [0, 3], sizes = [64, 1], strides = [1, 1]} : vector<64x4xf32> to vector<64x1xf32>
    %mul3A_64 = arith.constant 1.300000e+01 : f32
    %mul3A_65 = vector.broadcast %mul3A_64 : f32 to vector<64x1xf32>
    %mul3A_66 = arith.mulf %slice3A_63, %mul3A_65 : vector<64x1xf32>
    %mul3A_67 = arith.constant 5.000000e-01 : f32
    %mul3A_68 = vector.broadcast %mul3A_67 : f32 to vector<64x1xf32>
    %mul3A_69 = arith.mulf %mul3A_62, %mul3A_68 : vector<64x1xf32>
    %sub3A_70 = arith.subf %mul3A_54, %mul3A_69 : vector<64x1xf32>
    %mul3A_71 = arith.constant 5.000000e-01 : f32
    %mul3A_72 = vector.broadcast %mul3A_71 : f32 to vector<64x1xf32>
    %mul3A_73 = arith.mulf %mul3A_62, %mul3A_72 : vector<64x1xf32>
    %add3A_74 = arith.addf %mul3A_54, %mul3A_73 : vector<64x1xf32>
    %mul3A_75 = arith.constant 5.000000e-01 : f32
    %mul3A_76 = vector.broadcast %mul3A_75 : f32 to vector<64x1xf32>
    %mul3A_77 = arith.mulf %mul3A_66, %mul3A_76 : vector<64x1xf32>
    %sub3A_78 = arith.subf %mul3A_58, %mul3A_77 : vector<64x1xf32>
    %mul3A_79 = arith.constant 5.000000e-01 : f32
    %mul3A_80 = vector.broadcast %mul3A_79 : f32 to vector<64x1xf32>
    %mul3A_81 = arith.mulf %mul3A_66, %mul3A_80 : vector<64x1xf32>
    %add3A_82 = arith.addf %mul3A_58, %mul3A_81 : vector<64x1xf32>
    %mul3A_83 = arith.mulf %mul3A_62, %mul3A_66 : vector<64x1xf32>
    %slice3A_84 = vector.extract_strided_slice %get3A_4 {offsets = [0, 0, 0], sizes = [64, 1, 169], strides = [1, 1, 1]} : vector<64x25x169xf32> to vector<64x1x169xf32>
    %squeeze3A = vector.shape_cast %slice3A_84 : vector<64x1x169xf32> to vector<64x169xf32>
    %neg3A = arith.constant 0.000000e+00 : f32
    %neg3A_85 = vector.broadcast %neg3A : f32 to vector<64x169xf32>
    %neg3A_86 = arith.subf %neg3A_85, %squeeze3A : vector<64x169xf32>
    %exp3A = math.exp %neg3A_86 : vector<64x169xf32>
    %add3A_87 = arith.constant 1.000000e+00 : f32
    %add3A_88 = vector.broadcast %add3A_87 : f32 to vector<64x169xf32>
    %add3A_89 = arith.addf %add3A_88, %exp3A : vector<64x169xf32>
    %div3A_90 = arith.constant 1.000000e+00 : f32
    %div3A_91 = vector.broadcast %div3A_90 : f32 to vector<64x169xf32>
    %div3A_92 = arith.divf %div3A_91, %add3A_89 : vector<64x169xf32>
    %slice3A_93 = vector.extract_strided_slice %get3A_4 {offsets = [0, 1, 0], sizes = [64, 1, 169], strides = [1, 1, 1]} : vector<64x25x169xf32> to vector<64x1x169xf32>
    %squeeze3A_94 = vector.shape_cast %slice3A_93 : vector<64x1x169xf32> to vector<64x169xf32>
    %neg3A_95 = arith.constant 0.000000e+00 : f32
    %neg3A_96 = vector.broadcast %neg3A_95 : f32 to vector<64x169xf32>
    %neg3A_97 = arith.subf %neg3A_96, %squeeze3A_94 : vector<64x169xf32>
    %exp3A_98 = math.exp %neg3A_97 : vector<64x169xf32>
    %add3A_99 = arith.constant 1.000000e+00 : f32
    %add3A_100 = vector.broadcast %add3A_99 : f32 to vector<64x169xf32>
    %add3A_101 = arith.addf %add3A_100, %exp3A_98 : vector<64x169xf32>
    %div3A_102 = arith.constant 1.000000e+00 : f32
    %div3A_103 = vector.broadcast %div3A_102 : f32 to vector<64x169xf32>
    %div3A_104 = arith.divf %div3A_103, %add3A_101 : vector<64x169xf32>
    %slice3A_105 = vector.extract_strided_slice %get3A_4 {offsets = [0, 2, 0], sizes = [64, 1, 169], strides = [1, 1, 1]} : vector<64x25x169xf32> to vector<64x1x169xf32>
    %squeeze3A_106 = vector.shape_cast %slice3A_105 : vector<64x1x169xf32> to vector<64x169xf32>
    %slice3A_107 = vector.extract_strided_slice %get3A_4 {offsets = [0, 3, 0], sizes = [64, 1, 169], strides = [1, 1, 1]} : vector<64x25x169xf32> to vector<64x1x169xf32>
    %squeeze3A_108 = vector.shape_cast %slice3A_107 : vector<64x1x169xf32> to vector<64x169xf32>
    %slice3A_109 = vector.extract_strided_slice %get3A_4 {offsets = [0, 4, 0], sizes = [64, 1, 169], strides = [1, 1, 1]} : vector<64x25x169xf32> to vector<64x1x169xf32>
    %squeeze3A_110 = vector.shape_cast %slice3A_109 : vector<64x1x169xf32> to vector<64x169xf32>
    %neg3A_111 = arith.constant 0.000000e+00 : f32
    %neg3A_112 = vector.broadcast %neg3A_111 : f32 to vector<64x169xf32>
    %neg3A_113 = arith.subf %neg3A_112, %squeeze3A_110 : vector<64x169xf32>
    %exp3A_114 = math.exp %neg3A_113 : vector<64x169xf32>
    %add3A_115 = arith.constant 1.000000e+00 : f32
    %add3A_116 = vector.broadcast %add3A_115 : f32 to vector<64x169xf32>
    %add3A_117 = arith.addf %add3A_116, %exp3A_114 : vector<64x169xf32>
    %div3A_118 = arith.constant 1.000000e+00 : f32
    %div3A_119 = vector.broadcast %div3A_118 : f32 to vector<64x169xf32>
    %div3A_120 = arith.divf %div3A_119, %add3A_117 : vector<64x169xf32>
    %add3A_121 = vector.broadcast %convert_element_type3A_23 : vector<1x169xf32> to vector<64x169xf32>
    %add3A_122 = arith.addf %div3A_92, %add3A_121 : vector<64x169xf32>
    %add3A_123 = vector.broadcast %convert_element_type3A_52 : vector<1x169xf32> to vector<64x169xf32>
    %add3A_124 = arith.addf %div3A_104, %add3A_123 : vector<64x169xf32>
    %exp3A_125 = math.exp %squeeze3A_106 : vector<64x169xf32>
    %mul3A_126 = arith.constant 1.322100e+00 : f32
    %mul3A_127 = vector.broadcast %mul3A_126 : f32 to vector<64x169xf32>
    %mul3A_128 = arith.mulf %exp3A_125, %mul3A_127 : vector<64x169xf32>
    %exp3A_129 = math.exp %squeeze3A_108 : vector<64x169xf32>
    %mul3A_130 = arith.constant 1.731450e+00 : f32
    %mul3A_131 = vector.broadcast %mul3A_130 : f32 to vector<64x169xf32>
    %mul3A_132 = arith.mulf %exp3A_129, %mul3A_131 : vector<64x169xf32>
    %mul3A_133 = arith.constant 5.000000e-01 : f32
    %mul3A_134 = vector.broadcast %mul3A_133 : f32 to vector<64x169xf32>
    %mul3A_135 = arith.mulf %mul3A_128, %mul3A_134 : vector<64x169xf32>
    %add3A_136 = arith.addf %add3A_122, %mul3A_135 : vector<64x169xf32>
    %min3A = vector.broadcast %add3A_74 : vector<64x1xf32> to vector<64x169xf32>
    %min3A_137 = arith.minimumf %add3A_136, %min3A : vector<64x169xf32>
    %mul3A_138 = arith.constant 5.000000e-01 : f32
    %mul3A_139 = vector.broadcast %mul3A_138 : f32 to vector<64x169xf32>
    %mul3A_140 = arith.mulf %mul3A_128, %mul3A_139 : vector<64x169xf32>
    %sub3A_141 = arith.subf %add3A_122, %mul3A_140 : vector<64x169xf32>
    %max3A = vector.broadcast %sub3A_70 : vector<64x1xf32> to vector<64x169xf32>
    %max3A_142 = arith.maximumf %sub3A_141, %max3A : vector<64x169xf32>
    %sub3A_143 = arith.subf %min3A_137, %max3A_142 : vector<64x169xf32>
    %max3A_144 = arith.constant 0.000000e+00 : f32
    %max3A_145 = vector.broadcast %max3A_144 : f32 to vector<64x169xf32>
    %max3A_146 = arith.maximumf %sub3A_143, %max3A_145 : vector<64x169xf32>
    %mul3A_147 = arith.constant 5.000000e-01 : f32
    %mul3A_148 = vector.broadcast %mul3A_147 : f32 to vector<64x169xf32>
    %mul3A_149 = arith.mulf %mul3A_132, %mul3A_148 : vector<64x169xf32>
    %add3A_150 = arith.addf %add3A_124, %mul3A_149 : vector<64x169xf32>
    %min3A_151 = vector.broadcast %add3A_82 : vector<64x1xf32> to vector<64x169xf32>
    %min3A_152 = arith.minimumf %add3A_150, %min3A_151 : vector<64x169xf32>
    %mul3A_153 = arith.constant 5.000000e-01 : f32
    %mul3A_154 = vector.broadcast %mul3A_153 : f32 to vector<64x169xf32>
    %mul3A_155 = arith.mulf %mul3A_132, %mul3A_154 : vector<64x169xf32>
    %sub3A_156 = arith.subf %add3A_124, %mul3A_155 : vector<64x169xf32>
    %max3A_157 = vector.broadcast %sub3A_78 : vector<64x1xf32> to vector<64x169xf32>
    %max3A_158 = arith.maximumf %sub3A_156, %max3A_157 : vector<64x169xf32>
    %sub3A_159 = arith.subf %min3A_152, %max3A_158 : vector<64x169xf32>
    %max3A_160 = arith.constant 0.000000e+00 : f32
    %max3A_161 = vector.broadcast %max3A_160 : f32 to vector<64x169xf32>
    %max3A_162 = arith.maximumf %sub3A_159, %max3A_161 : vector<64x169xf32>
    %mul3A_163 = arith.mulf %max3A_146, %max3A_162 : vector<64x169xf32>
    %mul3A_164 = arith.mulf %mul3A_128, %mul3A_132 : vector<64x169xf32>
    %add3A_165 = vector.broadcast %mul3A_83 : vector<64x1xf32> to vector<64x169xf32>
    %add3A_166 = arith.addf %mul3A_164, %add3A_165 : vector<64x169xf32>
    %sub3A_167 = arith.subf %add3A_166, %mul3A_163 : vector<64x169xf32>
    %max3A_168 = arith.constant 1.000000e-10 : f32
    %max3A_169 = vector.broadcast %max3A_168 : f32 to vector<64x169xf32>
    %max3A_170 = arith.maximumf %sub3A_167, %max3A_169 : vector<64x169xf32>
    %div3A_171 = arith.divf %mul3A_163, %max3A_170 : vector<64x169xf32>
    %gt3A = arith.constant 6.000000e-01 : f32
    %gt3A_172 = vector.broadcast %gt3A : f32 to vector<64x169xf32>
    %gt3A_173 = arith.cmpf ogt, %div3A_171, %gt3A_172 : vector<64x169xf32>
    %jit3A_174 = arith.constant 0.000000e+00 : f32
    %jit3A_175 = arith.constant 1.000000e+00 : f32
    %broadcast_in_dim3A = vector.broadcast %jit3A_174 : f32 to vector<64x169xf32>
    %broadcast_in_dim3A_176 = vector.broadcast %jit3A_175 : f32 to vector<64x169xf32>
    %select_n3A_177 = arith.select %gt3A_173, %broadcast_in_dim3A, %broadcast_in_dim3A_176 : vector<64x169xi1>, vector<64x169xf32>
    %sub3A_178 = arith.constant 5.000000e-01 : f32
    %sub3A_179 = vector.broadcast %sub3A_178 : f32 to vector<64x169xf32>
    %sub3A_180 = arith.subf %div3A_92, %sub3A_179 : vector<64x169xf32>
    %integer_pow3A = arith.mulf %sub3A_180, %sub3A_180 : vector<64x169xf32>
    %sub3A_181 = arith.constant 5.000000e-01 : f32
    %sub3A_182 = vector.broadcast %sub3A_181 : f32 to vector<64x169xf32>
    %sub3A_183 = arith.subf %div3A_104, %sub3A_182 : vector<64x169xf32>
    %integer_pow3A_184 = arith.mulf %sub3A_183, %sub3A_183 : vector<64x169xf32>
    %add3A_185 = arith.addf %integer_pow3A, %integer_pow3A_184 : vector<64x169xf32>
    %mul3A_186 = arith.mulf %squeeze3A_106, %squeeze3A_106 : vector<64x169xf32>
    %add3A_187 = arith.addf %add3A_185, %mul3A_186 : vector<64x169xf32>
    %mul3A_188 = arith.mulf %squeeze3A_108, %squeeze3A_108 : vector<64x169xf32>
    %add3A_189 = arith.addf %add3A_187, %mul3A_188 : vector<64x169xf32>
    %mul3A_190 = arith.mulf %select_n3A_177, %div3A_120 : vector<64x169xf32>
    %mul3A_191 = arith.mulf %mul3A_190, %div3A_120 : vector<64x169xf32>
    %add3A_192 = arith.addf %add3A_189, %mul3A_191 : vector<64x169xf32>
    %reduce_sum3A = vector.shape_cast %add3A_192 : vector<64x169xf32> to vector<1x64x169xf32>
    %reduce_sum3A_193 = arith.constant dense<0.000000e+00> : vector<1xf32>
    %reduce_sum3A_194 = vector.multi_reduction <add>, %reduce_sum3A, %reduce_sum3A_193 [1, 2] : vector<1x64x169xf32> to vector<1xf32>
    %reduce_sum3A_195 = vector.shape_cast %reduce_sum3A_194 : vector<1xf32> to vector<1x1x1xf32>
    %reduce_sum3A_196 = vector.extract %reduce_sum3A_195[0, 0, 0] : f32 from vector<1x1x1xf32>
    %add3A_197 = arith.constant 0.000000e+00 : f32
    %add3A_198 = arith.addf %add3A_197, %reduce_sum3A_196 : f32
    %slice3A_199 = vector.extract_strided_slice %get3A_4 {offsets = [0, 5, 0], sizes = [64, 1, 169], strides = [1, 1, 1]} : vector<64x25x169xf32> to vector<64x1x169xf32>
    %squeeze3A_200 = vector.shape_cast %slice3A_199 : vector<64x1x169xf32> to vector<64x169xf32>
    %neg3A_201 = arith.constant 0.000000e+00 : f32
    %neg3A_202 = vector.broadcast %neg3A_201 : f32 to vector<64x169xf32>
    %neg3A_203 = arith.subf %neg3A_202, %squeeze3A_200 : vector<64x169xf32>
    %exp3A_204 = math.exp %neg3A_203 : vector<64x169xf32>
    %add3A_205 = arith.constant 1.000000e+00 : f32
    %add3A_206 = vector.broadcast %add3A_205 : f32 to vector<64x169xf32>
    %add3A_207 = arith.addf %add3A_206, %exp3A_204 : vector<64x169xf32>
    %div3A_208 = arith.constant 1.000000e+00 : f32
    %div3A_209 = vector.broadcast %div3A_208 : f32 to vector<64x169xf32>
    %div3A_210 = arith.divf %div3A_209, %add3A_207 : vector<64x169xf32>
    %slice3A_211 = vector.extract_strided_slice %get3A_4 {offsets = [0, 6, 0], sizes = [64, 1, 169], strides = [1, 1, 1]} : vector<64x25x169xf32> to vector<64x1x169xf32>
    %squeeze3A_212 = vector.shape_cast %slice3A_211 : vector<64x1x169xf32> to vector<64x169xf32>
    %neg3A_213 = arith.constant 0.000000e+00 : f32
    %neg3A_214 = vector.broadcast %neg3A_213 : f32 to vector<64x169xf32>
    %neg3A_215 = arith.subf %neg3A_214, %squeeze3A_212 : vector<64x169xf32>
    %exp3A_216 = math.exp %neg3A_215 : vector<64x169xf32>
    %add3A_217 = arith.constant 1.000000e+00 : f32
    %add3A_218 = vector.broadcast %add3A_217 : f32 to vector<64x169xf32>
    %add3A_219 = arith.addf %add3A_218, %exp3A_216 : vector<64x169xf32>
    %div3A_220 = arith.constant 1.000000e+00 : f32
    %div3A_221 = vector.broadcast %div3A_220 : f32 to vector<64x169xf32>
    %div3A_222 = arith.divf %div3A_221, %add3A_219 : vector<64x169xf32>
    %slice3A_223 = vector.extract_strided_slice %get3A_4 {offsets = [0, 7, 0], sizes = [64, 1, 169], strides = [1, 1, 1]} : vector<64x25x169xf32> to vector<64x1x169xf32>
    %squeeze3A_224 = vector.shape_cast %slice3A_223 : vector<64x1x169xf32> to vector<64x169xf32>
    %slice3A_225 = vector.extract_strided_slice %get3A_4 {offsets = [0, 8, 0], sizes = [64, 1, 169], strides = [1, 1, 1]} : vector<64x25x169xf32> to vector<64x1x169xf32>
    %squeeze3A_226 = vector.shape_cast %slice3A_225 : vector<64x1x169xf32> to vector<64x169xf32>
    %slice3A_227 = vector.extract_strided_slice %get3A_4 {offsets = [0, 9, 0], sizes = [64, 1, 169], strides = [1, 1, 1]} : vector<64x25x169xf32> to vector<64x1x169xf32>
    %squeeze3A_228 = vector.shape_cast %slice3A_227 : vector<64x1x169xf32> to vector<64x169xf32>
    %neg3A_229 = arith.constant 0.000000e+00 : f32
    %neg3A_230 = vector.broadcast %neg3A_229 : f32 to vector<64x169xf32>
    %neg3A_231 = arith.subf %neg3A_230, %squeeze3A_228 : vector<64x169xf32>
    %exp3A_232 = math.exp %neg3A_231 : vector<64x169xf32>
    %add3A_233 = arith.constant 1.000000e+00 : f32
    %add3A_234 = vector.broadcast %add3A_233 : f32 to vector<64x169xf32>
    %add3A_235 = arith.addf %add3A_234, %exp3A_232 : vector<64x169xf32>
    %div3A_236 = arith.constant 1.000000e+00 : f32
    %div3A_237 = vector.broadcast %div3A_236 : f32 to vector<64x169xf32>
    %div3A_238 = arith.divf %div3A_237, %add3A_235 : vector<64x169xf32>
    %add3A_239 = vector.broadcast %convert_element_type3A_23 : vector<1x169xf32> to vector<64x169xf32>
    %add3A_240 = arith.addf %div3A_210, %add3A_239 : vector<64x169xf32>
    %add3A_241 = vector.broadcast %convert_element_type3A_52 : vector<1x169xf32> to vector<64x169xf32>
    %add3A_242 = arith.addf %div3A_222, %add3A_241 : vector<64x169xf32>
    %exp3A_243 = math.exp %squeeze3A_224 : vector<64x169xf32>
    %mul3A_244 = arith.constant 3.192750e+00 : f32
    %mul3A_245 = vector.broadcast %mul3A_244 : f32 to vector<64x169xf32>
    %mul3A_246 = arith.mulf %exp3A_243, %mul3A_245 : vector<64x169xf32>
    %exp3A_247 = math.exp %squeeze3A_226 : vector<64x169xf32>
    %mul3A_248 = arith.constant 4.009440e+00 : f32
    %mul3A_249 = vector.broadcast %mul3A_248 : f32 to vector<64x169xf32>
    %mul3A_250 = arith.mulf %exp3A_247, %mul3A_249 : vector<64x169xf32>
    %mul3A_251 = arith.constant 5.000000e-01 : f32
    %mul3A_252 = vector.broadcast %mul3A_251 : f32 to vector<64x169xf32>
    %mul3A_253 = arith.mulf %mul3A_246, %mul3A_252 : vector<64x169xf32>
    %add3A_254 = arith.addf %add3A_240, %mul3A_253 : vector<64x169xf32>
    %min3A_255 = vector.broadcast %add3A_74 : vector<64x1xf32> to vector<64x169xf32>
    %min3A_256 = arith.minimumf %add3A_254, %min3A_255 : vector<64x169xf32>
    %mul3A_257 = arith.constant 5.000000e-01 : f32
    %mul3A_258 = vector.broadcast %mul3A_257 : f32 to vector<64x169xf32>
    %mul3A_259 = arith.mulf %mul3A_246, %mul3A_258 : vector<64x169xf32>
    %sub3A_260 = arith.subf %add3A_240, %mul3A_259 : vector<64x169xf32>
    %max3A_261 = vector.broadcast %sub3A_70 : vector<64x1xf32> to vector<64x169xf32>
    %max3A_262 = arith.maximumf %sub3A_260, %max3A_261 : vector<64x169xf32>
    %sub3A_263 = arith.subf %min3A_256, %max3A_262 : vector<64x169xf32>
    %max3A_264 = arith.constant 0.000000e+00 : f32
    %max3A_265 = vector.broadcast %max3A_264 : f32 to vector<64x169xf32>
    %max3A_266 = arith.maximumf %sub3A_263, %max3A_265 : vector<64x169xf32>
    %mul3A_267 = arith.constant 5.000000e-01 : f32
    %mul3A_268 = vector.broadcast %mul3A_267 : f32 to vector<64x169xf32>
    %mul3A_269 = arith.mulf %mul3A_250, %mul3A_268 : vector<64x169xf32>
    %add3A_270 = arith.addf %add3A_242, %mul3A_269 : vector<64x169xf32>
    %min3A_271 = vector.broadcast %add3A_82 : vector<64x1xf32> to vector<64x169xf32>
    %min3A_272 = arith.minimumf %add3A_270, %min3A_271 : vector<64x169xf32>
    %mul3A_273 = arith.constant 5.000000e-01 : f32
    %mul3A_274 = vector.broadcast %mul3A_273 : f32 to vector<64x169xf32>
    %mul3A_275 = arith.mulf %mul3A_250, %mul3A_274 : vector<64x169xf32>
    %sub3A_276 = arith.subf %add3A_242, %mul3A_275 : vector<64x169xf32>
    %max3A_277 = vector.broadcast %sub3A_78 : vector<64x1xf32> to vector<64x169xf32>
    %max3A_278 = arith.maximumf %sub3A_276, %max3A_277 : vector<64x169xf32>
    %sub3A_279 = arith.subf %min3A_272, %max3A_278 : vector<64x169xf32>
    %max3A_280 = arith.constant 0.000000e+00 : f32
    %max3A_281 = vector.broadcast %max3A_280 : f32 to vector<64x169xf32>
    %max3A_282 = arith.maximumf %sub3A_279, %max3A_281 : vector<64x169xf32>
    %mul3A_283 = arith.mulf %max3A_266, %max3A_282 : vector<64x169xf32>
    %mul3A_284 = arith.mulf %mul3A_246, %mul3A_250 : vector<64x169xf32>
    %add3A_285 = vector.broadcast %mul3A_83 : vector<64x1xf32> to vector<64x169xf32>
    %add3A_286 = arith.addf %mul3A_284, %add3A_285 : vector<64x169xf32>
    %sub3A_287 = arith.subf %add3A_286, %mul3A_283 : vector<64x169xf32>
    %max3A_288 = arith.constant 1.000000e-10 : f32
    %max3A_289 = vector.broadcast %max3A_288 : f32 to vector<64x169xf32>
    %max3A_290 = arith.maximumf %sub3A_287, %max3A_289 : vector<64x169xf32>
    %div3A_291 = arith.divf %mul3A_283, %max3A_290 : vector<64x169xf32>
    %gt3A_292 = arith.constant 6.000000e-01 : f32
    %gt3A_293 = vector.broadcast %gt3A_292 : f32 to vector<64x169xf32>
    %gt3A_294 = arith.cmpf ogt, %div3A_291, %gt3A_293 : vector<64x169xf32>
    %jit3A_295 = arith.constant 0.000000e+00 : f32
    %jit3A_296 = arith.constant 1.000000e+00 : f32
    %broadcast_in_dim3A_297 = vector.broadcast %jit3A_295 : f32 to vector<64x169xf32>
    %broadcast_in_dim3A_298 = vector.broadcast %jit3A_296 : f32 to vector<64x169xf32>
    %select_n3A_299 = arith.select %gt3A_294, %broadcast_in_dim3A_297, %broadcast_in_dim3A_298 : vector<64x169xi1>, vector<64x169xf32>
    %sub3A_300 = arith.constant 5.000000e-01 : f32
    %sub3A_301 = vector.broadcast %sub3A_300 : f32 to vector<64x169xf32>
    %sub3A_302 = arith.subf %div3A_210, %sub3A_301 : vector<64x169xf32>
    %integer_pow3A_303 = arith.mulf %sub3A_302, %sub3A_302 : vector<64x169xf32>
    %sub3A_304 = arith.constant 5.000000e-01 : f32
    %sub3A_305 = vector.broadcast %sub3A_304 : f32 to vector<64x169xf32>
    %sub3A_306 = arith.subf %div3A_222, %sub3A_305 : vector<64x169xf32>
    %integer_pow3A_307 = arith.mulf %sub3A_306, %sub3A_306 : vector<64x169xf32>
    %add3A_308 = arith.addf %integer_pow3A_303, %integer_pow3A_307 : vector<64x169xf32>
    %mul3A_309 = arith.mulf %squeeze3A_224, %squeeze3A_224 : vector<64x169xf32>
    %add3A_310 = arith.addf %add3A_308, %mul3A_309 : vector<64x169xf32>
    %mul3A_311 = arith.mulf %squeeze3A_226, %squeeze3A_226 : vector<64x169xf32>
    %add3A_312 = arith.addf %add3A_310, %mul3A_311 : vector<64x169xf32>
    %mul3A_313 = arith.mulf %select_n3A_299, %div3A_238 : vector<64x169xf32>
    %mul3A_314 = arith.mulf %mul3A_313, %div3A_238 : vector<64x169xf32>
    %add3A_315 = arith.addf %add3A_312, %mul3A_314 : vector<64x169xf32>
    %reduce_sum3A_316 = vector.shape_cast %add3A_315 : vector<64x169xf32> to vector<1x64x169xf32>
    %reduce_sum3A_317 = arith.constant dense<0.000000e+00> : vector<1xf32>
    %reduce_sum3A_318 = vector.multi_reduction <add>, %reduce_sum3A_316, %reduce_sum3A_317 [1, 2] : vector<1x64x169xf32> to vector<1xf32>
    %reduce_sum3A_319 = vector.shape_cast %reduce_sum3A_318 : vector<1xf32> to vector<1x1x1xf32>
    %reduce_sum3A_320 = vector.extract %reduce_sum3A_319[0, 0, 0] : f32 from vector<1x1x1xf32>
    %add3A_321 = arith.addf %add3A_198, %reduce_sum3A_320 : f32
    %slice3A_322 = vector.extract_strided_slice %get3A_4 {offsets = [0, 10, 0], sizes = [64, 1, 169], strides = [1, 1, 1]} : vector<64x25x169xf32> to vector<64x1x169xf32>
    %squeeze3A_323 = vector.shape_cast %slice3A_322 : vector<64x1x169xf32> to vector<64x169xf32>
    %neg3A_324 = arith.constant 0.000000e+00 : f32
    %neg3A_325 = vector.broadcast %neg3A_324 : f32 to vector<64x169xf32>
    %neg3A_326 = arith.subf %neg3A_325, %squeeze3A_323 : vector<64x169xf32>
    %exp3A_327 = math.exp %neg3A_326 : vector<64x169xf32>
    %add3A_328 = arith.constant 1.000000e+00 : f32
    %add3A_329 = vector.broadcast %add3A_328 : f32 to vector<64x169xf32>
    %add3A_330 = arith.addf %add3A_329, %exp3A_327 : vector<64x169xf32>
    %div3A_331 = arith.constant 1.000000e+00 : f32
    %div3A_332 = vector.broadcast %div3A_331 : f32 to vector<64x169xf32>
    %div3A_333 = arith.divf %div3A_332, %add3A_330 : vector<64x169xf32>
    %slice3A_334 = vector.extract_strided_slice %get3A_4 {offsets = [0, 11, 0], sizes = [64, 1, 169], strides = [1, 1, 1]} : vector<64x25x169xf32> to vector<64x1x169xf32>
    %squeeze3A_335 = vector.shape_cast %slice3A_334 : vector<64x1x169xf32> to vector<64x169xf32>
    %neg3A_336 = arith.constant 0.000000e+00 : f32
    %neg3A_337 = vector.broadcast %neg3A_336 : f32 to vector<64x169xf32>
    %neg3A_338 = arith.subf %neg3A_337, %squeeze3A_335 : vector<64x169xf32>
    %exp3A_339 = math.exp %neg3A_338 : vector<64x169xf32>
    %add3A_340 = arith.constant 1.000000e+00 : f32
    %add3A_341 = vector.broadcast %add3A_340 : f32 to vector<64x169xf32>
    %add3A_342 = arith.addf %add3A_341, %exp3A_339 : vector<64x169xf32>
    %div3A_343 = arith.constant 1.000000e+00 : f32
    %div3A_344 = vector.broadcast %div3A_343 : f32 to vector<64x169xf32>
    %div3A_345 = arith.divf %div3A_344, %add3A_342 : vector<64x169xf32>
    %slice3A_346 = vector.extract_strided_slice %get3A_4 {offsets = [0, 12, 0], sizes = [64, 1, 169], strides = [1, 1, 1]} : vector<64x25x169xf32> to vector<64x1x169xf32>
    %squeeze3A_347 = vector.shape_cast %slice3A_346 : vector<64x1x169xf32> to vector<64x169xf32>
    %slice3A_348 = vector.extract_strided_slice %get3A_4 {offsets = [0, 13, 0], sizes = [64, 1, 169], strides = [1, 1, 1]} : vector<64x25x169xf32> to vector<64x1x169xf32>
    %squeeze3A_349 = vector.shape_cast %slice3A_348 : vector<64x1x169xf32> to vector<64x169xf32>
    %slice3A_350 = vector.extract_strided_slice %get3A_4 {offsets = [0, 14, 0], sizes = [64, 1, 169], strides = [1, 1, 1]} : vector<64x25x169xf32> to vector<64x1x169xf32>
    %squeeze3A_351 = vector.shape_cast %slice3A_350 : vector<64x1x169xf32> to vector<64x169xf32>
    %neg3A_352 = arith.constant 0.000000e+00 : f32
    %neg3A_353 = vector.broadcast %neg3A_352 : f32 to vector<64x169xf32>
    %neg3A_354 = arith.subf %neg3A_353, %squeeze3A_351 : vector<64x169xf32>
    %exp3A_355 = math.exp %neg3A_354 : vector<64x169xf32>
    %add3A_356 = arith.constant 1.000000e+00 : f32
    %add3A_357 = vector.broadcast %add3A_356 : f32 to vector<64x169xf32>
    %add3A_358 = arith.addf %add3A_357, %exp3A_355 : vector<64x169xf32>
    %div3A_359 = arith.constant 1.000000e+00 : f32
    %div3A_360 = vector.broadcast %div3A_359 : f32 to vector<64x169xf32>
    %div3A_361 = arith.divf %div3A_360, %add3A_358 : vector<64x169xf32>
    %add3A_362 = vector.broadcast %convert_element_type3A_23 : vector<1x169xf32> to vector<64x169xf32>
    %add3A_363 = arith.addf %div3A_333, %add3A_362 : vector<64x169xf32>
    %add3A_364 = vector.broadcast %convert_element_type3A_52 : vector<1x169xf32> to vector<64x169xf32>
    %add3A_365 = arith.addf %div3A_345, %add3A_364 : vector<64x169xf32>
    %exp3A_366 = math.exp %squeeze3A_347 : vector<64x169xf32>
    %mul3A_367 = arith.constant 5.055870e+00 : f32
    %mul3A_368 = vector.broadcast %mul3A_367 : f32 to vector<64x169xf32>
    %mul3A_369 = arith.mulf %exp3A_366, %mul3A_368 : vector<64x169xf32>
    %exp3A_370 = math.exp %squeeze3A_349 : vector<64x169xf32>
    %mul3A_371 = arith.constant 8.09891986 : f32
    %mul3A_372 = vector.broadcast %mul3A_371 : f32 to vector<64x169xf32>
    %mul3A_373 = arith.mulf %exp3A_370, %mul3A_372 : vector<64x169xf32>
    %mul3A_374 = arith.constant 5.000000e-01 : f32
    %mul3A_375 = vector.broadcast %mul3A_374 : f32 to vector<64x169xf32>
    %mul3A_376 = arith.mulf %mul3A_369, %mul3A_375 : vector<64x169xf32>
    %add3A_377 = arith.addf %add3A_363, %mul3A_376 : vector<64x169xf32>
    %min3A_378 = vector.broadcast %add3A_74 : vector<64x1xf32> to vector<64x169xf32>
    %min3A_379 = arith.minimumf %add3A_377, %min3A_378 : vector<64x169xf32>
    %mul3A_380 = arith.constant 5.000000e-01 : f32
    %mul3A_381 = vector.broadcast %mul3A_380 : f32 to vector<64x169xf32>
    %mul3A_382 = arith.mulf %mul3A_369, %mul3A_381 : vector<64x169xf32>
    %sub3A_383 = arith.subf %add3A_363, %mul3A_382 : vector<64x169xf32>
    %max3A_384 = vector.broadcast %sub3A_70 : vector<64x1xf32> to vector<64x169xf32>
    %max3A_385 = arith.maximumf %sub3A_383, %max3A_384 : vector<64x169xf32>
    %sub3A_386 = arith.subf %min3A_379, %max3A_385 : vector<64x169xf32>
    %max3A_387 = arith.constant 0.000000e+00 : f32
    %max3A_388 = vector.broadcast %max3A_387 : f32 to vector<64x169xf32>
    %max3A_389 = arith.maximumf %sub3A_386, %max3A_388 : vector<64x169xf32>
    %mul3A_390 = arith.constant 5.000000e-01 : f32
    %mul3A_391 = vector.broadcast %mul3A_390 : f32 to vector<64x169xf32>
    %mul3A_392 = arith.mulf %mul3A_373, %mul3A_391 : vector<64x169xf32>
    %add3A_393 = arith.addf %add3A_365, %mul3A_392 : vector<64x169xf32>
    %min3A_394 = vector.broadcast %add3A_82 : vector<64x1xf32> to vector<64x169xf32>
    %min3A_395 = arith.minimumf %add3A_393, %min3A_394 : vector<64x169xf32>
    %mul3A_396 = arith.constant 5.000000e-01 : f32
    %mul3A_397 = vector.broadcast %mul3A_396 : f32 to vector<64x169xf32>
    %mul3A_398 = arith.mulf %mul3A_373, %mul3A_397 : vector<64x169xf32>
    %sub3A_399 = arith.subf %add3A_365, %mul3A_398 : vector<64x169xf32>
    %max3A_400 = vector.broadcast %sub3A_78 : vector<64x1xf32> to vector<64x169xf32>
    %max3A_401 = arith.maximumf %sub3A_399, %max3A_400 : vector<64x169xf32>
    %sub3A_402 = arith.subf %min3A_395, %max3A_401 : vector<64x169xf32>
    %max3A_403 = arith.constant 0.000000e+00 : f32
    %max3A_404 = vector.broadcast %max3A_403 : f32 to vector<64x169xf32>
    %max3A_405 = arith.maximumf %sub3A_402, %max3A_404 : vector<64x169xf32>
    %mul3A_406 = arith.mulf %max3A_389, %max3A_405 : vector<64x169xf32>
    %mul3A_407 = arith.mulf %mul3A_369, %mul3A_373 : vector<64x169xf32>
    %add3A_408 = vector.broadcast %mul3A_83 : vector<64x1xf32> to vector<64x169xf32>
    %add3A_409 = arith.addf %mul3A_407, %add3A_408 : vector<64x169xf32>
    %sub3A_410 = arith.subf %add3A_409, %mul3A_406 : vector<64x169xf32>
    %max3A_411 = arith.constant 1.000000e-10 : f32
    %max3A_412 = vector.broadcast %max3A_411 : f32 to vector<64x169xf32>
    %max3A_413 = arith.maximumf %sub3A_410, %max3A_412 : vector<64x169xf32>
    %div3A_414 = arith.divf %mul3A_406, %max3A_413 : vector<64x169xf32>
    %gt3A_415 = arith.constant 6.000000e-01 : f32
    %gt3A_416 = vector.broadcast %gt3A_415 : f32 to vector<64x169xf32>
    %gt3A_417 = arith.cmpf ogt, %div3A_414, %gt3A_416 : vector<64x169xf32>
    %jit3A_418 = arith.constant 0.000000e+00 : f32
    %jit3A_419 = arith.constant 1.000000e+00 : f32
    %broadcast_in_dim3A_420 = vector.broadcast %jit3A_418 : f32 to vector<64x169xf32>
    %broadcast_in_dim3A_421 = vector.broadcast %jit3A_419 : f32 to vector<64x169xf32>
    %select_n3A_422 = arith.select %gt3A_417, %broadcast_in_dim3A_420, %broadcast_in_dim3A_421 : vector<64x169xi1>, vector<64x169xf32>
    %sub3A_423 = arith.constant 5.000000e-01 : f32
    %sub3A_424 = vector.broadcast %sub3A_423 : f32 to vector<64x169xf32>
    %sub3A_425 = arith.subf %div3A_333, %sub3A_424 : vector<64x169xf32>
    %integer_pow3A_426 = arith.mulf %sub3A_425, %sub3A_425 : vector<64x169xf32>
    %sub3A_427 = arith.constant 5.000000e-01 : f32
    %sub3A_428 = vector.broadcast %sub3A_427 : f32 to vector<64x169xf32>
    %sub3A_429 = arith.subf %div3A_345, %sub3A_428 : vector<64x169xf32>
    %integer_pow3A_430 = arith.mulf %sub3A_429, %sub3A_429 : vector<64x169xf32>
    %add3A_431 = arith.addf %integer_pow3A_426, %integer_pow3A_430 : vector<64x169xf32>
    %mul3A_432 = arith.mulf %squeeze3A_347, %squeeze3A_347 : vector<64x169xf32>
    %add3A_433 = arith.addf %add3A_431, %mul3A_432 : vector<64x169xf32>
    %mul3A_434 = arith.mulf %squeeze3A_349, %squeeze3A_349 : vector<64x169xf32>
    %add3A_435 = arith.addf %add3A_433, %mul3A_434 : vector<64x169xf32>
    %mul3A_436 = arith.mulf %select_n3A_422, %div3A_361 : vector<64x169xf32>
    %mul3A_437 = arith.mulf %mul3A_436, %div3A_361 : vector<64x169xf32>
    %add3A_438 = arith.addf %add3A_435, %mul3A_437 : vector<64x169xf32>
    %reduce_sum3A_439 = vector.shape_cast %add3A_438 : vector<64x169xf32> to vector<1x64x169xf32>
    %reduce_sum3A_440 = arith.constant dense<0.000000e+00> : vector<1xf32>
    %reduce_sum3A_441 = vector.multi_reduction <add>, %reduce_sum3A_439, %reduce_sum3A_440 [1, 2] : vector<1x64x169xf32> to vector<1xf32>
    %reduce_sum3A_442 = vector.shape_cast %reduce_sum3A_441 : vector<1xf32> to vector<1x1x1xf32>
    %reduce_sum3A_443 = vector.extract %reduce_sum3A_442[0, 0, 0] : f32 from vector<1x1x1xf32>
    %add3A_444 = arith.addf %add3A_321, %reduce_sum3A_443 : f32
    %slice3A_445 = vector.extract_strided_slice %get3A_4 {offsets = [0, 15, 0], sizes = [64, 1, 169], strides = [1, 1, 1]} : vector<64x25x169xf32> to vector<64x1x169xf32>
    %squeeze3A_446 = vector.shape_cast %slice3A_445 : vector<64x1x169xf32> to vector<64x169xf32>
    %neg3A_447 = arith.constant 0.000000e+00 : f32
    %neg3A_448 = vector.broadcast %neg3A_447 : f32 to vector<64x169xf32>
    %neg3A_449 = arith.subf %neg3A_448, %squeeze3A_446 : vector<64x169xf32>
    %exp3A_450 = math.exp %neg3A_449 : vector<64x169xf32>
    %add3A_451 = arith.constant 1.000000e+00 : f32
    %add3A_452 = vector.broadcast %add3A_451 : f32 to vector<64x169xf32>
    %add3A_453 = arith.addf %add3A_452, %exp3A_450 : vector<64x169xf32>
    %div3A_454 = arith.constant 1.000000e+00 : f32
    %div3A_455 = vector.broadcast %div3A_454 : f32 to vector<64x169xf32>
    %div3A_456 = arith.divf %div3A_455, %add3A_453 : vector<64x169xf32>
    %slice3A_457 = vector.extract_strided_slice %get3A_4 {offsets = [0, 16, 0], sizes = [64, 1, 169], strides = [1, 1, 1]} : vector<64x25x169xf32> to vector<64x1x169xf32>
    %squeeze3A_458 = vector.shape_cast %slice3A_457 : vector<64x1x169xf32> to vector<64x169xf32>
    %neg3A_459 = arith.constant 0.000000e+00 : f32
    %neg3A_460 = vector.broadcast %neg3A_459 : f32 to vector<64x169xf32>
    %neg3A_461 = arith.subf %neg3A_460, %squeeze3A_458 : vector<64x169xf32>
    %exp3A_462 = math.exp %neg3A_461 : vector<64x169xf32>
    %add3A_463 = arith.constant 1.000000e+00 : f32
    %add3A_464 = vector.broadcast %add3A_463 : f32 to vector<64x169xf32>
    %add3A_465 = arith.addf %add3A_464, %exp3A_462 : vector<64x169xf32>
    %div3A_466 = arith.constant 1.000000e+00 : f32
    %div3A_467 = vector.broadcast %div3A_466 : f32 to vector<64x169xf32>
    %div3A_468 = arith.divf %div3A_467, %add3A_465 : vector<64x169xf32>
    %slice3A_469 = vector.extract_strided_slice %get3A_4 {offsets = [0, 17, 0], sizes = [64, 1, 169], strides = [1, 1, 1]} : vector<64x25x169xf32> to vector<64x1x169xf32>
    %squeeze3A_470 = vector.shape_cast %slice3A_469 : vector<64x1x169xf32> to vector<64x169xf32>
    %slice3A_471 = vector.extract_strided_slice %get3A_4 {offsets = [0, 18, 0], sizes = [64, 1, 169], strides = [1, 1, 1]} : vector<64x25x169xf32> to vector<64x1x169xf32>
    %squeeze3A_472 = vector.shape_cast %slice3A_471 : vector<64x1x169xf32> to vector<64x169xf32>
    %slice3A_473 = vector.extract_strided_slice %get3A_4 {offsets = [0, 19, 0], sizes = [64, 1, 169], strides = [1, 1, 1]} : vector<64x25x169xf32> to vector<64x1x169xf32>
    %squeeze3A_474 = vector.shape_cast %slice3A_473 : vector<64x1x169xf32> to vector<64x169xf32>
    %neg3A_475 = arith.constant 0.000000e+00 : f32
    %neg3A_476 = vector.broadcast %neg3A_475 : f32 to vector<64x169xf32>
    %neg3A_477 = arith.subf %neg3A_476, %squeeze3A_474 : vector<64x169xf32>
    %exp3A_478 = math.exp %neg3A_477 : vector<64x169xf32>
    %add3A_479 = arith.constant 1.000000e+00 : f32
    %add3A_480 = vector.broadcast %add3A_479 : f32 to vector<64x169xf32>
    %add3A_481 = arith.addf %add3A_480, %exp3A_478 : vector<64x169xf32>
    %div3A_482 = arith.constant 1.000000e+00 : f32
    %div3A_483 = vector.broadcast %div3A_482 : f32 to vector<64x169xf32>
    %div3A_484 = arith.divf %div3A_483, %add3A_481 : vector<64x169xf32>
    %add3A_485 = vector.broadcast %convert_element_type3A_23 : vector<1x169xf32> to vector<64x169xf32>
    %add3A_486 = arith.addf %div3A_456, %add3A_485 : vector<64x169xf32>
    %add3A_487 = vector.broadcast %convert_element_type3A_52 : vector<1x169xf32> to vector<64x169xf32>
    %add3A_488 = arith.addf %div3A_468, %add3A_487 : vector<64x169xf32>
    %exp3A_489 = math.exp %squeeze3A_470 : vector<64x169xf32>
    %mul3A_490 = arith.constant 9.47111988 : f32
    %mul3A_491 = vector.broadcast %mul3A_490 : f32 to vector<64x169xf32>
    %mul3A_492 = arith.mulf %exp3A_489, %mul3A_491 : vector<64x169xf32>
    %exp3A_493 = math.exp %squeeze3A_472 : vector<64x169xf32>
    %mul3A_494 = arith.constant 4.840530e+00 : f32
    %mul3A_495 = vector.broadcast %mul3A_494 : f32 to vector<64x169xf32>
    %mul3A_496 = arith.mulf %exp3A_493, %mul3A_495 : vector<64x169xf32>
    %mul3A_497 = arith.constant 5.000000e-01 : f32
    %mul3A_498 = vector.broadcast %mul3A_497 : f32 to vector<64x169xf32>
    %mul3A_499 = arith.mulf %mul3A_492, %mul3A_498 : vector<64x169xf32>
    %add3A_500 = arith.addf %add3A_486, %mul3A_499 : vector<64x169xf32>
    %min3A_501 = vector.broadcast %add3A_74 : vector<64x1xf32> to vector<64x169xf32>
    %min3A_502 = arith.minimumf %add3A_500, %min3A_501 : vector<64x169xf32>
    %mul3A_503 = arith.constant 5.000000e-01 : f32
    %mul3A_504 = vector.broadcast %mul3A_503 : f32 to vector<64x169xf32>
    %mul3A_505 = arith.mulf %mul3A_492, %mul3A_504 : vector<64x169xf32>
    %sub3A_506 = arith.subf %add3A_486, %mul3A_505 : vector<64x169xf32>
    %max3A_507 = vector.broadcast %sub3A_70 : vector<64x1xf32> to vector<64x169xf32>
    %max3A_508 = arith.maximumf %sub3A_506, %max3A_507 : vector<64x169xf32>
    %sub3A_509 = arith.subf %min3A_502, %max3A_508 : vector<64x169xf32>
    %max3A_510 = arith.constant 0.000000e+00 : f32
    %max3A_511 = vector.broadcast %max3A_510 : f32 to vector<64x169xf32>
    %max3A_512 = arith.maximumf %sub3A_509, %max3A_511 : vector<64x169xf32>
    %mul3A_513 = arith.constant 5.000000e-01 : f32
    %mul3A_514 = vector.broadcast %mul3A_513 : f32 to vector<64x169xf32>
    %mul3A_515 = arith.mulf %mul3A_496, %mul3A_514 : vector<64x169xf32>
    %add3A_516 = arith.addf %add3A_488, %mul3A_515 : vector<64x169xf32>
    %min3A_517 = vector.broadcast %add3A_82 : vector<64x1xf32> to vector<64x169xf32>
    %min3A_518 = arith.minimumf %add3A_516, %min3A_517 : vector<64x169xf32>
    %mul3A_519 = arith.constant 5.000000e-01 : f32
    %mul3A_520 = vector.broadcast %mul3A_519 : f32 to vector<64x169xf32>
    %mul3A_521 = arith.mulf %mul3A_496, %mul3A_520 : vector<64x169xf32>
    %sub3A_522 = arith.subf %add3A_488, %mul3A_521 : vector<64x169xf32>
    %max3A_523 = vector.broadcast %sub3A_78 : vector<64x1xf32> to vector<64x169xf32>
    %max3A_524 = arith.maximumf %sub3A_522, %max3A_523 : vector<64x169xf32>
    %sub3A_525 = arith.subf %min3A_518, %max3A_524 : vector<64x169xf32>
    %max3A_526 = arith.constant 0.000000e+00 : f32
    %max3A_527 = vector.broadcast %max3A_526 : f32 to vector<64x169xf32>
    %max3A_528 = arith.maximumf %sub3A_525, %max3A_527 : vector<64x169xf32>
    %mul3A_529 = arith.mulf %max3A_512, %max3A_528 : vector<64x169xf32>
    %mul3A_530 = arith.mulf %mul3A_492, %mul3A_496 : vector<64x169xf32>
    %add3A_531 = vector.broadcast %mul3A_83 : vector<64x1xf32> to vector<64x169xf32>
    %add3A_532 = arith.addf %mul3A_530, %add3A_531 : vector<64x169xf32>
    %sub3A_533 = arith.subf %add3A_532, %mul3A_529 : vector<64x169xf32>
    %max3A_534 = arith.constant 1.000000e-10 : f32
    %max3A_535 = vector.broadcast %max3A_534 : f32 to vector<64x169xf32>
    %max3A_536 = arith.maximumf %sub3A_533, %max3A_535 : vector<64x169xf32>
    %div3A_537 = arith.divf %mul3A_529, %max3A_536 : vector<64x169xf32>
    %gt3A_538 = arith.constant 6.000000e-01 : f32
    %gt3A_539 = vector.broadcast %gt3A_538 : f32 to vector<64x169xf32>
    %gt3A_540 = arith.cmpf ogt, %div3A_537, %gt3A_539 : vector<64x169xf32>
    %jit3A_541 = arith.constant 0.000000e+00 : f32
    %jit3A_542 = arith.constant 1.000000e+00 : f32
    %broadcast_in_dim3A_543 = vector.broadcast %jit3A_541 : f32 to vector<64x169xf32>
    %broadcast_in_dim3A_544 = vector.broadcast %jit3A_542 : f32 to vector<64x169xf32>
    %select_n3A_545 = arith.select %gt3A_540, %broadcast_in_dim3A_543, %broadcast_in_dim3A_544 : vector<64x169xi1>, vector<64x169xf32>
    %sub3A_546 = arith.constant 5.000000e-01 : f32
    %sub3A_547 = vector.broadcast %sub3A_546 : f32 to vector<64x169xf32>
    %sub3A_548 = arith.subf %div3A_456, %sub3A_547 : vector<64x169xf32>
    %integer_pow3A_549 = arith.mulf %sub3A_548, %sub3A_548 : vector<64x169xf32>
    %sub3A_550 = arith.constant 5.000000e-01 : f32
    %sub3A_551 = vector.broadcast %sub3A_550 : f32 to vector<64x169xf32>
    %sub3A_552 = arith.subf %div3A_468, %sub3A_551 : vector<64x169xf32>
    %integer_pow3A_553 = arith.mulf %sub3A_552, %sub3A_552 : vector<64x169xf32>
    %add3A_554 = arith.addf %integer_pow3A_549, %integer_pow3A_553 : vector<64x169xf32>
    %mul3A_555 = arith.mulf %squeeze3A_470, %squeeze3A_470 : vector<64x169xf32>
    %add3A_556 = arith.addf %add3A_554, %mul3A_555 : vector<64x169xf32>
    %mul3A_557 = arith.mulf %squeeze3A_472, %squeeze3A_472 : vector<64x169xf32>
    %add3A_558 = arith.addf %add3A_556, %mul3A_557 : vector<64x169xf32>
    %mul3A_559 = arith.mulf %select_n3A_545, %div3A_484 : vector<64x169xf32>
    %mul3A_560 = arith.mulf %mul3A_559, %div3A_484 : vector<64x169xf32>
    %add3A_561 = arith.addf %add3A_558, %mul3A_560 : vector<64x169xf32>
    %reduce_sum3A_562 = vector.shape_cast %add3A_561 : vector<64x169xf32> to vector<1x64x169xf32>
    %reduce_sum3A_563 = arith.constant dense<0.000000e+00> : vector<1xf32>
    %reduce_sum3A_564 = vector.multi_reduction <add>, %reduce_sum3A_562, %reduce_sum3A_563 [1, 2] : vector<1x64x169xf32> to vector<1xf32>
    %reduce_sum3A_565 = vector.shape_cast %reduce_sum3A_564 : vector<1xf32> to vector<1x1x1xf32>
    %reduce_sum3A_566 = vector.extract %reduce_sum3A_565[0, 0, 0] : f32 from vector<1x1x1xf32>
    %add3A_567 = arith.addf %add3A_444, %reduce_sum3A_566 : f32
    %slice3A_568 = vector.extract_strided_slice %get3A_4 {offsets = [0, 20, 0], sizes = [64, 1, 169], strides = [1, 1, 1]} : vector<64x25x169xf32> to vector<64x1x169xf32>
    %squeeze3A_569 = vector.shape_cast %slice3A_568 : vector<64x1x169xf32> to vector<64x169xf32>
    %neg3A_570 = arith.constant 0.000000e+00 : f32
    %neg3A_571 = vector.broadcast %neg3A_570 : f32 to vector<64x169xf32>
    %neg3A_572 = arith.subf %neg3A_571, %squeeze3A_569 : vector<64x169xf32>
    %exp3A_573 = math.exp %neg3A_572 : vector<64x169xf32>
    %add3A_574 = arith.constant 1.000000e+00 : f32
    %add3A_575 = vector.broadcast %add3A_574 : f32 to vector<64x169xf32>
    %add3A_576 = arith.addf %add3A_575, %exp3A_573 : vector<64x169xf32>
    %div3A_577 = arith.constant 1.000000e+00 : f32
    %div3A_578 = vector.broadcast %div3A_577 : f32 to vector<64x169xf32>
    %div3A_579 = arith.divf %div3A_578, %add3A_576 : vector<64x169xf32>
    %slice3A_580 = vector.extract_strided_slice %get3A_4 {offsets = [0, 21, 0], sizes = [64, 1, 169], strides = [1, 1, 1]} : vector<64x25x169xf32> to vector<64x1x169xf32>
    %squeeze3A_581 = vector.shape_cast %slice3A_580 : vector<64x1x169xf32> to vector<64x169xf32>
    %neg3A_582 = arith.constant 0.000000e+00 : f32
    %neg3A_583 = vector.broadcast %neg3A_582 : f32 to vector<64x169xf32>
    %neg3A_584 = arith.subf %neg3A_583, %squeeze3A_581 : vector<64x169xf32>
    %exp3A_585 = math.exp %neg3A_584 : vector<64x169xf32>
    %add3A_586 = arith.constant 1.000000e+00 : f32
    %add3A_587 = vector.broadcast %add3A_586 : f32 to vector<64x169xf32>
    %add3A_588 = arith.addf %add3A_587, %exp3A_585 : vector<64x169xf32>
    %div3A_589 = arith.constant 1.000000e+00 : f32
    %div3A_590 = vector.broadcast %div3A_589 : f32 to vector<64x169xf32>
    %div3A_591 = arith.divf %div3A_590, %add3A_588 : vector<64x169xf32>
    %slice3A_592 = vector.extract_strided_slice %get3A_4 {offsets = [0, 22, 0], sizes = [64, 1, 169], strides = [1, 1, 1]} : vector<64x25x169xf32> to vector<64x1x169xf32>
    %squeeze3A_593 = vector.shape_cast %slice3A_592 : vector<64x1x169xf32> to vector<64x169xf32>
    %slice3A_594 = vector.extract_strided_slice %get3A_4 {offsets = [0, 23, 0], sizes = [64, 1, 169], strides = [1, 1, 1]} : vector<64x25x169xf32> to vector<64x1x169xf32>
    %squeeze3A_595 = vector.shape_cast %slice3A_594 : vector<64x1x169xf32> to vector<64x169xf32>
    %slice3A_596 = vector.extract_strided_slice %get3A_4 {offsets = [0, 24, 0], sizes = [64, 1, 169], strides = [1, 1, 1]} : vector<64x25x169xf32> to vector<64x1x169xf32>
    %squeeze3A_597 = vector.shape_cast %slice3A_596 : vector<64x1x169xf32> to vector<64x169xf32>
    %neg3A_598 = arith.constant 0.000000e+00 : f32
    %neg3A_599 = vector.broadcast %neg3A_598 : f32 to vector<64x169xf32>
    %neg3A_600 = arith.subf %neg3A_599, %squeeze3A_597 : vector<64x169xf32>
    %exp3A_601 = math.exp %neg3A_600 : vector<64x169xf32>
    %add3A_602 = arith.constant 1.000000e+00 : f32
    %add3A_603 = vector.broadcast %add3A_602 : f32 to vector<64x169xf32>
    %add3A_604 = arith.addf %add3A_603, %exp3A_601 : vector<64x169xf32>
    %div3A_605 = arith.constant 1.000000e+00 : f32
    %div3A_606 = vector.broadcast %div3A_605 : f32 to vector<64x169xf32>
    %div3A_607 = arith.divf %div3A_606, %add3A_604 : vector<64x169xf32>
    %add3A_608 = vector.broadcast %convert_element_type3A_23 : vector<1x169xf32> to vector<64x169xf32>
    %add3A_609 = arith.addf %div3A_579, %add3A_608 : vector<64x169xf32>
    %add3A_610 = vector.broadcast %convert_element_type3A_52 : vector<1x169xf32> to vector<64x169xf32>
    %add3A_611 = arith.addf %div3A_591, %add3A_610 : vector<64x169xf32>
    %exp3A_612 = math.exp %squeeze3A_593 : vector<64x169xf32>
    %mul3A_613 = arith.constant 1.123640e+01 : f32
    %mul3A_614 = vector.broadcast %mul3A_613 : f32 to vector<64x169xf32>
    %mul3A_615 = arith.mulf %exp3A_612, %mul3A_614 : vector<64x169xf32>
    %exp3A_616 = math.exp %squeeze3A_595 : vector<64x169xf32>
    %mul3A_617 = arith.constant 1.000710e+01 : f32
    %mul3A_618 = vector.broadcast %mul3A_617 : f32 to vector<64x169xf32>
    %mul3A_619 = arith.mulf %exp3A_616, %mul3A_618 : vector<64x169xf32>
    %mul3A_620 = arith.constant 5.000000e-01 : f32
    %mul3A_621 = vector.broadcast %mul3A_620 : f32 to vector<64x169xf32>
    %mul3A_622 = arith.mulf %mul3A_615, %mul3A_621 : vector<64x169xf32>
    %add3A_623 = arith.addf %add3A_609, %mul3A_622 : vector<64x169xf32>
    %min3A_624 = vector.broadcast %add3A_74 : vector<64x1xf32> to vector<64x169xf32>
    %min3A_625 = arith.minimumf %add3A_623, %min3A_624 : vector<64x169xf32>
    %mul3A_626 = arith.constant 5.000000e-01 : f32
    %mul3A_627 = vector.broadcast %mul3A_626 : f32 to vector<64x169xf32>
    %mul3A_628 = arith.mulf %mul3A_615, %mul3A_627 : vector<64x169xf32>
    %sub3A_629 = arith.subf %add3A_609, %mul3A_628 : vector<64x169xf32>
    %max3A_630 = vector.broadcast %sub3A_70 : vector<64x1xf32> to vector<64x169xf32>
    %max3A_631 = arith.maximumf %sub3A_629, %max3A_630 : vector<64x169xf32>
    %sub3A_632 = arith.subf %min3A_625, %max3A_631 : vector<64x169xf32>
    %max3A_633 = arith.constant 0.000000e+00 : f32
    %max3A_634 = vector.broadcast %max3A_633 : f32 to vector<64x169xf32>
    %max3A_635 = arith.maximumf %sub3A_632, %max3A_634 : vector<64x169xf32>
    %mul3A_636 = arith.constant 5.000000e-01 : f32
    %mul3A_637 = vector.broadcast %mul3A_636 : f32 to vector<64x169xf32>
    %mul3A_638 = arith.mulf %mul3A_619, %mul3A_637 : vector<64x169xf32>
    %add3A_639 = arith.addf %add3A_611, %mul3A_638 : vector<64x169xf32>
    %min3A_640 = vector.broadcast %add3A_82 : vector<64x1xf32> to vector<64x169xf32>
    %min3A_641 = arith.minimumf %add3A_639, %min3A_640 : vector<64x169xf32>
    %mul3A_642 = arith.constant 5.000000e-01 : f32
    %mul3A_643 = vector.broadcast %mul3A_642 : f32 to vector<64x169xf32>
    %mul3A_644 = arith.mulf %mul3A_619, %mul3A_643 : vector<64x169xf32>
    %sub3A_645 = arith.subf %add3A_611, %mul3A_644 : vector<64x169xf32>
    %max3A_646 = vector.broadcast %sub3A_78 : vector<64x1xf32> to vector<64x169xf32>
    %max3A_647 = arith.maximumf %sub3A_645, %max3A_646 : vector<64x169xf32>
    %sub3A_648 = arith.subf %min3A_641, %max3A_647 : vector<64x169xf32>
    %max3A_649 = arith.constant 0.000000e+00 : f32
    %max3A_650 = vector.broadcast %max3A_649 : f32 to vector<64x169xf32>
    %max3A_651 = arith.maximumf %sub3A_648, %max3A_650 : vector<64x169xf32>
    %mul3A_652 = arith.mulf %max3A_635, %max3A_651 : vector<64x169xf32>
    %mul3A_653 = arith.mulf %mul3A_615, %mul3A_619 : vector<64x169xf32>
    %add3A_654 = vector.broadcast %mul3A_83 : vector<64x1xf32> to vector<64x169xf32>
    %add3A_655 = arith.addf %mul3A_653, %add3A_654 : vector<64x169xf32>
    %sub3A_656 = arith.subf %add3A_655, %mul3A_652 : vector<64x169xf32>
    %max3A_657 = arith.constant 1.000000e-10 : f32
    %max3A_658 = vector.broadcast %max3A_657 : f32 to vector<64x169xf32>
    %max3A_659 = arith.maximumf %sub3A_656, %max3A_658 : vector<64x169xf32>
    %div3A_660 = arith.divf %mul3A_652, %max3A_659 : vector<64x169xf32>
    %gt3A_661 = arith.constant 6.000000e-01 : f32
    %gt3A_662 = vector.broadcast %gt3A_661 : f32 to vector<64x169xf32>
    %gt3A_663 = arith.cmpf ogt, %div3A_660, %gt3A_662 : vector<64x169xf32>
    %jit3A_664 = arith.constant 0.000000e+00 : f32
    %jit3A_665 = arith.constant 1.000000e+00 : f32
    %broadcast_in_dim3A_666 = vector.broadcast %jit3A_664 : f32 to vector<64x169xf32>
    %broadcast_in_dim3A_667 = vector.broadcast %jit3A_665 : f32 to vector<64x169xf32>
    %select_n3A_668 = arith.select %gt3A_663, %broadcast_in_dim3A_666, %broadcast_in_dim3A_667 : vector<64x169xi1>, vector<64x169xf32>
    %sub3A_669 = arith.constant 5.000000e-01 : f32
    %sub3A_670 = vector.broadcast %sub3A_669 : f32 to vector<64x169xf32>
    %sub3A_671 = arith.subf %div3A_579, %sub3A_670 : vector<64x169xf32>
    %integer_pow3A_672 = arith.mulf %sub3A_671, %sub3A_671 : vector<64x169xf32>
    %sub3A_673 = arith.constant 5.000000e-01 : f32
    %sub3A_674 = vector.broadcast %sub3A_673 : f32 to vector<64x169xf32>
    %sub3A_675 = arith.subf %div3A_591, %sub3A_674 : vector<64x169xf32>
    %integer_pow3A_676 = arith.mulf %sub3A_675, %sub3A_675 : vector<64x169xf32>
    %add3A_677 = arith.addf %integer_pow3A_672, %integer_pow3A_676 : vector<64x169xf32>
    %mul3A_678 = arith.mulf %squeeze3A_593, %squeeze3A_593 : vector<64x169xf32>
    %add3A_679 = arith.addf %add3A_677, %mul3A_678 : vector<64x169xf32>
    %mul3A_680 = arith.mulf %squeeze3A_595, %squeeze3A_595 : vector<64x169xf32>
    %add3A_681 = arith.addf %add3A_679, %mul3A_680 : vector<64x169xf32>
    %mul3A_682 = arith.mulf %select_n3A_668, %div3A_607 : vector<64x169xf32>
    %mul3A_683 = arith.mulf %mul3A_682, %div3A_607 : vector<64x169xf32>
    %add3A_684 = arith.addf %add3A_681, %mul3A_683 : vector<64x169xf32>
    %reduce_sum3A_685 = vector.shape_cast %add3A_684 : vector<64x169xf32> to vector<1x64x169xf32>
    %reduce_sum3A_686 = arith.constant dense<0.000000e+00> : vector<1xf32>
    %reduce_sum3A_687 = vector.multi_reduction <add>, %reduce_sum3A_685, %reduce_sum3A_686 [1, 2] : vector<1x64x169xf32> to vector<1xf32>
    %reduce_sum3A_688 = vector.shape_cast %reduce_sum3A_687 : vector<1xf32> to vector<1x1x1xf32>
    %reduce_sum3A_689 = vector.extract %reduce_sum3A_688[0, 0, 0] : f32 from vector<1x1x1xf32>
    %add3A_690 = arith.addf %add3A_567, %reduce_sum3A_689 : f32
    %get3A_691 = arith.constant 0 : index
    %get3A_692 = arith.constant 0 : index
    %get3A_693 = vector.load %arg3[%get3A_691, %get3A_692] : memref<1x1xf32, #tpu.memory_space<vmem>>, vector<1x1xf32>
    %mul3A_694 = arith.constant 5.000000e-01 : f32
    %mul3A_695 = arith.mulf %mul3A_694, %add3A_690 : f32
    %reshape3A = vector.broadcast %mul3A_695 : f32 to vector<1x1xf32>
    %add3A_696 = arith.addf %get3A_693, %reshape3A : vector<1x1xf32>
    %swap3A = arith.constant 0 : index
    %swap3A_697 = arith.constant 0 : index
    %swap3A_698 = vector.load %arg3[%swap3A, %swap3A_697] : memref<1x1xf32, #tpu.memory_space<vmem>>, vector<1x1xf32>
    tpu.vector_store %arg3[%swap3A, %swap3A_697], %add3A_696 {strides = array<i32>} : memref<1x1xf32, #tpu.memory_space<vmem>>, vector<1x1xf32>,
    return
  }
  func.func @transform_0(%arg0: i32) -> (i32, i32, i32) {
    %c0_i32 = arith.constant 0 : i32
    %c0_i32_0 = arith.constant 0 : i32
    %c0_i32_1 = arith.constant 0 : i32
    return %arg0, %c0_i32, %c0_i32_0 : i32, i32, i32
  }
  func.func @transform_1(%arg0: i32) -> (i32, i32) {
    %c0_i32 = arith.constant 0 : i32
    %c0_i32_0 = arith.constant 0 : i32
    return %arg0, %c0_i32 : i32, i32
  }
  func.func @transform_2(%arg0: i32) -> (i32, i32) {
    %c0_i32 = arith.constant 0 : i32
    %c0_i32_0 = arith.constant 0 : i32
    %c0_i32_1 = arith.constant 0 : i32
    return %c0_i32, %c0_i32_0 : i32, i32
  }
}

module attributes {stable_mosaic.version = 14 : i64} {
  func.func @_corr_body(%arg0: memref<256x71xf32, #tpu.memory_space<vmem>>, %arg1: memref<256x4xf32, #tpu.memory_space<vmem>>, %arg2: memref<256x1xi32, #tpu.memory_space<vmem>>, %arg3: memref<256x1xi32, #tpu.memory_space<vmem>>, %arg4: memref<1x1xf32, #tpu.memory_space<vmem>>) attributes {dimension_semantics = [], scalar_prefetch = 0 : i64, scratch_operands = 0 : i64, tpu.core_type = #tpu.core_type<tc>} {
    %get3A = arith.constant 0 : index
    %get3A_0 = arith.constant 0 : index
    %get3A_1 = vector.load %arg0[%get3A, %get3A_0] : memref<256x71xf32, #tpu.memory_space<vmem>>, vector<256x71xf32>
    %get3A_2 = arith.constant 0 : index
    %get3A_3 = arith.constant 0 : index
    %get3A_4 = vector.load %arg1[%get3A_2, %get3A_3] : memref<256x4xf32, #tpu.memory_space<vmem>>, vector<256x4xf32>
    %get3A_5 = arith.constant 0 : index
    %get3A_6 = arith.constant 0 : index
    %get3A_7 = vector.load %arg2[%get3A_5, %get3A_6] : memref<256x1xi32, #tpu.memory_space<vmem>>, vector<256x1xi32>
    %get3A_8 = arith.constant 0 : index
    %get3A_9 = arith.constant 0 : index
    %get3A_10 = vector.load %arg3[%get3A_8, %get3A_9] : memref<256x1xi32, #tpu.memory_space<vmem>>, vector<256x1xi32>
    %slice3A = vector.extract_strided_slice %get3A_4 {offsets = [0, 0], sizes = [256, 1], strides = [1, 1]} : vector<256x4xf32> to vector<256x1xf32>
    %mul3A = arith.constant 1.300000e+01 : f32
    %mul3A_11 = vector.broadcast %mul3A : f32 to vector<256x1xf32>
    %mul3A_12 = arith.mulf %slice3A, %mul3A_11 : vector<256x1xf32>
    %slice3A_13 = vector.extract_strided_slice %get3A_4 {offsets = [0, 1], sizes = [256, 1], strides = [1, 1]} : vector<256x4xf32> to vector<256x1xf32>
    %mul3A_14 = arith.constant 1.300000e+01 : f32
    %mul3A_15 = vector.broadcast %mul3A_14 : f32 to vector<256x1xf32>
    %mul3A_16 = arith.mulf %slice3A_13, %mul3A_15 : vector<256x1xf32>
    %slice3A_17 = vector.extract_strided_slice %get3A_4 {offsets = [0, 2], sizes = [256, 1], strides = [1, 1]} : vector<256x4xf32> to vector<256x1xf32>
    %mul3A_18 = arith.constant 1.300000e+01 : f32
    %mul3A_19 = vector.broadcast %mul3A_18 : f32 to vector<256x1xf32>
    %mul3A_20 = arith.mulf %slice3A_17, %mul3A_19 : vector<256x1xf32>
    %slice3A_21 = vector.extract_strided_slice %get3A_4 {offsets = [0, 3], sizes = [256, 1], strides = [1, 1]} : vector<256x4xf32> to vector<256x1xf32>
    %mul3A_22 = arith.constant 1.300000e+01 : f32
    %mul3A_23 = vector.broadcast %mul3A_22 : f32 to vector<256x1xf32>
    %mul3A_24 = arith.mulf %slice3A_21, %mul3A_23 : vector<256x1xf32>
    %convert_element_type3A = arith.fptosi %mul3A_12 : vector<256x1xf32> to vector<256x1xi32>
    %jit3A = arith.constant 0 : i32
    %jit3A_25 = arith.constant 12 : i32
    %max3A = vector.broadcast %jit3A : i32 to vector<256x1xi32>
    %max3A_26 = arith.maxsi %max3A, %convert_element_type3A : vector<256x1xi32>
    %min3A = vector.broadcast %jit3A_25 : i32 to vector<256x1xi32>
    %min3A_27 = arith.minsi %min3A, %max3A_26 : vector<256x1xi32>
    %convert_element_type3A_28 = arith.fptosi %mul3A_16 : vector<256x1xf32> to vector<256x1xi32>
    %jit3A_29 = arith.constant 0 : i32
    %jit3A_30 = arith.constant 12 : i32
    %max3A_31 = vector.broadcast %jit3A_29 : i32 to vector<256x1xi32>
    %max3A_32 = arith.maxsi %max3A_31, %convert_element_type3A_28 : vector<256x1xi32>
    %min3A_33 = vector.broadcast %jit3A_30 : i32 to vector<256x1xi32>
    %min3A_34 = arith.minsi %min3A_33, %max3A_32 : vector<256x1xi32>
    %convert_element_type3A_35 = arith.sitofp %min3A_27 : vector<256x1xi32> to vector<256x1xf32>
    %convert_element_type3A_36 = arith.sitofp %min3A_34 : vector<256x1xi32> to vector<256x1xf32>
    %broadcast_in_dim3A = arith.constant -1.000000e+00 : f32
    %broadcast_in_dim3A_37 = vector.broadcast %broadcast_in_dim3A : f32 to vector<256x1xf32>
    %broadcast_in_dim3A_38 = arith.constant 0.000000e+00 : f32
    %broadcast_in_dim3A_39 = vector.broadcast %broadcast_in_dim3A_38 : f32 to vector<256x1xf32>
    %broadcast_in_dim3A_40 = arith.constant 0.000000e+00 : f32
    %broadcast_in_dim3A_41 = vector.broadcast %broadcast_in_dim3A_40 : f32 to vector<256x1xf32>
    %min3A_42 = arith.constant 1.322100e+00 : f32
    %min3A_43 = vector.broadcast %min3A_42 : f32 to vector<256x1xf32>
    %min3A_44 = arith.minimumf %mul3A_20, %min3A_43 : vector<256x1xf32>
    %min3A_45 = arith.constant 1.731450e+00 : f32
    %min3A_46 = vector.broadcast %min3A_45 : f32 to vector<256x1xf32>
    %min3A_47 = arith.minimumf %mul3A_24, %min3A_46 : vector<256x1xf32>
    %mul3A_48 = arith.mulf %min3A_44, %min3A_47 : vector<256x1xf32>
    %mul3A_49 = arith.mulf %mul3A_20, %mul3A_24 : vector<256x1xf32>
    %add3A = arith.constant 2.289150e+00 : f32
    %add3A_50 = vector.broadcast %add3A : f32 to vector<256x1xf32>
    %add3A_51 = arith.addf %mul3A_49, %add3A_50 : vector<256x1xf32>
    %sub3A = arith.subf %add3A_51, %mul3A_48 : vector<256x1xf32>
    %max3A_52 = arith.constant 1.000000e-10 : f32
    %max3A_53 = vector.broadcast %max3A_52 : f32 to vector<256x1xf32>
    %max3A_54 = arith.maximumf %sub3A, %max3A_53 : vector<256x1xf32>
    %div3A = arith.divf %mul3A_48, %max3A_54 : vector<256x1xf32>
    %gt3A = arith.cmpf ogt, %div3A, %broadcast_in_dim3A_37 : vector<256x1xf32>
    %select_n3A = arith.select %gt3A, %div3A, %broadcast_in_dim3A_37 : vector<256x1xi1>, vector<256x1xf32>
    %jit3A_55 = arith.constant 1.322100e+00 : f32
    %broadcast_in_dim3A_56 = vector.broadcast %jit3A_55 : f32 to vector<256x1xf32>
    %select_n3A_57 = arith.select %gt3A, %broadcast_in_dim3A_56, %broadcast_in_dim3A_39 : vector<256x1xi1>, vector<256x1xf32>
    %jit3A_58 = arith.constant 1.731450e+00 : f32
    %broadcast_in_dim3A_59 = vector.broadcast %jit3A_58 : f32 to vector<256x1xf32>
    %select_n3A_60 = arith.select %gt3A, %broadcast_in_dim3A_59, %broadcast_in_dim3A_41 : vector<256x1xi1>, vector<256x1xf32>
    %min3A_61 = arith.constant 3.192750e+00 : f32
    %min3A_62 = vector.broadcast %min3A_61 : f32 to vector<256x1xf32>
    %min3A_63 = arith.minimumf %mul3A_20, %min3A_62 : vector<256x1xf32>
    %min3A_64 = arith.constant 4.009440e+00 : f32
    %min3A_65 = vector.broadcast %min3A_64 : f32 to vector<256x1xf32>
    %min3A_66 = arith.minimumf %mul3A_24, %min3A_65 : vector<256x1xf32>
    %mul3A_67 = arith.mulf %min3A_63, %min3A_66 : vector<256x1xf32>
    %mul3A_68 = arith.mulf %mul3A_20, %mul3A_24 : vector<256x1xf32>
    %add3A_69 = arith.constant 12.8011398 : f32
    %add3A_70 = vector.broadcast %add3A_69 : f32 to vector<256x1xf32>
    %add3A_71 = arith.addf %mul3A_68, %add3A_70 : vector<256x1xf32>
    %sub3A_72 = arith.subf %add3A_71, %mul3A_67 : vector<256x1xf32>
    %max3A_73 = arith.constant 1.000000e-10 : f32
    %max3A_74 = vector.broadcast %max3A_73 : f32 to vector<256x1xf32>
    %max3A_75 = arith.maximumf %sub3A_72, %max3A_74 : vector<256x1xf32>
    %div3A_76 = arith.divf %mul3A_67, %max3A_75 : vector<256x1xf32>
    %gt3A_77 = arith.cmpf ogt, %div3A_76, %select_n3A : vector<256x1xf32>
    %select_n3A_78 = arith.select %gt3A_77, %div3A_76, %select_n3A : vector<256x1xi1>, vector<256x1xf32>
    %jit3A_79 = arith.constant 3.192750e+00 : f32
    %broadcast_in_dim3A_80 = vector.broadcast %jit3A_79 : f32 to vector<256x1xf32>
    %select_n3A_81 = arith.select %gt3A_77, %broadcast_in_dim3A_80, %select_n3A_57 : vector<256x1xi1>, vector<256x1xf32>
    %jit3A_82 = arith.constant 4.009440e+00 : f32
    %broadcast_in_dim3A_83 = vector.broadcast %jit3A_82 : f32 to vector<256x1xf32>
    %select_n3A_84 = arith.select %gt3A_77, %broadcast_in_dim3A_83, %select_n3A_60 : vector<256x1xi1>, vector<256x1xf32>
    %min3A_85 = arith.constant 5.055870e+00 : f32
    %min3A_86 = vector.broadcast %min3A_85 : f32 to vector<256x1xf32>
    %min3A_87 = arith.minimumf %mul3A_20, %min3A_86 : vector<256x1xf32>
    %min3A_88 = arith.constant 8.09891986 : f32
    %min3A_89 = vector.broadcast %min3A_88 : f32 to vector<256x1xf32>
    %min3A_90 = arith.minimumf %mul3A_24, %min3A_89 : vector<256x1xf32>
    %mul3A_91 = arith.mulf %min3A_87, %min3A_90 : vector<256x1xf32>
    %mul3A_92 = arith.mulf %mul3A_20, %mul3A_24 : vector<256x1xf32>
    %add3A_93 = arith.constant 40.9470863 : f32
    %add3A_94 = vector.broadcast %add3A_93 : f32 to vector<256x1xf32>
    %add3A_95 = arith.addf %mul3A_92, %add3A_94 : vector<256x1xf32>
    %sub3A_96 = arith.subf %add3A_95, %mul3A_91 : vector<256x1xf32>
    %max3A_97 = arith.constant 1.000000e-10 : f32
    %max3A_98 = vector.broadcast %max3A_97 : f32 to vector<256x1xf32>
    %max3A_99 = arith.maximumf %sub3A_96, %max3A_98 : vector<256x1xf32>
    %div3A_100 = arith.divf %mul3A_91, %max3A_99 : vector<256x1xf32>
    %gt3A_101 = arith.cmpf ogt, %div3A_100, %select_n3A_78 : vector<256x1xf32>
    %select_n3A_102 = arith.select %gt3A_101, %div3A_100, %select_n3A_78 : vector<256x1xi1>, vector<256x1xf32>
    %jit3A_103 = arith.constant 5.055870e+00 : f32
    %broadcast_in_dim3A_104 = vector.broadcast %jit3A_103 : f32 to vector<256x1xf32>
    %select_n3A_105 = arith.select %gt3A_101, %broadcast_in_dim3A_104, %select_n3A_81 : vector<256x1xi1>, vector<256x1xf32>
    %jit3A_106 = arith.constant 8.09891986 : f32
    %broadcast_in_dim3A_107 = vector.broadcast %jit3A_106 : f32 to vector<256x1xf32>
    %select_n3A_108 = arith.select %gt3A_101, %broadcast_in_dim3A_107, %select_n3A_84 : vector<256x1xi1>, vector<256x1xf32>
    %min3A_109 = arith.constant 9.47111988 : f32
    %min3A_110 = vector.broadcast %min3A_109 : f32 to vector<256x1xf32>
    %min3A_111 = arith.minimumf %mul3A_20, %min3A_110 : vector<256x1xf32>
    %min3A_112 = arith.constant 4.840530e+00 : f32
    %min3A_113 = vector.broadcast %min3A_112 : f32 to vector<256x1xf32>
    %min3A_114 = arith.minimumf %mul3A_24, %min3A_113 : vector<256x1xf32>
    %mul3A_115 = arith.mulf %min3A_111, %min3A_114 : vector<256x1xf32>
    %mul3A_116 = arith.mulf %mul3A_20, %mul3A_24 : vector<256x1xf32>
    %add3A_117 = arith.constant 45.8452415 : f32
    %add3A_118 = vector.broadcast %add3A_117 : f32 to vector<256x1xf32>
    %add3A_119 = arith.addf %mul3A_116, %add3A_118 : vector<256x1xf32>
    %sub3A_120 = arith.subf %add3A_119, %mul3A_115 : vector<256x1xf32>
    %max3A_121 = arith.constant 1.000000e-10 : f32
    %max3A_122 = vector.broadcast %max3A_121 : f32 to vector<256x1xf32>
    %max3A_123 = arith.maximumf %sub3A_120, %max3A_122 : vector<256x1xf32>
    %div3A_124 = arith.divf %mul3A_115, %max3A_123 : vector<256x1xf32>
    %gt3A_125 = arith.cmpf ogt, %div3A_124, %select_n3A_102 : vector<256x1xf32>
    %select_n3A_126 = arith.select %gt3A_125, %div3A_124, %select_n3A_102 : vector<256x1xi1>, vector<256x1xf32>
    %jit3A_127 = arith.constant 9.47111988 : f32
    %broadcast_in_dim3A_128 = vector.broadcast %jit3A_127 : f32 to vector<256x1xf32>
    %select_n3A_129 = arith.select %gt3A_125, %broadcast_in_dim3A_128, %select_n3A_105 : vector<256x1xi1>, vector<256x1xf32>
    %jit3A_130 = arith.constant 4.840530e+00 : f32
    %broadcast_in_dim3A_131 = vector.broadcast %jit3A_130 : f32 to vector<256x1xf32>
    %select_n3A_132 = arith.select %gt3A_125, %broadcast_in_dim3A_131, %select_n3A_108 : vector<256x1xi1>, vector<256x1xf32>
    %min3A_133 = arith.constant 1.123640e+01 : f32
    %min3A_134 = vector.broadcast %min3A_133 : f32 to vector<256x1xf32>
    %min3A_135 = arith.minimumf %mul3A_20, %min3A_134 : vector<256x1xf32>
    %min3A_136 = arith.constant 1.000710e+01 : f32
    %min3A_137 = vector.broadcast %min3A_136 : f32 to vector<256x1xf32>
    %min3A_138 = arith.minimumf %mul3A_24, %min3A_137 : vector<256x1xf32>
    %mul3A_139 = arith.mulf %min3A_135, %min3A_138 : vector<256x1xf32>
    %mul3A_140 = arith.mulf %mul3A_20, %mul3A_24 : vector<256x1xf32>
    %add3A_141 = arith.constant 112.443779 : f32
    %add3A_142 = vector.broadcast %add3A_141 : f32 to vector<256x1xf32>
    %add3A_143 = arith.addf %mul3A_140, %add3A_142 : vector<256x1xf32>
    %sub3A_144 = arith.subf %add3A_143, %mul3A_139 : vector<256x1xf32>
    %max3A_145 = arith.constant 1.000000e-10 : f32
    %max3A_146 = vector.broadcast %max3A_145 : f32 to vector<256x1xf32>
    %max3A_147 = arith.maximumf %sub3A_144, %max3A_146 : vector<256x1xf32>
    %div3A_148 = arith.divf %mul3A_139, %max3A_147 : vector<256x1xf32>
    %gt3A_149 = arith.cmpf ogt, %div3A_148, %select_n3A_126 : vector<256x1xf32>
    %jit3A_150 = arith.constant 1.123640e+01 : f32
    %broadcast_in_dim3A_151 = vector.broadcast %jit3A_150 : f32 to vector<256x1xf32>
    %select_n3A_152 = arith.select %gt3A_149, %broadcast_in_dim3A_151, %select_n3A_129 : vector<256x1xi1>, vector<256x1xf32>
    %jit3A_153 = arith.constant 1.000710e+01 : f32
    %broadcast_in_dim3A_154 = vector.broadcast %jit3A_153 : f32 to vector<256x1xf32>
    %select_n3A_155 = arith.select %gt3A_149, %broadcast_in_dim3A_154, %select_n3A_132 : vector<256x1xi1>, vector<256x1xf32>
    %slice3A_156 = vector.extract_strided_slice %get3A_1 {offsets = [0, 0], sizes = [256, 1], strides = [1, 1]} : vector<256x71xf32> to vector<256x1xf32>
    %slice3A_157 = vector.extract_strided_slice %get3A_1 {offsets = [0, 1], sizes = [256, 1], strides = [1, 1]} : vector<256x71xf32> to vector<256x1xf32>
    %slice3A_158 = vector.extract_strided_slice %get3A_1 {offsets = [0, 2], sizes = [256, 1], strides = [1, 1]} : vector<256x71xf32> to vector<256x1xf32>
    %slice3A_159 = vector.extract_strided_slice %get3A_1 {offsets = [0, 3], sizes = [256, 1], strides = [1, 1]} : vector<256x71xf32> to vector<256x1xf32>
    %slice3A_160 = vector.extract_strided_slice %get3A_1 {offsets = [0, 4], sizes = [256, 1], strides = [1, 1]} : vector<256x71xf32> to vector<256x1xf32>
    %neg3A = arith.constant 0.000000e+00 : f32
    %neg3A_161 = vector.broadcast %neg3A : f32 to vector<256x1xf32>
    %neg3A_162 = arith.subf %neg3A_161, %slice3A_156 : vector<256x1xf32>
    %exp3A = math.exp %neg3A_162 : vector<256x1xf32>
    %add3A_163 = arith.constant 1.000000e+00 : f32
    %add3A_164 = vector.broadcast %add3A_163 : f32 to vector<256x1xf32>
    %add3A_165 = arith.addf %add3A_164, %exp3A : vector<256x1xf32>
    %div3A_166 = arith.constant 1.000000e+00 : f32
    %div3A_167 = vector.broadcast %div3A_166 : f32 to vector<256x1xf32>
    %div3A_168 = arith.divf %div3A_167, %add3A_165 : vector<256x1xf32>
    %neg3A_169 = arith.constant 0.000000e+00 : f32
    %neg3A_170 = vector.broadcast %neg3A_169 : f32 to vector<256x1xf32>
    %neg3A_171 = arith.subf %neg3A_170, %slice3A_157 : vector<256x1xf32>
    %exp3A_172 = math.exp %neg3A_171 : vector<256x1xf32>
    %add3A_173 = arith.constant 1.000000e+00 : f32
    %add3A_174 = vector.broadcast %add3A_173 : f32 to vector<256x1xf32>
    %add3A_175 = arith.addf %add3A_174, %exp3A_172 : vector<256x1xf32>
    %div3A_176 = arith.constant 1.000000e+00 : f32
    %div3A_177 = vector.broadcast %div3A_176 : f32 to vector<256x1xf32>
    %div3A_178 = arith.divf %div3A_177, %add3A_175 : vector<256x1xf32>
    %neg3A_179 = arith.constant 0.000000e+00 : f32
    %neg3A_180 = vector.broadcast %neg3A_179 : f32 to vector<256x1xf32>
    %neg3A_181 = arith.subf %neg3A_180, %slice3A_160 : vector<256x1xf32>
    %exp3A_182 = math.exp %neg3A_181 : vector<256x1xf32>
    %add3A_183 = arith.constant 1.000000e+00 : f32
    %add3A_184 = vector.broadcast %add3A_183 : f32 to vector<256x1xf32>
    %add3A_185 = arith.addf %add3A_184, %exp3A_182 : vector<256x1xf32>
    %div3A_186 = arith.constant 1.000000e+00 : f32
    %div3A_187 = vector.broadcast %div3A_186 : f32 to vector<256x1xf32>
    %div3A_188 = arith.divf %div3A_187, %add3A_185 : vector<256x1xf32>
    %sub3A_189 = arith.subf %mul3A_12, %convert_element_type3A_35 : vector<256x1xf32>
    %sub3A_190 = arith.subf %div3A_168, %sub3A_189 : vector<256x1xf32>
    %integer_pow3A = arith.mulf %sub3A_190, %sub3A_190 : vector<256x1xf32>
    %sub3A_191 = arith.subf %mul3A_16, %convert_element_type3A_36 : vector<256x1xf32>
    %sub3A_192 = arith.subf %div3A_178, %sub3A_191 : vector<256x1xf32>
    %integer_pow3A_193 = arith.mulf %sub3A_192, %sub3A_192 : vector<256x1xf32>
    %add3A_194 = arith.addf %integer_pow3A, %integer_pow3A_193 : vector<256x1xf32>
    %div3A_195 = arith.divf %mul3A_20, %select_n3A_152 : vector<256x1xf32>
    %log3A = math.log %div3A_195 : vector<256x1xf32>
    %sub3A_196 = arith.subf %slice3A_158, %log3A : vector<256x1xf32>
    %integer_pow3A_197 = arith.mulf %sub3A_196, %sub3A_196 : vector<256x1xf32>
    %add3A_198 = arith.addf %add3A_194, %integer_pow3A_197 : vector<256x1xf32>
    %div3A_199 = arith.divf %mul3A_24, %select_n3A_155 : vector<256x1xf32>
    %log3A_200 = math.log %div3A_199 : vector<256x1xf32>
    %sub3A_201 = arith.subf %slice3A_159, %log3A_200 : vector<256x1xf32>
    %integer_pow3A_202 = arith.mulf %sub3A_201, %sub3A_201 : vector<256x1xf32>
    %add3A_203 = arith.addf %add3A_198, %integer_pow3A_202 : vector<256x1xf32>
    %sub3A_204 = arith.constant 5.000000e-01 : f32
    %sub3A_205 = vector.broadcast %sub3A_204 : f32 to vector<256x1xf32>
    %sub3A_206 = arith.subf %div3A_168, %sub3A_205 : vector<256x1xf32>
    %integer_pow3A_207 = arith.mulf %sub3A_206, %sub3A_206 : vector<256x1xf32>
    %sub3A_208 = arith.constant 5.000000e-01 : f32
    %sub3A_209 = vector.broadcast %sub3A_208 : f32 to vector<256x1xf32>
    %sub3A_210 = arith.subf %div3A_178, %sub3A_209 : vector<256x1xf32>
    %integer_pow3A_211 = arith.mulf %sub3A_210, %sub3A_210 : vector<256x1xf32>
    %add3A_212 = arith.addf %integer_pow3A_207, %integer_pow3A_211 : vector<256x1xf32>
    %mul3A_213 = arith.mulf %slice3A_158, %slice3A_158 : vector<256x1xf32>
    %add3A_214 = arith.addf %add3A_212, %mul3A_213 : vector<256x1xf32>
    %mul3A_215 = arith.mulf %slice3A_159, %slice3A_159 : vector<256x1xf32>
    %add3A_216 = arith.addf %add3A_214, %mul3A_215 : vector<256x1xf32>
    %add3A_217 = arith.addf %div3A_168, %convert_element_type3A_35 : vector<256x1xf32>
    %add3A_218 = arith.addf %div3A_178, %convert_element_type3A_36 : vector<256x1xf32>
    %exp3A_219 = math.exp %slice3A_158 : vector<256x1xf32>
    %mul3A_220 = arith.mulf %exp3A_219, %select_n3A_152 : vector<256x1xf32>
    %exp3A_221 = math.exp %slice3A_159 : vector<256x1xf32>
    %mul3A_222 = arith.mulf %exp3A_221, %select_n3A_155 : vector<256x1xf32>
    %mul3A_223 = arith.constant 5.000000e-01 : f32
    %mul3A_224 = vector.broadcast %mul3A_223 : f32 to vector<256x1xf32>
    %mul3A_225 = arith.mulf %mul3A_220, %mul3A_224 : vector<256x1xf32>
    %add3A_226 = arith.addf %add3A_217, %mul3A_225 : vector<256x1xf32>
    %mul3A_227 = arith.constant 5.000000e-01 : f32
    %mul3A_228 = vector.broadcast %mul3A_227 : f32 to vector<256x1xf32>
    %mul3A_229 = arith.mulf %mul3A_20, %mul3A_228 : vector<256x1xf32>
    %add3A_230 = arith.addf %mul3A_12, %mul3A_229 : vector<256x1xf32>
    %min3A_231 = arith.minimumf %add3A_226, %add3A_230 : vector<256x1xf32>
    %mul3A_232 = arith.constant 5.000000e-01 : f32
    %mul3A_233 = vector.broadcast %mul3A_232 : f32 to vector<256x1xf32>
    %mul3A_234 = arith.mulf %mul3A_220, %mul3A_233 : vector<256x1xf32>
    %sub3A_235 = arith.subf %add3A_217, %mul3A_234 : vector<256x1xf32>
    %mul3A_236 = arith.constant 5.000000e-01 : f32
    %mul3A_237 = vector.broadcast %mul3A_236 : f32 to vector<256x1xf32>
    %mul3A_238 = arith.mulf %mul3A_20, %mul3A_237 : vector<256x1xf32>
    %sub3A_239 = arith.subf %mul3A_12, %mul3A_238 : vector<256x1xf32>
    %max3A_240 = arith.maximumf %sub3A_235, %sub3A_239 : vector<256x1xf32>
    %sub3A_241 = arith.subf %min3A_231, %max3A_240 : vector<256x1xf32>
    %max3A_242 = arith.constant 0.000000e+00 : f32
    %max3A_243 = vector.broadcast %max3A_242 : f32 to vector<256x1xf32>
    %max3A_244 = arith.maximumf %sub3A_241, %max3A_243 : vector<256x1xf32>
    %mul3A_245 = arith.constant 5.000000e-01 : f32
    %mul3A_246 = vector.broadcast %mul3A_245 : f32 to vector<256x1xf32>
    %mul3A_247 = arith.mulf %mul3A_222, %mul3A_246 : vector<256x1xf32>
    %add3A_248 = arith.addf %add3A_218, %mul3A_247 : vector<256x1xf32>
    %mul3A_249 = arith.constant 5.000000e-01 : f32
    %mul3A_250 = vector.broadcast %mul3A_249 : f32 to vector<256x1xf32>
    %mul3A_251 = arith.mulf %mul3A_24, %mul3A_250 : vector<256x1xf32>
    %add3A_252 = arith.addf %mul3A_16, %mul3A_251 : vector<256x1xf32>
    %min3A_253 = arith.minimumf %add3A_248, %add3A_252 : vector<256x1xf32>
    %mul3A_254 = arith.constant 5.000000e-01 : f32
    %mul3A_255 = vector.broadcast %mul3A_254 : f32 to vector<256x1xf32>
    %mul3A_256 = arith.mulf %mul3A_222, %mul3A_255 : vector<256x1xf32>
    %sub3A_257 = arith.subf %add3A_218, %mul3A_256 : vector<256x1xf32>
    %mul3A_258 = arith.constant 5.000000e-01 : f32
    %mul3A_259 = vector.broadcast %mul3A_258 : f32 to vector<256x1xf32>
    %mul3A_260 = arith.mulf %mul3A_24, %mul3A_259 : vector<256x1xf32>
    %sub3A_261 = arith.subf %mul3A_16, %mul3A_260 : vector<256x1xf32>
    %max3A_262 = arith.maximumf %sub3A_257, %sub3A_261 : vector<256x1xf32>
    %sub3A_263 = arith.subf %min3A_253, %max3A_262 : vector<256x1xf32>
    %max3A_264 = arith.constant 0.000000e+00 : f32
    %max3A_265 = vector.broadcast %max3A_264 : f32 to vector<256x1xf32>
    %max3A_266 = arith.maximumf %sub3A_263, %max3A_265 : vector<256x1xf32>
    %mul3A_267 = arith.mulf %max3A_244, %max3A_266 : vector<256x1xf32>
    %mul3A_268 = arith.mulf %mul3A_220, %mul3A_222 : vector<256x1xf32>
    %mul3A_269 = arith.mulf %mul3A_20, %mul3A_24 : vector<256x1xf32>
    %add3A_270 = arith.addf %mul3A_268, %mul3A_269 : vector<256x1xf32>
    %sub3A_271 = arith.subf %add3A_270, %mul3A_267 : vector<256x1xf32>
    %max3A_272 = arith.constant 1.000000e-10 : f32
    %max3A_273 = vector.broadcast %max3A_272 : f32 to vector<256x1xf32>
    %max3A_274 = arith.maximumf %sub3A_271, %max3A_273 : vector<256x1xf32>
    %div3A_275 = arith.divf %mul3A_267, %max3A_274 : vector<256x1xf32>
    %sub3A_276 = arith.subf %div3A_188, %div3A_275 : vector<256x1xf32>
    %integer_pow3A_277 = arith.mulf %sub3A_276, %sub3A_276 : vector<256x1xf32>
    %mul3A_278 = arith.constant 5.000000e+00 : f32
    %mul3A_279 = vector.broadcast %mul3A_278 : f32 to vector<256x1xf32>
    %mul3A_280 = arith.mulf %mul3A_279, %integer_pow3A_277 : vector<256x1xf32>
    %gt3A_281 = arith.constant 6.000000e-01 : f32
    %gt3A_282 = vector.broadcast %gt3A_281 : f32 to vector<256x1xf32>
    %gt3A_283 = arith.cmpf ogt, %div3A_275, %gt3A_282 : vector<256x1xf32>
    %jit3A_284 = arith.constant 0.000000e+00 : f32
    %jit3A_285 = arith.constant 1.000000e+00 : f32
    %broadcast_in_dim3A_286 = vector.broadcast %jit3A_284 : f32 to vector<256x1xf32>
    %broadcast_in_dim3A_287 = vector.broadcast %jit3A_285 : f32 to vector<256x1xf32>
    %select_n3A_288 = arith.select %gt3A_283, %broadcast_in_dim3A_286, %broadcast_in_dim3A_287 : vector<256x1xi1>, vector<256x1xf32>
    %mul3A_289 = arith.mulf %select_n3A_288, %div3A_188 : vector<256x1xf32>
    %mul3A_290 = arith.mulf %mul3A_289, %div3A_188 : vector<256x1xf32>
    %sub3A_291 = arith.subf %mul3A_280, %mul3A_290 : vector<256x1xf32>
    %slice3A_292 = vector.extract_strided_slice %get3A_1 {offsets = [0, 5], sizes = [256, 21], strides = [1, 1]} : vector<256x71xf32> to vector<256x21xf32>
    %slice3A_293 = vector.extract_strided_slice %get3A_1 {offsets = [0, 26], sizes = [256, 45], strides = [1, 1]} : vector<256x71xf32> to vector<256x45xf32>
    %reduce_max3A = arith.constant dense<0xFF800000> : vector<256xf32>
    %reduce_max3A_294 = vector.multi_reduction <maximumf>, %slice3A_292, %reduce_max3A [1] : vector<256x21xf32> to vector<256xf32>
    %broadcast_in_dim3A_295 = vector.shape_cast %reduce_max3A_294 : vector<256xf32> to vector<256x1xf32>
    %sub3A_296 = vector.broadcast %broadcast_in_dim3A_295 : vector<256x1xf32> to vector<256x21xf32>
    %sub3A_297 = arith.subf %slice3A_292, %sub3A_296 : vector<256x21xf32>
    %exp3A_298 = math.exp %sub3A_297 : vector<256x21xf32>
    %reduce_sum3A = arith.constant dense<0.000000e+00> : vector<256xf32>
    %reduce_sum3A_299 = vector.multi_reduction <add>, %exp3A_298, %reduce_sum3A [1] : vector<256x21xf32> to vector<256xf32>
    %broadcast_in_dim3A_300 = vector.shape_cast %reduce_sum3A_299 : vector<256xf32> to vector<256x1xf32>
    %log3A_301 = math.log %broadcast_in_dim3A_300 : vector<256x1xf32>
    %add3A_302 = arith.addf %broadcast_in_dim3A_295, %log3A_301 : vector<256x1xf32>
    %iota3A = tpu.iota {dimensions = array<i32: 1>} : vector<256x21xi32>
    %eq3A = vector.broadcast %get3A_7 : vector<256x1xi32> to vector<256x21xi32>
    %eq3A_303 = arith.cmpi eq, %iota3A, %eq3A : vector<256x21xi32>
    %jit3A_304 = arith.constant 0.000000e+00 : f32
    %broadcast_in_dim3A_305 = vector.broadcast %jit3A_304 : f32 to vector<256x21xf32>
    %select_n3A_306 = arith.select %eq3A_303, %slice3A_292, %broadcast_in_dim3A_305 : vector<256x21xi1>, vector<256x21xf32>
    %reduce_sum3A_307 = arith.constant dense<0.000000e+00> : vector<256xf32>
    %reduce_sum3A_308 = vector.multi_reduction <add>, %select_n3A_306, %reduce_sum3A_307 [1] : vector<256x21xf32> to vector<256xf32>
    %broadcast_in_dim3A_309 = vector.shape_cast %reduce_sum3A_308 : vector<256xf32> to vector<256x1xf32>
    %reduce_max3A_310 = arith.constant dense<0xFF800000> : vector<256xf32>
    %reduce_max3A_311 = vector.multi_reduction <maximumf>, %slice3A_293, %reduce_max3A_310 [1] : vector<256x45xf32> to vector<256xf32>
    %broadcast_in_dim3A_312 = vector.shape_cast %reduce_max3A_311 : vector<256xf32> to vector<256x1xf32>
    %sub3A_313 = vector.broadcast %broadcast_in_dim3A_312 : vector<256x1xf32> to vector<256x45xf32>
    %sub3A_314 = arith.subf %slice3A_293, %sub3A_313 : vector<256x45xf32>
    %exp3A_315 = math.exp %sub3A_314 : vector<256x45xf32>
    %reduce_sum3A_316 = arith.constant dense<0.000000e+00> : vector<256xf32>
    %reduce_sum3A_317 = vector.multi_reduction <add>, %exp3A_315, %reduce_sum3A_316 [1] : vector<256x45xf32> to vector<256xf32>
    %broadcast_in_dim3A_318 = vector.shape_cast %reduce_sum3A_317 : vector<256xf32> to vector<256x1xf32>
    %log3A_319 = math.log %broadcast_in_dim3A_318 : vector<256x1xf32>
    %add3A_320 = arith.addf %broadcast_in_dim3A_312, %log3A_319 : vector<256x1xf32>
    %iota3A_321 = tpu.iota {dimensions = array<i32: 1>} : vector<256x45xi32>
    %eq3A_322 = vector.broadcast %get3A_10 : vector<256x1xi32> to vector<256x45xi32>
    %eq3A_323 = arith.cmpi eq, %iota3A_321, %eq3A_322 : vector<256x45xi32>
    %jit3A_324 = arith.constant 0.000000e+00 : f32
    %broadcast_in_dim3A_325 = vector.broadcast %jit3A_324 : f32 to vector<256x45xf32>
    %select_n3A_326 = arith.select %eq3A_323, %slice3A_293, %broadcast_in_dim3A_325 : vector<256x45xi1>, vector<256x45xf32>
    %reduce_sum3A_327 = arith.constant dense<0.000000e+00> : vector<256xf32>
    %reduce_sum3A_328 = vector.multi_reduction <add>, %select_n3A_326, %reduce_sum3A_327 [1] : vector<256x45xf32> to vector<256xf32>
    %broadcast_in_dim3A_329 = vector.shape_cast %reduce_sum3A_328 : vector<256xf32> to vector<256x1xf32>
    %sub3A_330 = arith.subf %add3A_203, %add3A_216 : vector<256x1xf32>
    %add3A_331 = arith.addf %sub3A_330, %sub3A_291 : vector<256x1xf32>
    %mul3A_332 = arith.constant 5.000000e-01 : f32
    %mul3A_333 = vector.broadcast %mul3A_332 : f32 to vector<256x1xf32>
    %mul3A_334 = arith.mulf %mul3A_333, %add3A_331 : vector<256x1xf32>
    %sub3A_335 = arith.subf %broadcast_in_dim3A_309, %add3A_302 : vector<256x1xf32>
    %sub3A_336 = arith.subf %mul3A_334, %sub3A_335 : vector<256x1xf32>
    %sub3A_337 = arith.subf %broadcast_in_dim3A_329, %add3A_320 : vector<256x1xf32>
    %sub3A_338 = arith.subf %sub3A_336, %sub3A_337 : vector<256x1xf32>
    %reduce_sum3A_339 = vector.shape_cast %sub3A_338 : vector<256x1xf32> to vector<1x256x1xf32>
    %reduce_sum3A_340 = arith.constant dense<0.000000e+00> : vector<1xf32>
    %reduce_sum3A_341 = vector.multi_reduction <add>, %reduce_sum3A_339, %reduce_sum3A_340 [1, 2] : vector<1x256x1xf32> to vector<1xf32>
    %reduce_sum3A_342 = vector.shape_cast %reduce_sum3A_341 : vector<1xf32> to vector<1x1x1xf32>
    %reduce_sum3A_343 = vector.extract %reduce_sum3A_342[0, 0, 0] : f32 from vector<1x1x1xf32>
    %reshape3A = vector.broadcast %reduce_sum3A_343 : f32 to vector<1x1xf32>
    %swap3A = arith.constant 0 : index
    %swap3A_344 = arith.constant 0 : index
    %swap3A_345 = vector.load %arg4[%swap3A, %swap3A_344] : memref<1x1xf32, #tpu.memory_space<vmem>>, vector<1x1xf32>
    tpu.vector_store %arg4[%swap3A, %swap3A_344], %reshape3A {strides = array<i32>} : memref<1x1xf32, #tpu.memory_space<vmem>>, vector<1x1xf32>,
    return
  }
}

</mosaic_0001>

<sc_bundles>
// kernel: kernel.5.cloned.1.call-start
scs
__scs_entry_jumppad:
0x0: {  	(pc) =	sbr.rel $0x88, $3  }
0x1: {  	(tag) =	ssettag $0x0;
	lr =	simm.s32 $0x1  }
0x2: {  	[smem:$0x3F9D] =	sst lr;
	_ =	strace $0xD0000000  }
0x3: {  	_ = 	snop  }
0x4: {  	_ = 	snop  }
0x5: {  	_ = 	snop  }
0x6: {  	_ = 	snop  }
0x7: {  	_ = 	snop  }
__scs_overlays_trampoline_lowered:
0x8: {  	[smem:$0x3FAC] =	sst s0  }
0x9: {  	[smem:$0x3FAD] =	sst s1  }
0xa: {  	[smem:$0x3FAE] =	sst s2  }
0xb: {  	[smem:$0x3FAF] =	sst s3  }
0xc: {  	[smem:$0x3FB0] =	sst s4  }
0xd: {  	[smem:$0x3FB1] =	sst s5  }
0xe: {  	[smem:$0x3FB2] =	sst s6  }
0xf: {  	[smem:$0x3FB3] =	sst s7  }
0x10: {  	[smem:$0x3FB4] =	sst s8  }
0x11: {  	[smem:$0x3FB5] =	sst s9;
	s0 =	simm.s32 @!p0 $0x0  }
0x12: {  	s1 =	sld [smem:$0x3F9B];
	s0 =	simm.s32 @p0 $0x1  }
0x13: {  	[smem:$0x3FB6] =	sst s0;
	s0 =	simm.s32 @!p1 $0x0  }
0x14: {  	s2 =	sld [smem:$0x3F9A];
	s0 =	simm.s32 @p1 $0x1  }
0x15: {  	[smem:$0x3FB7] =	sst s0;
	s0 =	simm.s32 @!p2 $0x0  }
0x16: {  	s3 =	sld [smem:$0x3FDB];
	s0 =	simm.s32 @p2 $0x1  }
0x17: {  	s4 =	simm.s32 $0x1BF5;
	[smem:$0x3FB9] =	sst s0  }
0x18: {  	s0 =	sld [smem:$0x3F9C];
	_ =	swait.ge [sflag:s4], $0x0  }
0x19: {  	s7 =	sld [smem:$0x3F9D]  }
0x1a: {  	s8 =	sadd.s32 $0xFFFFE003, lr  }
0x1b: {  	s9 =	sadd.s32 $0xFFFFFEF7, lr;
	s5 =	simm.s32 $0xFFFFFFFF;
	p2 =	slt.u32 s8, $0xFFFFF086  }
0x1c: {  	p1 =	slt.u32 s9, $0xF7A;
	s5 =	simm.s32 @!p2 $0x0  }
0x1d: {  	s5 =	simm.s32 @p1 $0x1;
	p0 =	seq.s32 s7, s2  }
0x1e: {  	s7 =	smul.u32 @!p0 $0xF7A, s2;
	p2 =	seq.s32 @!p0 s5, $0x0  }
0x1f: {  	s9 =	smul.u32 $0xF7A, s1;
	s8 =	simm.s32 @!p0 $0x1BF5;
	p2 =	por !p2, p0  }
0x20: {  	[sflag:s8] =	ssyncset.s32 @!p0 $0xFFFFF086;
	s6 =	sadd.s32 @!p0 s3, s7;
	s7 =	simm.s32 @!p0 $0x108  }
0x21: {  	s3 =	sadd.s32 s3, s9;
	s6 =	sadd.s32 @!p0 $0x88, s6;
	s7 =	simm.s32 @p2 $0x1082  }
0x22: {  	[simem:s7], [sflag:s8] =	dma.local @!p0 [hbm:s6], $0xF7A  }
0x23: {  	s9 =	sor.u32 $0xD0000000, s2;
	s6 =	simm.s32 $0x108;
	_ =	swait.ge @!p0 [sflag:s8], $0x0  }
0x24: {  	s3 =	sadd.s32 $0x88, s3;
	s6 =	simm.s32 @!p1 $0x1082;
	[sflag:s4] =	ssyncset.s32 $0xFFFFF086  }
0x25: {  	[simem:s6], [sflag:s4] =	dma.local [hbm:s3], $0xF7A  }
0x26: {  	[smem:$0x3F9D] =	sst s1;
	(tag) =	ssettag s2;
	_ =	strace s9  }
0x27: {  	s1 =	sld [smem:$0x3FAD]  }
0x28: {  	s2 =	sld [smem:$0x3FAE]  }
0x29: {  	s4 =	sld [smem:$0x3FB0]  }
0x2a: {  	p0 =	seq.s32 s5, $0x0;
	s5 =	sld [smem:$0x3FB1]  }
0x2b: {  	s6 =	sld [smem:$0x3FB2]  }
0x2c: {  	s7 =	sld [smem:$0x3FB3]  }
0x2d: {  	s3 =	simm.s32 $0x108;
	s8 =	sld [smem:$0x3FB4]  }
0x2e: {  	s3 =	simm.s32 @!p0 $0x1082;
	s9 =	sld [smem:$0x3FB5]  }
0x2f: {  	lr =	sadd.s32 s0, s3;
	s0 =	sld [smem:$0x3FAC]  }
0x30: {  	s3 =	sld [smem:$0x3FAF]  }
0x31: {  	[smem:$0x3FB8] =	sst s10  }
0x32: {  	s10 =	sld [smem:$0x3FB6];
	_ =	sdelay $0x3  }
0x33: {  	p0 =	seq.s32 s10, $0x1;
	s10 =	sld [smem:$0x3FB8];
	_ =	sdelay $0x3  }
0x34: {  	[smem:$0x3FB8] =	sst s10  }
0x35: {  	s10 =	sld [smem:$0x3FB7];
	_ =	sdelay $0x3  }
0x36: {  	p1 =	seq.s32 s10, $0x1;
	s10 =	sld [smem:$0x3FB8];
	_ =	sdelay $0x3  }
0x37: {  	[smem:$0x3FB8] =	sst s10  }
0x38: {  	s10 =	sld [smem:$0x3FB9]  }
0x39: {  	_ = 	snop;
	(pc) =	sbr.ind lr, $3  }
0x3a: {  	_ = 	snop  }
0x3b: {  	_ = 	snop  }
0x3c: {  	p2 =	seq.s32 s10, $0x1;
	s10 =	sld [smem:$0x3FB8]  }
0x3d: {  	_ =	shalt  }
0x3e: {  	_ =	shalt  }
0x3f: {  	_ =	shalt  }
0x40: {  	_ =	shalt  }
0x41: {  	_ =	shalt  }
0x42: {  	_ =	shalt  }
0x43: {  	_ =	shalt  }
0x44: {  	_ =	shalt  }
0x45: {  	_ =	shalt  }
0x46: {  	_ =	shalt  }
0x47: {  	_ =	shalt  }
0x48: {  	_ =	shalt  }
0x49: {  	_ =	shalt  }
0x4a: {  	_ =	shalt  }
0x4b: {  	_ =	shalt  }
0x4c: {  	_ =	shalt  }
0x4d: {  	_ =	shalt  }
0x4e: {  	_ =	shalt  }
0x4f: {  	_ =	shalt  }
0x50: {  	_ =	shalt  }
0x51: {  	_ =	shalt  }
0x52: {  	_ =	shalt  }
0x53: {  	_ =	shalt  }
0x54: {  	_ =	shalt  }
0x55: {  	_ =	shalt  }
0x56: {  	_ =	shalt  }
0x57: {  	_ =	shalt  }
0x58: {  	_ =	shalt  }
0x59: {  	_ =	shalt  }
0x5a: {  	_ =	shalt  }
0x5b: {  	_ =	shalt  }
0x5c: {  	_ =	shalt  }
0x5d: {  	_ =	shalt  }
0x5e: {  	_ =	shalt  }
0x5f: {  	_ =	shalt  }
0x60: {  	_ =	shalt  }
0x61: {  	_ =	shalt  }
0x62: {  	_ =	shalt  }
0x63: {  	_ =	shalt  }
0x64: {  	_ =	shalt  }
0x65: {  	_ =	shalt  }
0x66: {  	_ =	shalt  }
0x67: {  	_ =	shalt  }
0x68: {  	_ =	shalt  }
0x69: {  	_ =	shalt  }
0x6a: {  	_ =	shalt  }
0x6b: {  	_ =	shalt  }
0x6c: {  	_ =	shalt  }
0x6d: {  	_ =	shalt  }
0x6e: {  	_ =	shalt  }
0x6f: {  	_ =	shalt  }
0x70: {  	_ =	shalt  }
0x71: {  	_ =	shalt  }
0x72: {  	_ =	shalt  }
0x73: {  	_ =	shalt  }
0x74: {  	_ =	shalt  }
0x75: {  	_ =	shalt  }
0x76: {  	_ =	shalt  }
0x77: {  	_ =	shalt  }
0x78: {  	_ =	shalt  }
0x79: {  	_ =	shalt  }
0x7a: {  	_ =	shalt  }
0x7b: {  	_ =	shalt  }
0x7c: {  	_ =	shalt  }
0x7d: {  	_ =	shalt  }
0x7e: {  	_ =	shalt  }
0x7f: {  	_ =	shalt  }
0x80: {  	_ =	shalt  }
0x81: {  	_ =	shalt  }
0x82: {  	_ =	shalt  }
0x83: {  	_ =	shalt  }
0x84: {  	_ =	shalt  }
0x85: {  	_ =	shalt  }
0x86: {  	_ =	shalt  }
0x87: {  	_ =	shalt  }
.Lfunc_end0:
.L_simem_size_0:
called_computation_lowered:
.L_overlay_start_0:
0x88: {  	s2 =	sld [smem:$0x3FD9]  }
0x89: {  	s3 =	sld [smem:$0x3FFE];
	_ =	sdelay $0x1  }
0x8a: {  	s1 =	srdreg.scid  }
0x8b: {  	s0 =	sand.u32 $0x1, s1  }
0x8c: {  	s17 =	sshll.u32 s0, $0xA;
	s2 =	sadd.s32 s3, s2  }
0x8d: {  	s2 =	sadd.s32 s2, s17  }
0x8e: {  	[smem:$0x3FC4] =	sst s2  }
0x8f: {  	_ = 	snop  }
0x90: {  	s2 =	sld [smem:$0x3FC8];
	(tm) =	ssettm $0x1  }
0x91: {  	s18 =	sld [smem:$0x3FFB];
	_ =	sdelay $0x3  }
0x92: {  	_ =	strace s18  }
0x93: {  	s3 =	sld [smem:$0x3FFC];
	_ =	sdelay $0x3  }
0x94: {  	_ =	strace s3  }
0x95: {  	s3 =	sld [smem:$0x3FFD];
	_ =	sdelay $0x3  }
0x96: {  	_ =	strace s3  }
0x97: {  	_ =	strace $0x8FFFFFFF  }
0x98: {  	s19 =	sld [smem:$0x3FDB];
	_ =	sdelay $0x1  }
0x99: {  	s4 =	simm.s32 $_scs_section_size  }
0x9a: {  	s5 =	simm.s32 $_size__tile_overlayer_lowered;
	s6 =	simm.s32 $_tile_overlayer_lowered  }
0x9b: {  	s22 =	simm.s32 $0x1BFF;
	s21 =	sshll.u32 s6, $0x1;
	s3 =	sadd.s32 s4, s19  }
0x9c: {  	s7 =	simm.s32 $0x0;
	s20 =	sshll.u32 s5, $0x1;
	s5 =	sadd.s32 s21, s3  }
0x9d: {  	[timem:s7], [sflag:s22] =	dma.local [hbm:s5], s20  }
0x9e: {  	_ =	swait.ge [sflag:s22], s20  }
0x9f: {  	s4 =	ssub.s32 $0x0, s20;
	[sflag:s22] =	ssyncset.done $0x0  }
0xa0: {  	[sflag:s22] =	ssyncadd.s32 s4;
	_ =	sdelay $0x1  }
0xa1: {  	s23 =	simm.s32 $0x1B8B  }
0xa2: {  	_ =	swait.ge [sflag:s23], $0x1  }
0xa3: {  	[sflag:s23] =	ssyncset.done $0x0  }
0xa4: {  	s25 =	simm.s32 $0x1B8E;
	s24 =	sld [smem:$0x3FFE];
	[sflag:s23] =	ssyncadd.s32 $0xFFFFFFFF  }
0xa5: {  	s26 =	simm.s32 $execute0_lowered;
	[smem:$0x3FD2] =	sst s25  }
0xa6: {  	s5 =	sshll.u32 s26, $0x1;
	_ =	strace $0x80000046;
	[dreg:$0x1] =	wrdreg $0xFFFFFFFF  }
0xa7: {  	s28 =	simm.s32 $_size_execute0_lowered;
	s3 =	sadd.s32 s3, s5;
	[dreg:$0x0] =	wrdreg $0x0  }
0xa8: {  	s5 =	sshll.u32 s28, $0x1;
	[dreg:$0x2] =	wrdreg s3  }
0xa9: {  	[dreg:$0x3] =	wrdreg s5  }
0xaa: {  	[dreg:$0x4] =	wrdreg $0xC0  }
0xab: {  	_ =	task [dreg:s7], $0x5FFFF  }
0xac: {  	[dreg:$0x1] =	wrdreg $0xFFFFFFFF  }
0xad: {  	[dreg:$0x0] =	wrdreg $0x60  }
0xae: {  	[dreg:$0x2] =	wrdreg s24  }
0xaf: {  	[dreg:$0x3] =	wrdreg s2  }
0xb0: {  	[dreg:$0x4] =	wrdreg $0x9  }
0xb1: {  	_ =	task.clear_ibuf [dreg:s7], $0x5FFFF;
	_ =	strace $0x90000046  }
0xb2: {  	s29 =	simm.s32 $0x9;
	_ =	strace $0x80000048  }
0xb3: {  	_ =	swait.ge [sflag:s29], $0x1  }
0xb4: {  	[sflag:s29] =	ssyncadd.s32 $0xFFFFFFFF  }
0xb5: {  	_ =	strace $0x90000048  }
0xb6: {  	_ =	sfence  }
0xb7: {  	s30 =	sld [smem:$0x0];
	_ =	sdelay $0x2  }
0xb8: {  	s31 =	sshll.u32 s1, $0xD;
	s1 =	sshrl.u32 s1, $0x2  }
0xb9: {  	s3 =	sand.u32 $0x4000, s31;
	s1 =	sadd.s32 s1, s30  }
0xba: {  	s0 =	sor.u32 s3, s0;
	s1 =	sshll.u32 s1, $0x11  }
0xbb: {  	s0 =	sor.u32 s1, s0  }
0xbc: {  	s0 =	sadd.s32 $0x8F2B, s0  }
0xbd: {  	[sflag:s0] =	ssyncadd.remote.s32 $0x1  }
0xbe: {  	_ =	sfence.sel $0xFFFF  }
0xbf: {  	[dreg:$0x0] =	wrdreg $0xFFFFFFFF;
	(pc) =	sbr.abs _section_cstart, $3  }
0xc0: {  	[dreg:$0x1] =	wrdreg $0xFFFFFFFF  }
0xc1: {  	_ =	task.clear_ibuf [dreg:s7], $0x2FFFF;
	_ =	strace $0x9FFFFFFF  }
0xc2: {  	(tm) =	ssettm $0x7FFFFFFF  }
0xc3: {  	_ =	shalt  }
tec
execute0_lowered:
.L_overlay_start_1:
0x0: {  	(tag) =	ssettag $0x1  }
0x1: {  	s5 =	stileid.u32  }
0x2: {  	p0 =	sgt.u32 s5, $0x7  }
.Ltmp0:
0x3: {  	_ = 	snop;
	(pc) =	sbr.rel @p0 .LBB2_4-.Ltmp0, $4  }
0x4: {  	s31 =	rddreg [dreg:$0x0]  }
0x5: {  	s3 =	rddreg [dreg:$0x1];
	s2 =	simm.s32 $0x0  }
0x6: {  	[smem:$0x7FF] =	sst s2  }
0x7: {  	s0 =	rddreg [dreg:$0x2];
	_ =	strace $0x80000047  }
0x8: {  	s1 =	srdreg.scid  }
0x9: {  	s4 =	sshll.u32 s5, $0x1;
	s1 =	sand.u32 $0x1, s1  }
0xa: {  	s0 =	sor.u32 s1, s4  }
0xb: {  	s25 =	sshll.u32 s5, $0x7;
	s10 =	sshll.u32 s0, $0x4  }
0xc: {  	s4 =	sor.u32 s25, s10  }
0xd: {  	s4 =	sand.u32 $0x270, s4  }
0xe: {  	s4 =	sshrl.u32 s4, $0x3  }
0xf: {  	s8 =	sadd.s32 s4, s3  }
0x10: {  	[dreg:$0x4] =	wrdreg s0;
	s4 =	sadd.s32 s3, s4;
	s26 =	sadd.s32 $0x10, s8  }
0x11: {  	[tilespmem:s2], [sflag:$0x2] =	stream.linear.gather [hbm4b:s4+s2], $0x10, $0x38;
	[tilespmem:$0xE80] =	vst v63  }
0x12: {  	s3 =	simm.s32 $0x2;
	[dreg:$0x3] =	wrdreg s26  }
0x13: {  	_ =	swait.ge [sflag:s3], $0x10  }
0x14: {  	[sflag:s3] =	ssyncset.done $0x0  }
0x15: {  	s5 =	simm.s32 $0x80;
	s6 =	rddreg [dreg:$0x3];
	[sflag:s3] =	ssyncadd.s32 $0xFFFFFFF0  }
0x16: {  	[tilespmem:s5], [sflag:$0x2] =	stream.linear.gather [hbm4b:s6+s2], $0x10, $0x38;
	[tilespmem:$0xE80] =	vst v63  }
0x17: {  	_ =	swait.ge [sflag:s3], $0x10  }
0x18: {  	[sflag:s3] =	ssyncset.done $0x0  }
0x19: {  	s7 =	simm.s32 $0x100;
	s6 =	sadd.s32 $0x20, s8;
	[sflag:s3] =	ssyncadd.s32 $0xFFFFFFF0  }
0x1a: {  	[tilespmem:s7], [sflag:$0x2] =	stream.linear.gather [hbm4b:s6+s2], $0x10, $0x38;
	[tilespmem:$0xE80] =	vst v63  }
0x1b: {  	_ =	swait.ge [sflag:s3], $0x10  }
0x1c: {  	[sflag:s3] =	ssyncset.done $0x0  }
0x1d: {  	s9 =	simm.s32 $0x180;
	s8 =	sadd.s32 $0x30, s8;
	[sflag:s3] =	ssyncadd.s32 $0xFFFFFFF0  }
0x1e: {  	[tilespmem:s9], [sflag:$0x2] =	stream.linear.gather [hbm4b:s8+s2], $0x10, $0x38;
	[tilespmem:$0xE80] =	vst v63  }
0x1f: {  	_ =	swait.ge [sflag:s3], $0x10  }
0x20: {  	[sflag:s3] =	ssyncset.done $0x0  }
0x21: {  	[sflag:s3] =	ssyncadd.s32 $0xFFFFFFF0  }
0x22: {  	v0 =	vld [tilespmem:$0x100]  }
0x23: {  	v1 =	vld [tilespmem:$0x180];
	_ =	sdelay $0x3  }
0x24: {  	v0 =	vmul.f32 $1.300000000e+01, v0  }
0x25: {  	v1 =	vmul.f32 $1.300000000e+01, v1  }
0x26: {  	v2 =	vmin.f32 v0, $1.322100040e+00  }
0x27: {  	v3 =	vmin.f32 v0, $5.055870060e+00;
	v4 =	vmin.f32 v1, $1.731449960e+00;
	v5 =	vmul.f32 v1, v0  }
0x28: {  	v6 =	vmin.f32 v0, $1.123639970e+01;
	v7 =	vmin.f32 v1, $1.000710010e+01;
	v9 =	vmin.f32 v0, $3.192749980e+00  }
0x29: {  	v0 =	vmin.f32 v0, $9.471119880e+00;
	v10 =	vmin.f32 v1, $8.098919860e+00;
	v2 =	vmul.f32 v4, v2  }
0x2a: {  	v4 =	vmin.f32 v1, $4.009439950e+00;
	v3 =	vmul.f32 v10, v3;
	v8 =	vadd.f32 $2.289150000e+00, v5  }
0x2b: {  	v1 =	vmin.f32 v1, $4.840529920e+00;
	v4 =	vmul.f32 v4, v9;
	v9 =	vadd.f32 $4.094708630e+01, v5  }
0x2c: {  	v6 =	vmul.f32 v7, v6;
	v11 =	vadd.f32 $1.280113980e+01, v5;
	v8 =	vsub.f32 v8, v2  }
0x2d: {  	v10 =	vadd.f32 $4.584524150e+01, v5;
	v0 =	vmul.f32 v1, v0;
	v9 =	vsub.f32 v9, v3  }
0x2e: {  	v5 =	vadd.f32 $1.124437790e+02, v5;
	v7 =	vsub.f32 v11, v4;
	v1 =	vmax.f32 v8, $1.000000010e-10  }
0x2f: {  	v8 =	vsub.f32 v10, v0;
	(erf) = vrcp.f32 v1;
	v1 =	vmax.f32 v9, $1.000000010e-10  }
0x30: {  	v5 =	vsub.f32 v5, v6;
	v7 =	vmax.f32 v7, $1.000000010e-10;
	(erf) = vrcp.f32 v1  }
0x31: {  	v1 =	vmax.f32 v8, $1.000000010e-10;
	(erf) = vrcp.f32 v7  }
0x32: {  	v5 =	vmax.f32 v5, $1.000000010e-10;
	(erf) = vrcp.f32 v1;
	v1 =	vmov s10  }
0x33: {  	(erf) = vrcp.f32 v5;
	v5 =	vld [tilespmem:$0x80];
	v1 =	vmul.u32 $0xEA5B, v1  }
0x34: {  	v7 =	vld [tilespmem:$0x0]  }
0x35: {  	v1 =	vbroadcast v1, $0x0  }
0x36: {  	v14 =	vlaneseq.u32  }
0x37: {  	v8 =	vmul.u32 $0xEA5B, v14  }
0x38: {  	v5 =	vmul.f32 $1.300000000e+01, v5  }
0x39: {  	v10 =	vmul.u32 $0x47, v14;
	v7 =	vmul.f32 $1.300000000e+01, v7;
	v9 =	vadd.s32 v8, v1;
	v1 =	vpop (erf)  }
0x3a: {  	v1 =	vmul.f32 v1, v2;
	v2 =	vpop (erf);
	v5 =	vtrunc.f32 v5  }
0x3b: {  	v11 =	vimm.s32 $0x0;
	v12 =	vadd.s32 $0x1, v10;
	v8 =	vpop (erf);
	v5 =	vcvt.f32.s32 v5  }
0x3c: {  	v7 =	vtrunc.f32 v7;
	vm0 =	vgt.f32 v1, $-1.000000000e+00;
	v4 =	vmul.f32 v8, v4;
	v8 =	vpop (erf)  }
0x3d: {  	v2 =	vmul.f32 v2, v3;
	v1 =	vnsel vm0, $0xBF800000, v1;
	v3 =	vpop (erf);
	vm1 =	vgt.s32 v5, $0x0  }
0x3e: {  	v0 =	vmul.f32 v8, v0;
	vm0 =	vgt.f32 v4, v1;
	v3 =	vmul.f32 v3, v6  }
0x3f: {  	v5 =	vnsel vm1, $0x0, v5;
	v6 =	vadd.s32 $0x7, v10;
	v1 =	vsel vm0, v4, v1  }
0x40: {  	v4 =	vcvt.f32.s32 v7;
	v5 =	vmin.u32 v5, $0xC;
	vm13 =	vgt.f32 v2, v1  }
0x41: {  	v7 =	vadd.s32 $0x8, v10;
	v5 =	vmul.u32 $0xD, v5;
	v1 =	vsel vm13, v2, v1  }
0x42: {  	[tilespmem:$0x1FEB0] =	vst v9;
	v2 =	vsel vm0, $0x2EDF, v11;
	vm14 =	vgt.s32 v4, $0x0;
	vm2 =	vgt.f32 v0, v1  }
0x43: {  	[tilespmem:$0x1FF20] =	vst v6;
	v4 =	vnsel vm14, $0x0, v4;
	v0 =	vsel vm2, v0, v1;
	v1 =	vsel vm13, $0x5DBE, v2  }
0x44: {  	[tilespmem:$0x1FF30] =	vst v7;
	v2 =	vmin.u32 v4, $0xC;
	v4 =	vadd.s32 $0x5, v10;
	vm15 =	vgt.f32 v3, v0  }
0x45: {  	v0 =	vsel vm2, $0x8C9D, v1;
	v1 =	vadd.s32 v2, v9;
	v2 =	vadd.s32 $0x3, v10;
	[tilespmem:$0x1FF00] =	vst v4  }
0x46: {  	v13 =	vadd.s32 $0x2, v10;
	v3 =	vadd.s32 $0x4, v10;
	[tilespmem:$0x1FEE0] =	vst v2  }
0x47: {  	v0 =	vsel vm15, $0xBB7C, v0;
	v1 =	vadd.s32 v5, v1;
	v5 =	vadd.s32 $0x6, v10;
	[tilespmem:$0x1FEF0] =	vst v3  }
0x48: {  	s10 =	simm.s32 $0x200;
	v15 =	vadd.s32 v0, v1;
	[tilespmem:$0x1FF10] =	vst v5  }
0x49: {  	[tilespmem:v10+s10+$0x0] =	vst.idx.msk $0xffff, v15;
	v0 =	vadd.s32 $0xA9, v15  }
0x4a: {  	v1 =	vadd.s32 $0x152, v15;
	[tilespmem:v12+s10+$0x0] =	vst.idx.msk $0xffff, v0  }
0x4b: {  	v0 =	vadd.s32 $0x1FB, v15;
	[tilespmem:v13+s10+$0x0] =	vst.idx.msk $0xffff, v1  }
0x4c: {  	v1 =	vadd.s32 $0x2A4, v15;
	[tilespmem:v2+s10+$0x0] =	vst.idx.msk $0xffff, v0  }
0x4d: {  	v2 =	vadd.s32 $0x9, v10;
	[tilespmem:v3+s10+$0x0] =	vst.idx.msk $0xffff, v1  }
0x4e: {  	v0 =	vadd.s32 $0x34D, v15;
	[tilespmem:$0x1FF40] =	vst v2  }
0x4f: {  	v3 =	vadd.s32 $0xA, v10;
	[tilespmem:v4+s10+$0x0] =	vst.idx.msk $0xffff, v0  }
0x50: {  	v1 =	vadd.s32 $0x3F6, v15;
	[tilespmem:$0x1FF50] =	vst v3  }
0x51: {  	v4 =	vadd.s32 $0xB, v10;
	[tilespmem:v5+s10+$0x0] =	vst.idx.msk $0xffff, v1  }
0x52: {  	v0 =	vadd.s32 $0x49F, v15;
	[tilespmem:$0x1FF60] =	vst v4  }
0x53: {  	v5 =	vadd.s32 $0xC, v10;
	[tilespmem:v6+s10+$0x0] =	vst.idx.msk $0xffff, v0  }
0x54: {  	v1 =	vadd.s32 $0x548, v15;
	[tilespmem:$0x1FF70] =	vst v5  }
0x55: {  	v6 =	vadd.s32 $0xD, v10;
	[tilespmem:v7+s10+$0x0] =	vst.idx.msk $0xffff, v1  }
0x56: {  	v0 =	vadd.s32 $0x5F1, v15;
	[tilespmem:$0x1FF80] =	vst v6  }
0x57: {  	v7 =	vadd.s32 $0xE, v10;
	[tilespmem:v2+s10+$0x0] =	vst.idx.msk $0xffff, v0  }
0x58: {  	v1 =	vadd.s32 $0x69A, v15;
	[tilespmem:$0x1FF90] =	vst v7  }
0x59: {  	v2 =	vadd.s32 $0xF, v10;
	[tilespmem:v3+s10+$0x0] =	vst.idx.msk $0xffff, v1  }
0x5a: {  	v0 =	vadd.s32 $0x743, v15;
	[tilespmem:$0x1FFA0] =	vst v2  }
0x5b: {  	v3 =	vadd.s32 $0x10, v10;
	[tilespmem:v4+s10+$0x0] =	vst.idx.msk $0xffff, v0  }
0x5c: {  	v1 =	vadd.s32 $0x7EC, v15;
	[tilespmem:$0x1FFB0] =	vst v3  }
0x5d: {  	v4 =	vadd.s32 $0x11, v10;
	[tilespmem:v5+s10+$0x0] =	vst.idx.msk $0xffff, v1  }
0x5e: {  	v0 =	vadd.s32 $0x895, v15;
	[tilespmem:$0x1FFC0] =	vst v4  }
0x5f: {  	v5 =	vadd.s32 $0x12, v10;
	[tilespmem:v6+s10+$0x0] =	vst.idx.msk $0xffff, v0  }
0x60: {  	v1 =	vadd.s32 $0x93E, v15;
	[tilespmem:$0x1FFD0] =	vst v5  }
0x61: {  	v6 =	vadd.s32 $0x13, v10;
	[tilespmem:v7+s10+$0x0] =	vst.idx.msk $0xffff, v1  }
0x62: {  	v0 =	vadd.s32 $0x9E7, v15;
	[tilespmem:$0x1FFE0] =	vst v6  }
0x63: {  	v7 =	vadd.s32 $0x14, v10;
	[tilespmem:v2+s10+$0x0] =	vst.idx.msk $0xffff, v0  }
0x64: {  	v1 =	vadd.s32 $0xA90, v15;
	[tilespmem:$0x1FFF0] =	vst v7  }
0x65: {  	v2 =	vadd.s32 $0x15, v10;
	v0 =	vadd.s32 $0xB39, v15;
	[tilespmem:v3+s10+$0x0] =	vst.idx.msk $0xffff, v1  }
0x66: {  	v3 =	vadd.s32 $0x16, v10;
	v1 =	vadd.s32 $0xBE2, v15;
	[tilespmem:v4+s10+$0x0] =	vst.idx.msk $0xffff, v0  }
0x67: {  	v4 =	vadd.s32 $0x17, v10;
	v0 =	vadd.s32 $0xC8B, v15;
	[tilespmem:v5+s10+$0x0] =	vst.idx.msk $0xffff, v1  }
0x68: {  	v5 =	vadd.s32 $0x18, v10;
	v1 =	vadd.s32 $0xD34, v15;
	[tilespmem:v6+s10+$0x0] =	vst.idx.msk $0xffff, v0  }
0x69: {  	v6 =	vadd.s32 $0x19, v10;
	v0 =	vadd.s32 $0xDDD, v15;
	[tilespmem:v7+s10+$0x0] =	vst.idx.msk $0xffff, v1  }
0x6a: {  	v7 =	vadd.s32 $0x1A, v10;
	v1 =	vadd.s32 $0xE86, v15;
	[tilespmem:v2+s10+$0x0] =	vst.idx.msk $0xffff, v0  }
0x6b: {  	v23 =	vmov v2;
	v2 =	vadd.s32 $0x1B, v10;
	v0 =	vadd.s32 $0xF2F, v15;
	[tilespmem:v3+s10+$0x0] =	vst.idx.msk $0xffff, v1  }
0x6c: {  	v30 =	vadd.s32 $0x1C, v10;
	v1 =	vadd.s32 $0xFD8, v15;
	[tilespmem:v4+s10+$0x0] =	vst.idx.msk $0xffff, v0  }
0x6d: {  	v31 =	vadd.s32 $0x1D, v10;
	v0 =	vadd.s32 $0x1081, v15;
	[tilespmem:v5+s10+$0x0] =	vst.idx.msk $0xffff, v1  }
0x6e: {  	v32 =	vadd.s32 $0x1E, v10;
	v1 =	vadd.s32 $0x112A, v15;
	[tilespmem:v6+s10+$0x0] =	vst.idx.msk $0xffff, v0  }
0x6f: {  	v33 =	vadd.s32 $0x1F, v10;
	v0 =	vadd.s32 $0x11D3, v15;
	[tilespmem:v7+s10+$0x0] =	vst.idx.msk $0xffff, v1  }
0x70: {  	v34 =	vadd.s32 $0x20, v10;
	v1 =	vadd.s32 $0x127C, v15;
	[tilespmem:v2+s10+$0x0] =	vst.idx.msk $0xffff, v0  }
0x71: {  	v35 =	vadd.s32 $0x21, v10;
	v0 =	vadd.s32 $0x1325, v15;
	[tilespmem:v30+s10+$0x0] =	vst.idx.msk $0xffff, v1  }
0x72: {  	v36 =	vadd.s32 $0x22, v10;
	v1 =	vadd.s32 $0x13CE, v15;
	[tilespmem:v31+s10+$0x0] =	vst.idx.msk $0xffff, v0  }
0x73: {  	v37 =	vadd.s32 $0x23, v10;
	v0 =	vadd.s32 $0x1477, v15;
	[tilespmem:v32+s10+$0x0] =	vst.idx.msk $0xffff, v1  }
0x74: {  	v38 =	vadd.s32 $0x24, v10;
	v1 =	vadd.s32 $0x1520, v15;
	[tilespmem:v33+s10+$0x0] =	vst.idx.msk $0xffff, v0  }
0x75: {  	v39 =	vadd.s32 $0x25, v10;
	v0 =	vadd.s32 $0x15C9, v15;
	[tilespmem:v34+s10+$0x0] =	vst.idx.msk $0xffff, v1  }
0x76: {  	v40 =	vadd.s32 $0x26, v10;
	v1 =	vadd.s32 $0x1672, v15;
	[tilespmem:v35+s10+$0x0] =	vst.idx.msk $0xffff, v0  }
0x77: {  	v41 =	vadd.s32 $0x27, v10;
	v0 =	vadd.s32 $0x171B, v15;
	[tilespmem:v36+s10+$0x0] =	vst.idx.msk $0xffff, v1  }
0x78: {  	v42 =	vadd.s32 $0x28, v10;
	v1 =	vadd.s32 $0x17C4, v15;
	[tilespmem:v37+s10+$0x0] =	vst.idx.msk $0xffff, v0  }
0x79: {  	v43 =	vadd.s32 $0x29, v10;
	v0 =	vadd.s32 $0x186D, v15;
	[tilespmem:v38+s10+$0x0] =	vst.idx.msk $0xffff, v1  }
0x7a: {  	v44 =	vadd.s32 $0x2A, v10;
	v1 =	vadd.s32 $0x1916, v15;
	[tilespmem:v39+s10+$0x0] =	vst.idx.msk $0xffff, v0  }
0x7b: {  	v45 =	vadd.s32 $0x2B, v10;
	v0 =	vadd.s32 $0x19BF, v15;
	[tilespmem:v40+s10+$0x0] =	vst.idx.msk $0xffff, v1  }
0x7c: {  	v46 =	vadd.s32 $0x2C, v10;
	v1 =	vadd.s32 $0x1A68, v15;
	[tilespmem:v41+s10+$0x0] =	vst.idx.msk $0xffff, v0  }
0x7d: {  	v47 =	vadd.s32 $0x2D, v10;
	v0 =	vadd.s32 $0x1B11, v15;
	[tilespmem:v42+s10+$0x0] =	vst.idx.msk $0xffff, v1  }
0x7e: {  	v48 =	vadd.s32 $0x2E, v10;
	v1 =	vadd.s32 $0x1BBA, v15;
	[tilespmem:v43+s10+$0x0] =	vst.idx.msk $0xffff, v0  }
0x7f: {  	v49 =	vadd.s32 $0x2F, v10;
	v0 =	vadd.s32 $0x1C63, v15;
	[tilespmem:v44+s10+$0x0] =	vst.idx.msk $0xffff, v1  }
0x80: {  	v50 =	vadd.s32 $0x30, v10;
	v1 =	vadd.s32 $0x1D0C, v15;
	[tilespmem:v45+s10+$0x0] =	vst.idx.msk $0xffff, v0  }
0x81: {  	v51 =	vadd.s32 $0x31, v10;
	v0 =	vadd.s32 $0x1DB5, v15;
	[tilespmem:v46+s10+$0x0] =	vst.idx.msk $0xffff, v1  }
0x82: {  	v52 =	vadd.s32 $0x32, v10;
	v1 =	vadd.s32 $0x1E5E, v15;
	[tilespmem:v47+s10+$0x0] =	vst.idx.msk $0xffff, v0  }
0x83: {  	v53 =	vadd.s32 $0x33, v10;
	v0 =	vadd.s32 $0x1F07, v15;
	[tilespmem:v48+s10+$0x0] =	vst.idx.msk $0xffff, v1  }
0x84: {  	v54 =	vadd.s32 $0x34, v10;
	v1 =	vadd.s32 $0x1FB0, v15;
	[tilespmem:v49+s10+$0x0] =	vst.idx.msk $0xffff, v0  }
0x85: {  	v55 =	vadd.s32 $0x35, v10;
	v0 =	vadd.s32 $0x2059, v15;
	[tilespmem:v50+s10+$0x0] =	vst.idx.msk $0xffff, v1  }
0x86: {  	v56 =	vadd.s32 $0x36, v10;
	v1 =	vadd.s32 $0x2102, v15;
	[tilespmem:v51+s10+$0x0] =	vst.idx.msk $0xffff, v0  }
0x87: {  	v57 =	vadd.s32 $0x37, v10;
	v0 =	vadd.s32 $0x21AB, v15;
	[tilespmem:v52+s10+$0x0] =	vst.idx.msk $0xffff, v1  }
0x88: {  	v58 =	vadd.s32 $0x38, v10;
	v1 =	vadd.s32 $0x2254, v15;
	[tilespmem:v53+s10+$0x0] =	vst.idx.msk $0xffff, v0  }
0x89: {  	v59 =	vadd.s32 $0x39, v10;
	v0 =	vadd.s32 $0x22FD, v15;
	[tilespmem:v54+s10+$0x0] =	vst.idx.msk $0xffff, v1  }
0x8a: {  	v60 =	vadd.s32 $0x3A, v10;
	[tilespmem:v55+s10+$0x0] =	vst.idx.msk $0xffff, v0;
	v0 =	vadd.s32 $0x23A6, v15  }
0x8b: {  	v61 =	vadd.s32 $0x3B, v10;
	[tilespmem:v56+s10+$0x0] =	vst.idx.msk $0xffff, v0;
	v0 =	vadd.s32 $0x244F, v15  }
0x8c: {  	v62 =	vadd.s32 $0x3C, v10;
	[tilespmem:v57+s10+$0x0] =	vst.idx.msk $0xffff, v0;
	v0 =	vadd.s32 $0x24F8, v15  }
0x8d: {  	v63 =	vadd.s32 $0x3D, v10;
	[tilespmem:v58+s10+$0x0] =	vst.idx.msk $0xffff, v0;
	v0 =	vadd.s32 $0x25A1, v15  }
0x8e: {  	v1 =	vadd.s32 $0x3E, v10;
	[tilespmem:v59+s10+$0x0] =	vst.idx.msk $0xffff, v0;
	v0 =	vadd.s32 $0x264A, v15  }
0x8f: {  	v26 =	vmov v2;
	v2 =	vadd.s32 $0x3F, v10;
	[tilespmem:v60+s10+$0x0] =	vst.idx.msk $0xffff, v0;
	v0 =	vadd.s32 $0x26F3, v15  }
0x90: {  	v27 =	vmov v3;
	v3 =	vadd.s32 $0x40, v10;
	[tilespmem:v61+s10+$0x0] =	vst.idx.msk $0xffff, v0;
	v0 =	vadd.s32 $0x279C, v15  }
0x91: {  	v25 =	vmov v4;
	v4 =	vadd.s32 $0x41, v10;
	[tilespmem:v62+s10+$0x0] =	vst.idx.msk $0xffff, v0;
	v0 =	vadd.s32 $0x2845, v15  }
0x92: {  	v28 =	vmov v5;
	v5 =	vadd.s32 $0x42, v10;
	[tilespmem:v63+s10+$0x0] =	vst.idx.msk $0xffff, v0;
	v0 =	vadd.s32 $0x28EE, v15  }
0x93: {  	v24 =	vmov v6;
	v6 =	vadd.s32 $0x43, v10;
	[tilespmem:v1+s10+$0x0] =	vst.idx.msk $0xffff, v0;
	v0 =	vadd.s32 $0x2997, v15  }
0x94: {  	v29 =	vmov v7;
	v7 =	vadd.s32 $0x44, v10;
	[tilespmem:v2+s10+$0x0] =	vst.idx.msk $0xffff, v0;
	v0 =	vadd.s32 $0x2A40, v15  }
0x95: {  	v8 =	vadd.s32 $0x45, v10;
	[tilespmem:v3+s10+$0x0] =	vst.idx.msk $0xffff, v0;
	v0 =	vadd.s32 $0x2AE9, v15  }
0x96: {  	v9 =	vadd.s32 $0x2B92, v15;
	[tilespmem:v4+s10+$0x0] =	vst.idx.msk $0xffff, v0;
	v0 =	vadd.s32 $0x46, v10  }
0x97: {  	v22 =	vmov v10;
	v10 =	vadd.s32 $0x2C3B, v15;
	[tilespmem:v5+s10+$0x0] =	vst.idx.msk $0xffff, v9;
	v9 =	vor.u32 $0x470, v14  }
0x98: {  	[tilespmem:v6+s10+$0x0] =	vst.idx.msk $0xffff, v10;
	v10 =	vadd.s32 $0x2CE4, v15  }
0x99: {  	[tilespmem:v7+s10+$0x0] =	vst.idx.msk $0xffff, v10;
	v10 =	vadd.s32 $0x2D8D, v15  }
0x9a: {  	[tilespmem:v8+s10+$0x0] =	vst.idx.msk $0xffff, v10;
	v10 =	vadd.s32 $0x2E36, v15  }
0x9b: {  	[tilespmem:v0+s10+$0x0] =	vst.idx.msk $0xffff, v10  }
0x9c: {  	s12 =	sadd.s32 $0x1630A00, s31;
	s11 =	simm.s32 $0xA00;
	[tilespmem:v9+s10+$0x0] =	vst.idx.msk $0xffff, v11  }
0x9d: {  	[tilespmem:s11], [sflag:$0x1] =	stream.indirect.gather [hbm4b:s12+s5], $0x1, s10, s5, $0xb8;
	[tilespmem:$0xE80] =	vst v63  }
0x9e: {  	s13 =	simm.s32 $0x280;
	s14 =	simm.s32 $0xA80  }
0x9f: {  	[tilespmem:s14], [sflag:$0x1] =	stream.indirect.gather [hbm4b:s12+s5], $0x1, s13, s5, $0xb8;
	[tilespmem:$0xE80] =	vst v63  }
0xa0: {  	s15 =	simm.s32 $0x300;
	s16 =	simm.s32 $0xB00  }
0xa1: {  	[tilespmem:s16], [sflag:$0x1] =	stream.indirect.gather [hbm4b:s12+s5], $0x1, s15, s5, $0xb8;
	[tilespmem:$0xE80] =	vst v63  }
0xa2: {  	s17 =	simm.s32 $0x380;
	s18 =	simm.s32 $0xB80  }
0xa3: {  	[tilespmem:s18], [sflag:$0x1] =	stream.indirect.gather [hbm4b:s12+s5], $0x1, s17, s5, $0xb8;
	[tilespmem:$0xE80] =	vst v63  }
0xa4: {  	s19 =	simm.s32 $0x400;
	s20 =	simm.s32 $0xC00  }
0xa5: {  	[tilespmem:s20], [sflag:$0x1] =	stream.indirect.gather [hbm4b:s12+s5], $0x1, s19, s5, $0xb8;
	[tilespmem:$0xE80] =	vst v63  }
0xa6: {  	s21 =	simm.s32 $0x480;
	s22 =	simm.s32 $0xC80  }
0xa7: {  	[tilespmem:s22], [sflag:$0x1] =	stream.indirect.gather [hbm4b:s12+s5], $0x1, s21, s5, $0xb8;
	[tilespmem:$0xE80] =	vst v63  }
0xa8: {  	s23 =	simm.s32 $0x500;
	s24 =	simm.s32 $0xD00  }
0xa9: {  	[tilespmem:s24], [sflag:$0x1] =	stream.indirect.gather [hbm4b:s12+s5], $0x1, s23, s5, $0xb8;
	[tilespmem:$0xE80] =	vst v63  }
0xaa: {  	s25 =	simm.s32 $0x580;
	s26 =	simm.s32 $0xD80;
	[tilespmem:$0x1FEC0] =	vst v12  }
0xab: {  	[tilespmem:s26], [sflag:$0x1] =	stream.indirect.gather [hbm4b:s12+s5], $0x1, s25, s5, $0xb8;
	[tilespmem:$0xE80] =	vst v63  }
0xac: {  	s28 =	simm.s32 $0x600;
	s29 =	simm.s32 $0xE00;
	s30 =	simm.s32 $0x1;
	[tilespmem:$0x1FED0] =	vst v13  }
0xad: {  	[tilespmem:s29], [sflag:$0x1] =	stream.indirect.gather [hbm4b:s12+s5], $0x1, s28, s5, $0xb8;
	[tilespmem:$0xE80] =	vst v63  }
0xae: {  	_ =	swait.ge [sflag:s30], $0x80  }
0xaf: {  	[sflag:s30] =	ssyncset.done $0x0  }
0xb0: {  	[sflag:s30] =	ssyncadd.s32 $0xFFFFFF80  }
0xb1: {  	_ =	swait.ge [sflag:s30], $0x80  }
0xb2: {  	[sflag:s30] =	ssyncset.done $0x0  }
0xb3: {  	[sflag:s30] =	ssyncadd.s32 $0xFFFFFF80  }
0xb4: {  	_ =	swait.ge [sflag:s30], $0x80  }
0xb5: {  	[sflag:s30] =	ssyncset.done $0x0  }
0xb6: {  	[sflag:s30] =	ssyncadd.s32 $0xFFFFFF80  }
0xb7: {  	_ =	swait.ge [sflag:s30], $0x80  }
0xb8: {  	[sflag:s30] =	ssyncset.done $0x0  }
0xb9: {  	[sflag:s30] =	ssyncadd.s32 $0xFFFFFF80  }
0xba: {  	_ =	swait.ge [sflag:s30], $0x80  }
0xbb: {  	[sflag:s30] =	ssyncset.done $0x0  }
0xbc: {  	[sflag:s30] =	ssyncadd.s32 $0xFFFFFF80  }
0xbd: {  	_ =	swait.ge [sflag:s30], $0x80  }
0xbe: {  	[sflag:s30] =	ssyncset.done $0x0  }
0xbf: {  	s1 =	ssub.s32 $0x2, s1;
	[sflag:s30] =	ssyncadd.s32 $0xFFFFFF80  }
0xc0: {  	s0 =	sshrl.u32 s1, $0x1;
	_ =	swait.ge [sflag:s30], $0x80  }
0xc1: {  	s0 =	ssub.s32 s1, s0;
	[sflag:s30] =	ssyncset.done $0x0  }
0xc2: {  	s0 =	smax.u32 s0, $0x1;
	[sflag:s30] =	ssyncadd.s32 $0xFFFFFF80  }
0xc3: {  	p0 =	sne.s32 s0, $0x1;
	_ =	swait.ge [sflag:s30], $0x80  }
.Ltmp1:
0xc4: {  	[sflag:s30] =	ssyncset.done $0x0;
	s1 =	rddreg [dreg:$0x4];
	(pc) =	sbr.rel @!p0 .LBB2_3-.Ltmp1, $4  }
0xc5: {  	s1 =	smul.u32 $0x8E, s1;
	[sflag:s30] =	ssyncadd.s32 $0xFFFFFF80  }
0xc6: {  	_ =	swait.ge [sflag:s30], $0x80  }
0xc7: {  	s1 =	sadd.s32 s1, s31;
	[sflag:s30] =	ssyncset.done $0x0  }
0xc8: {  	s0 =	sadd.s32 $0xFFFFFFFF, s0;
	s31 =	sadd.s32 $0xA00, s1;
	[sflag:s30] =	ssyncadd.s32 $0xFFFFFF80  }
.LBB2_2:
0xc9: {  	[hbm4b:s31+s2] =	stream.linear.scatter [tilespmem:s11], [sflag:$0x2], $0x470, $0x38;
	[tilespmem:$0xE80] =	vst v63  }
0xca: {  	_ =	swait.ge [sflag:s3], $0x470  }
0xcb: {  	[sflag:s3] =	ssyncset.done $0x0  }
0xcc: {  	[sflag:s3] =	ssyncadd.s32 $0xFFFFFB90  }
0xcd: {  	[tilespmem:s2], [sflag:$0x2] =	stream.linear.gather [hbm4b:s4+s2], $0x10, $0x38;
	[tilespmem:$0xE80] =	vst v63  }
0xce: {  	_ =	swait.ge [sflag:s3], $0x10  }
0xcf: {  	[sflag:s3] =	ssyncset.done $0x0  }
0xd0: {  	s1 =	rddreg [dreg:$0x3];
	[sflag:s3] =	ssyncadd.s32 $0xFFFFFFF0  }
0xd1: {  	[tilespmem:s5], [sflag:$0x2] =	stream.linear.gather [hbm4b:s1+s2], $0x10, $0x38;
	[tilespmem:$0xE80] =	vst v63  }
0xd2: {  	_ =	swait.ge [sflag:s3], $0x10  }
0xd3: {  	[sflag:s3] =	ssyncset.done $0x0  }
0xd4: {  	[sflag:s3] =	ssyncadd.s32 $0xFFFFFFF0  }
0xd5: {  	[tilespmem:s7], [sflag:$0x2] =	stream.linear.gather [hbm4b:s6+s2], $0x10, $0x38;
	[tilespmem:$0xE80] =	vst v63  }
0xd6: {  	_ =	swait.ge [sflag:s3], $0x10  }
0xd7: {  	[sflag:s3] =	ssyncset.done $0x0  }
0xd8: {  	[sflag:s3] =	ssyncadd.s32 $0xFFFFFFF0  }
0xd9: {  	[tilespmem:s9], [sflag:$0x2] =	stream.linear.gather [hbm4b:s8+s2], $0x10, $0x38;
	[tilespmem:$0xE80] =	vst v63  }
0xda: {  	_ =	swait.ge [sflag:s3], $0x10  }
0xdb: {  	[sflag:s3] =	ssyncset.done $0x0  }
0xdc: {  	[sflag:s3] =	ssyncadd.s32 $0xFFFFFFF0  }
0xdd: {  	v10 =	vld [tilespmem:$0x100]  }
0xde: {  	v11 =	vld [tilespmem:$0x180];
	_ =	sdelay $0x3  }
0xdf: {  	v10 =	vmul.f32 $1.300000000e+01, v10  }
0xe0: {  	v11 =	vmul.f32 $1.300000000e+01, v11  }
0xe1: {  	v12 =	vmin.f32 v10, $1.322100040e+00;
	v13 =	vmin.f32 v10, $5.055870060e+00  }
0xe2: {  	v14 =	vmin.f32 v10, $1.123639970e+01;
	v15 =	vmin.f32 v11, $1.731449960e+00;
	v16 =	vmul.f32 v11, v10  }
0xe3: {  	v18 =	vmin.f32 v10, $9.471119880e+00;
	v10 =	vmin.f32 v10, $3.192749980e+00;
	v20 =	vmin.f32 v11, $8.098919860e+00  }
0xe4: {  	v12 =	vmul.f32 v15, v12;
	v15 =	vmin.f32 v11, $4.009439950e+00;
	v19 =	vadd.f32 $2.289150000e+00, v16  }
0xe5: {  	v13 =	vmul.f32 v20, v13;
	v10 =	vmul.f32 v15, v10;
	v15 =	vadd.f32 $4.094708630e+01, v16  }
0xe6: {  	v17 =	vmin.f32 v11, $1.000710010e+01;
	v21 =	vadd.f32 $1.280113980e+01, v16;
	v19 =	vsub.f32 v19, v12  }
0xe7: {  	v11 =	vmin.f32 v11, $4.840529920e+00;
	v14 =	vmul.f32 v17, v14;
	v15 =	vsub.f32 v15, v13  }
0xe8: {  	v11 =	vmul.f32 v11, v18;
	v17 =	vsub.f32 v21, v10;
	v18 =	vmax.f32 v19, $1.000000010e-10  }
0xe9: {  	v15 =	vmax.f32 v15, $1.000000010e-10;
	(erf) = vrcp.f32 v18  }
0xea: {  	v20 =	vadd.f32 $4.584524150e+01, v16;
	v17 =	vmax.f32 v17, $1.000000010e-10;
	(erf) = vrcp.f32 v15  }
0xeb: {  	(erf) = vrcp.f32 v17  }
0xec: {  	v16 =	vadd.f32 $1.124437790e+02, v16;
	v19 =	vsub.f32 v20, v11;
	_ =	sdelay $0x1  }
0xed: {  	v16 =	vsub.f32 v16, v14;
	v18 =	vmax.f32 v19, $1.000000010e-10  }
0xee: {  	(erf) = vrcp.f32 v18  }
0xef: {  	v19 =	vmax.f32 v16, $1.000000010e-10  }
0xf0: {  	v15 =	vld [tilespmem:$0x80];
	(erf) = vrcp.f32 v19  }
0xf1: {  	v16 =	vld [tilespmem:$0x0];
	v17 =	vpop (erf)  }
0xf2: {  	v12 =	vmul.f32 v17, v12;
	v17 =	vpop (erf)  }
0xf3: {  	v18 =	vpop (erf)  }
0xf4: {  	vm0 =	vgt.f32 v12, $-1.000000000e+00;
	v10 =	vmul.f32 v18, v10  }
0xf5: {  	v15 =	vmul.f32 $1.300000000e+01, v15;
	v12 =	vnsel vm0, $0xBF800000, v12  }
0xf6: {  	v16 =	vmul.f32 $1.300000000e+01, v16;
	v13 =	vmul.f32 v17, v13;
	vm0 =	vgt.f32 v10, v12  }
0xf7: {  	v15 =	vtrunc.f32 v15;
	v18 =	vpop (erf);
	v10 =	vsel vm0, v10, v12  }
0xf8: {  	v16 =	vtrunc.f32 v16;
	v11 =	vmul.f32 v18, v11;
	vm13 =	vgt.f32 v13, v10  }
0xf9: {  	v17 =	vpop (erf);
	v12 =	vcvt.f32.s32 v16;
	v16 =	vimm.s32 $0x0;
	v10 =	vsel vm13, v13, v10  }
0xfa: {  	v14 =	vmul.f32 v17, v14;
	v19 =	vsel vm0, $0x2EDF, v16;
	vm2 =	vgt.f32 v11, v10  }
0xfb: {  	v15 =	vcvt.f32.s32 v15;
	v10 =	vsel vm2, v11, v10;
	v11 =	vsel vm13, $0x5DBE, v19  }
0xfc: {  	vm15 =	vgt.f32 v14, v10;
	v10 =	vsel vm2, $0x8C9D, v11;
	v11 =	vld [tilespmem:$0x1FEB0]  }
0xfd: {  	vm1 =	vgt.s32 v15, $0x0;
	v18 =	vld [tilespmem:$0x1FEC0]  }
0xfe: {  	v15 =	vnsel vm1, $0x0, v15;
	vm14 =	vgt.s32 v12, $0x0;
	v19 =	vld [tilespmem:$0x1FED0]  }
0xff: {  	v15 =	vmin.u32 v15, $0xC;
	v12 =	vnsel vm14, $0x0, v12  }
0x100: {  	v15 =	vmul.u32 $0xD, v15;
	v12 =	vmin.u32 v12, $0xC  }
0x101: {  	v11 =	vadd.s32 v12, v11  }
0x102: {  	v10 =	vsel vm15, $0xBB7C, v10;
	v11 =	vadd.s32 v15, v11  }
0x103: {  	v10 =	vadd.s32 v10, v11  }
0x104: {  	[tilespmem:v22+s10+$0x0] =	vst.idx.msk $0xffff, v10;
	v11 =	vadd.s32 $0xA9, v10  }
0x105: {  	v17 =	vadd.s32 $0x152, v10;
	[tilespmem:v18+s10+$0x0] =	vst.idx.msk $0xffff, v11;
	v18 =	vld [tilespmem:$0x1FEE0]  }
0x106: {  	[tilespmem:v19+s10+$0x0] =	vst.idx.msk $0xffff, v17;
	v19 =	vld [tilespmem:$0x1FEF0];
	_ =	sdelay $0x5  }
0x107: {  	v11 =	vadd.s32 $0x1FB, v10  }
0x108: {  	v17 =	vadd.s32 $0x2A4, v10;
	[tilespmem:v18+s10+$0x0] =	vst.idx.msk $0xffff, v11;
	v18 =	vld [tilespmem:$0x1FF00]  }
0x109: {  	[tilespmem:v19+s10+$0x0] =	vst.idx.msk $0xffff, v17;
	v19 =	vld [tilespmem:$0x1FF10];
	_ =	sdelay $0x5  }
0x10a: {  	v11 =	vadd.s32 $0x34D, v10  }
0x10b: {  	v17 =	vadd.s32 $0x3F6, v10;
	[tilespmem:v18+s10+$0x0] =	vst.idx.msk $0xffff, v11;
	v18 =	vld [tilespmem:$0x1FF20]  }
0x10c: {  	[tilespmem:v19+s10+$0x0] =	vst.idx.msk $0xffff, v17;
	v19 =	vld [tilespmem:$0x1FF30];
	_ =	sdelay $0x5  }
0x10d: {  	v11 =	vadd.s32 $0x49F, v10  }
0x10e: {  	v17 =	vadd.s32 $0x548, v10;
	[tilespmem:v18+s10+$0x0] =	vst.idx.msk $0xffff, v11;
	v18 =	vld [tilespmem:$0x1FF40]  }
0x10f: {  	[tilespmem:v19+s10+$0x0] =	vst.idx.msk $0xffff, v17;
	v19 =	vld [tilespmem:$0x1FF50];
	_ =	sdelay $0x5  }
0x110: {  	v11 =	vadd.s32 $0x5F1, v10  }
0x111: {  	v17 =	vadd.s32 $0x69A, v10;
	[tilespmem:v18+s10+$0x0] =	vst.idx.msk $0xffff, v11;
	v18 =	vld [tilespmem:$0x1FF60]  }
0x112: {  	[tilespmem:v19+s10+$0x0] =	vst.idx.msk $0xffff, v17;
	v19 =	vld [tilespmem:$0x1FF70];
	_ =	sdelay $0x5  }
0x113: {  	v11 =	vadd.s32 $0x743, v10  }
0x114: {  	v17 =	vadd.s32 $0x7EC, v10;
	[tilespmem:v18+s10+$0x0] =	vst.idx.msk $0xffff, v11;
	v18 =	vld [tilespmem:$0x1FF80]  }
0x115: {  	[tilespmem:v19+s10+$0x0] =	vst.idx.msk $0xffff, v17;
	v19 =	vld [tilespmem:$0x1FF90];
	_ =	sdelay $0x5  }
0x116: {  	v11 =	vadd.s32 $0x895, v10  }
0x117: {  	v17 =	vadd.s32 $0x93E, v10;
	[tilespmem:v18+s10+$0x0] =	vst.idx.msk $0xffff, v11;
	v18 =	vld [tilespmem:$0x1FFA0]  }
0x118: {  	[tilespmem:v19+s10+$0x0] =	vst.idx.msk $0xffff, v17;
	v19 =	vld [tilespmem:$0x1FFB0];
	_ =	sdelay $0x5  }
0x119: {  	v11 =	vadd.s32 $0x9E7, v10  }
0x11a: {  	v17 =	vadd.s32 $0xA90, v10;
	[tilespmem:v18+s10+$0x0] =	vst.idx.msk $0xffff, v11;
	v18 =	vld [tilespmem:$0x1FFC0]  }
0x11b: {  	[tilespmem:v19+s10+$0x0] =	vst.idx.msk $0xffff, v17;
	v19 =	vld [tilespmem:$0x1FFD0];
	_ =	sdelay $0x5  }
0x11c: {  	v11 =	vadd.s32 $0xB39, v10  }
0x11d: {  	v17 =	vadd.s32 $0xBE2, v10;
	[tilespmem:v18+s10+$0x0] =	vst.idx.msk $0xffff, v11;
	v18 =	vld [tilespmem:$0x1FFE0]  }
0x11e: {  	[tilespmem:v19+s10+$0x0] =	vst.idx.msk $0xffff, v17;
	v19 =	vld [tilespmem:$0x1FFF0];
	_ =	sdelay $0x5  }
0x11f: {  	v11 =	vadd.s32 $0xC8B, v10  }
0x120: {  	v17 =	vadd.s32 $0xD34, v10;
	[tilespmem:v18+s10+$0x0] =	vst.idx.msk $0xffff, v11  }
0x121: {  	v11 =	vadd.s32 $0xDDD, v10;
	[tilespmem:v19+s10+$0x0] =	vst.idx.msk $0xffff, v17  }
0x122: {  	v17 =	vadd.s32 $0xE86, v10;
	[tilespmem:v23+s10+$0x0] =	vst.idx.msk $0xffff, v11  }
0x123: {  	v11 =	vadd.s32 $0xF2F, v10;
	[tilespmem:v27+s10+$0x0] =	vst.idx.msk $0xffff, v17  }
0x124: {  	v18 =	vadd.s32 $0xFD8, v10;
	[tilespmem:v25+s10+$0x0] =	vst.idx.msk $0xffff, v11  }
0x125: {  	v11 =	vadd.s32 $0x1081, v10;
	[tilespmem:v28+s10+$0x0] =	vst.idx.msk $0xffff, v18  }
0x126: {  	v19 =	vadd.s32 $0x112A, v10;
	[tilespmem:v24+s10+$0x0] =	vst.idx.msk $0xffff, v11  }
0x127: {  	v11 =	vadd.s32 $0x11D3, v10;
	[tilespmem:v29+s10+$0x0] =	vst.idx.msk $0xffff, v19  }
0x128: {  	v17 =	vadd.s32 $0x127C, v10;
	[tilespmem:v26+s10+$0x0] =	vst.idx.msk $0xffff, v11  }
0x129: {  	v11 =	vadd.s32 $0x1325, v10;
	[tilespmem:v30+s10+$0x0] =	vst.idx.msk $0xffff, v17  }
0x12a: {  	v18 =	vadd.s32 $0x13CE, v10;
	[tilespmem:v31+s10+$0x0] =	vst.idx.msk $0xffff, v11  }
0x12b: {  	v11 =	vadd.s32 $0x1477, v10;
	[tilespmem:v32+s10+$0x0] =	vst.idx.msk $0xffff, v18  }
0x12c: {  	v19 =	vadd.s32 $0x1520, v10;
	[tilespmem:v33+s10+$0x0] =	vst.idx.msk $0xffff, v11  }
0x12d: {  	v11 =	vadd.s32 $0x15C9, v10;
	[tilespmem:v34+s10+$0x0] =	vst.idx.msk $0xffff, v19  }
0x12e: {  	v17 =	vadd.s32 $0x1672, v10;
	[tilespmem:v35+s10+$0x0] =	vst.idx.msk $0xffff, v11  }
0x12f: {  	v11 =	vadd.s32 $0x171B, v10;
	[tilespmem:v36+s10+$0x0] =	vst.idx.msk $0xffff, v17  }
0x130: {  	v18 =	vadd.s32 $0x17C4, v10;
	[tilespmem:v37+s10+$0x0] =	vst.idx.msk $0xffff, v11  }
0x131: {  	v11 =	vadd.s32 $0x186D, v10;
	[tilespmem:v38+s10+$0x0] =	vst.idx.msk $0xffff, v18  }
0x132: {  	v19 =	vadd.s32 $0x1916, v10;
	[tilespmem:v39+s10+$0x0] =	vst.idx.msk $0xffff, v11  }
0x133: {  	v11 =	vadd.s32 $0x19BF, v10;
	[tilespmem:v40+s10+$0x0] =	vst.idx.msk $0xffff, v19  }
0x134: {  	v17 =	vadd.s32 $0x1A68, v10;
	[tilespmem:v41+s10+$0x0] =	vst.idx.msk $0xffff, v11  }
0x135: {  	v11 =	vadd.s32 $0x1B11, v10;
	[tilespmem:v42+s10+$0x0] =	vst.idx.msk $0xffff, v17  }
0x136: {  	v18 =	vadd.s32 $0x1BBA, v10;
	[tilespmem:v43+s10+$0x0] =	vst.idx.msk $0xffff, v11  }
0x137: {  	v11 =	vadd.s32 $0x1C63, v10;
	[tilespmem:v44+s10+$0x0] =	vst.idx.msk $0xffff, v18  }
0x138: {  	v19 =	vadd.s32 $0x1D0C, v10;
	[tilespmem:v45+s10+$0x0] =	vst.idx.msk $0xffff, v11  }
0x139: {  	v11 =	vadd.s32 $0x1DB5, v10;
	[tilespmem:v46+s10+$0x0] =	vst.idx.msk $0xffff, v19  }
0x13a: {  	v17 =	vadd.s32 $0x1E5E, v10;
	[tilespmem:v47+s10+$0x0] =	vst.idx.msk $0xffff, v11  }
0x13b: {  	v11 =	vadd.s32 $0x1F07, v10;
	[tilespmem:v48+s10+$0x0] =	vst.idx.msk $0xffff, v17  }
0x13c: {  	v18 =	vadd.s32 $0x1FB0, v10;
	[tilespmem:v49+s10+$0x0] =	vst.idx.msk $0xffff, v11  }
0x13d: {  	v11 =	vadd.s32 $0x2059, v10;
	[tilespmem:v50+s10+$0x0] =	vst.idx.msk $0xffff, v18  }
0x13e: {  	v19 =	vadd.s32 $0x2102, v10;
	[tilespmem:v51+s10+$0x0] =	vst.idx.msk $0xffff, v11  }
0x13f: {  	v11 =	vadd.s32 $0x21AB, v10;
	[tilespmem:v52+s10+$0x0] =	vst.idx.msk $0xffff, v19  }
0x140: {  	v17 =	vadd.s32 $0x2254, v10;
	[tilespmem:v53+s10+$0x0] =	vst.idx.msk $0xffff, v11  }
0x141: {  	v11 =	vadd.s32 $0x22FD, v10;
	[tilespmem:v54+s10+$0x0] =	vst.idx.msk $0xffff, v17  }
0x142: {  	v18 =	vadd.s32 $0x23A6, v10;
	[tilespmem:v55+s10+$0x0] =	vst.idx.msk $0xffff, v11  }
0x143: {  	v11 =	vadd.s32 $0x244F, v10;
	[tilespmem:v56+s10+$0x0] =	vst.idx.msk $0xffff, v18  }
0x144: {  	v19 =	vadd.s32 $0x24F8, v10;
	[tilespmem:v57+s10+$0x0] =	vst.idx.msk $0xffff, v11  }
0x145: {  	v11 =	vadd.s32 $0x25A1, v10;
	[tilespmem:v58+s10+$0x0] =	vst.idx.msk $0xffff, v19  }
0x146: {  	v17 =	vadd.s32 $0x264A, v10;
	[tilespmem:v59+s10+$0x0] =	vst.idx.msk $0xffff, v11  }
0x147: {  	v11 =	vadd.s32 $0x26F3, v10;
	[tilespmem:v60+s10+$0x0] =	vst.idx.msk $0xffff, v17  }
0x148: {  	v18 =	vadd.s32 $0x279C, v10;
	[tilespmem:v61+s10+$0x0] =	vst.idx.msk $0xffff, v11  }
0x149: {  	v11 =	vadd.s32 $0x2845, v10;
	[tilespmem:v62+s10+$0x0] =	vst.idx.msk $0xffff, v18  }
0x14a: {  	v19 =	vadd.s32 $0x28EE, v10;
	[tilespmem:v63+s10+$0x0] =	vst.idx.msk $0xffff, v11  }
0x14b: {  	v11 =	vadd.s32 $0x2997, v10;
	[tilespmem:v1+s10+$0x0] =	vst.idx.msk $0xffff, v19  }
0x14c: {  	v17 =	vadd.s32 $0x2A40, v10;
	[tilespmem:v2+s10+$0x0] =	vst.idx.msk $0xffff, v11  }
0x14d: {  	v11 =	vadd.s32 $0x2AE9, v10;
	[tilespmem:v3+s10+$0x0] =	vst.idx.msk $0xffff, v17  }
0x14e: {  	v18 =	vadd.s32 $0x2B92, v10;
	[tilespmem:v4+s10+$0x0] =	vst.idx.msk $0xffff, v11  }
0x14f: {  	v11 =	vadd.s32 $0x2C3B, v10;
	[tilespmem:v5+s10+$0x0] =	vst.idx.msk $0xffff, v18  }
0x150: {  	v19 =	vadd.s32 $0x2CE4, v10;
	[tilespmem:v6+s10+$0x0] =	vst.idx.msk $0xffff, v11  }
0x151: {  	v11 =	vadd.s32 $0x2D8D, v10;
	[tilespmem:v7+s10+$0x0] =	vst.idx.msk $0xffff, v19  }
0x152: {  	v10 =	vadd.s32 $0x2E36, v10;
	[tilespmem:v8+s10+$0x0] =	vst.idx.msk $0xffff, v11  }
0x153: {  	[tilespmem:v0+s10+$0x0] =	vst.idx.msk $0xffff, v10  }
0x154: {  	[tilespmem:v9+s10+$0x0] =	vst.idx.msk $0xffff, v16  }
0x155: {  	[tilespmem:s11], [sflag:$0x1] =	stream.indirect.gather [hbm4b:s12+s5], $0x1, s10, s5, $0xb8;
	[tilespmem:$0xE80] =	vst v63  }
0x156: {  	_ = 	snop  }
0x157: {  	[tilespmem:s14], [sflag:$0x1] =	stream.indirect.gather [hbm4b:s12+s5], $0x1, s13, s5, $0xb8;
	[tilespmem:$0xE80] =	vst v63  }
0x158: {  	_ = 	snop  }
0x159: {  	[tilespmem:s16], [sflag:$0x1] =	stream.indirect.gather [hbm4b:s12+s5], $0x1, s15, s5, $0xb8;
	[tilespmem:$0xE80] =	vst v63  }
0x15a: {  	_ = 	snop  }
0x15b: {  	[tilespmem:s18], [sflag:$0x1] =	stream.indirect.gather [hbm4b:s12+s5], $0x1, s17, s5, $0xb8;
	[tilespmem:$0xE80] =	vst v63  }
0x15c: {  	_ = 	snop  }
0x15d: {  	[tilespmem:s20], [sflag:$0x1] =	stream.indirect.gather [hbm4b:s12+s5], $0x1, s19, s5, $0xb8;
	[tilespmem:$0xE80] =	vst v63  }
0x15e: {  	_ = 	snop  }
0x15f: {  	[tilespmem:s22], [sflag:$0x1] =	stream.indirect.gather [hbm4b:s12+s5], $0x1, s21, s5, $0xb8;
	[tilespmem:$0xE80] =	vst v63  }
0x160: {  	_ = 	snop  }
0x161: {  	[tilespmem:s24], [sflag:$0x1] =	stream.indirect.gather [hbm4b:s12+s5], $0x1, s23, s5, $0xb8;
	[tilespmem:$0xE80] =	vst v63  }
0x162: {  	_ = 	snop  }
0x163: {  	[tilespmem:s26], [sflag:$0x1] =	stream.indirect.gather [hbm4b:s12+s5], $0x1, s25, s5, $0xb8;
	[tilespmem:$0xE80] =	vst v63  }
0x164: {  	_ = 	snop  }
0x165: {  	[tilespmem:s29], [sflag:$0x1] =	stream.indirect.gather [hbm4b:s12+s5], $0x1, s28, s5, $0xb8;
	[tilespmem:$0xE80] =	vst v63  }
0x166: {  	_ =	swait.ge [sflag:s30], $0x80  }
0x167: {  	[sflag:s30] =	ssyncset.done $0x0  }
0x168: {  	[sflag:s30] =	ssyncadd.s32 $0xFFFFFF80  }
0x169: {  	_ =	swait.ge [sflag:s30], $0x80  }
0x16a: {  	[sflag:s30] =	ssyncset.done $0x0  }
0x16b: {  	[sflag:s30] =	ssyncadd.s32 $0xFFFFFF80  }
0x16c: {  	_ =	swait.ge [sflag:s30], $0x80  }
0x16d: {  	[sflag:s30] =	ssyncset.done $0x0  }
0x16e: {  	[sflag:s30] =	ssyncadd.s32 $0xFFFFFF80  }
0x16f: {  	_ =	swait.ge [sflag:s30], $0x80  }
0x170: {  	[sflag:s30] =	ssyncset.done $0x0  }
0x171: {  	[sflag:s30] =	ssyncadd.s32 $0xFFFFFF80  }
0x172: {  	_ =	swait.ge [sflag:s30], $0x80  }
0x173: {  	[sflag:s30] =	ssyncset.done $0x0  }
0x174: {  	[sflag:s30] =	ssyncadd.s32 $0xFFFFFF80  }
0x175: {  	_ =	swait.ge [sflag:s30], $0x80  }
0x176: {  	[sflag:s30] =	ssyncset.done $0x0  }
0x177: {  	[sflag:s30] =	ssyncadd.s32 $0xFFFFFF80  }
0x178: {  	_ =	swait.ge [sflag:s30], $0x80  }
0x179: {  	[sflag:s30] =	ssyncset.done $0x0  }
0x17a: {  	[sflag:s30] =	ssyncadd.s32 $0xFFFFFF80  }
0x17b: {  	p0 =	sne.s32 s0, $0x1;
	_ =	swait.ge [sflag:s30], $0x80  }
.Ltmp2:
0x17c: {  	[sflag:s30] =	ssyncset.done $0x0;
	(pc) =	sbr.rel @p0 .LBB2_2-.Ltmp2, $4  }
0x17d: {  	[sflag:s30] =	ssyncadd.s32 $0xFFFFFF80  }
0x17e: {  	_ =	swait.ge [sflag:s30], $0x80  }
0x17f: {  	[sflag:s30] =	ssyncset.done $0x0  }
0x180: {  	s0 =	sadd.s32 $0xFFFFFFFF, s0;
	[sflag:s30] =	ssyncadd.s32 $0xFFFFFF80  }
.LBB2_3:
0x181: {  	[hbm4b:s31+s2] =	stream.linear.scatter [tilespmem:s11], [sflag:$0x2], $0x470, $0x38;
	[tilespmem:$0xE80] =	vst v63  }
0x182: {  	_ =	swait.ge [sflag:s3], $0x470  }
0x183: {  	[sflag:s3] =	ssyncset.done $0x0  }
0x184: {  	[sflag:s3] =	ssyncadd.s32 $0xFFFFFB90  }
0x185: {  	s5 =	stileid.u32;
	s0 =	rddreg [dreg:$0x2]  }
.LBB2_4:
0x186: {  	_ =	sfence.sel $0x180000  }
0x187: {  	[bflag:$0x0] =	sbarrier.arrive $0xFFFF  }
0x188: {  	p0 =	sne.s32 s5, $0x0;
	_ =	strace $0x90000047  }
0x189: {  	s0 =	sadd.s32 @!p0 $0x100000, s0;
	[bflag:$0x2] =	sbarrier.arrive $0xFFFF  }
0x18a: {  	[sflag:s0] =	ssyncadd.tile.s32 @!p0 $0x1;
	_ =	shalt  }
.Lfunc_end2:
_tile_overlayer_lowered:
.L_overlay_start_2:
0x18b: {  	(tag) =	ssettag $0x2  }
0x18c: {  	s0 =	rddreg [dreg:$0x0];
	s2 =	stileid.u32  }
0x18d: {  	s1 =	rddreg [dreg:$0x1];
	p0 =	sne.s32 s2, $0x0  }
0x18e: {  	s3 =	rddreg [dreg:$0x2];
	[bflag:$0x3] =	sbarrier.arrive $0xFFFF;
	s2 =	simm.s32 @!p0 $0x1C02  }
0x18f: {  	[timem:s3], [sflag:s2] =	dma.local @!p0 [hbm:s0], s1  }
0x190: {  	s0 =	simm.s32 @!p0 $0x2  }
0x191: {  	_ =	swait.ge @!p0 [sflag:s0], s1  }
0x192: {  	s1 =	ssub.s32 @!p0 $0x0, s1;
	[sflag:s0] =	ssyncset.done @!p0 $0x0  }
0x193: {  	[sflag:s0] =	ssyncadd.s32 @!p0 s1  }
0x194: {  	[bflag:$0x3] =	sbarrier.arrive $0xFFFF  }
0x195: {  	_ =	shalt  }

</sc_bundles>
